<compile_context>
chip_gen: v7x
topology: tpu7x:2x2x1
jax: 0.10.2.dev20260603
libtpu: 0.0.44.dev20260713+nightly
codegen_flags: <defaults>
</compile_context>

<pallas_src>
import functools

import jax
import jax.numpy as jnp
from jax import lax
from jax.experimental import pallas as pl
from jax.experimental.pallas import tpu as pltpu
from jax.experimental.pallas import tpu_sc as plsc

B, S, D = 4, 4096, 2048
NC, NS, L = 2, 16, 16
NW = NC * NS
SEQ_PER_W = S // NW
R = 8
CHUNKS = SEQ_PER_W // R
CH_W = R * D
NBUF = 4
DEPTH = 2

TC_B = B - 1
BS = 512


def _sc_body(x_hbm, pos_hbm, out_hbm,
             x0, x1, x2, x3, p0, p1,
             sl0, sl1, sl2, sl3, ss0, ss1, ss2, ss3, sp0, sp1):
    wid = lax.axis_index("s") * NC + lax.axis_index("c")
    base = wid * SEQ_PER_W * D

    xbuf = (x0, x1, x2, x3)
    lsem = (sl0, sl1, sl2, sl3)
    ssem = (ss0, ss1, ss2, ss3)
    pbuf = (p0, p1)
    psem = (sp0, sp1)

    def start_load(u):
        return pltpu.async_copy(
            x_hbm.at[pl.ds(base + u * CH_W, CH_W)], xbuf[u % NBUF],
            lsem[u % NBUF])

    def start_pos(u):
        return pltpu.async_copy(
            pos_hbm.at[pl.ds(base + u * CH_W, CH_W)], pbuf[u % 2],
            psem[u % 2])

    load_d = [None] * CHUNKS
    store_d = [None] * CHUNKS
    pos_d = [None] * CHUNKS

    for u in range(DEPTH):
        load_d[u] = start_load(u)
    pos_d[0] = start_pos(0)

    for u in range(CHUNKS):
        cur = xbuf[u % NBUF]
        pos_v = pbuf[u % 2]
        if u + DEPTH < CHUNKS:
            prev = u + DEPTH - NBUF
            if prev >= 0:
                store_d[prev].wait()
            load_d[u + DEPTH] = start_load(u + DEPTH)
        pos_d[u].wait()
        if u + 1 < CHUNKS:
            pos_d[u + 1] = start_pos(u + 1)
        load_d[u].wait()

        @plsc.parallel_loop(0, CH_W // L, unroll=16)
        def add_body(i):
            sl = pl.ds(i * L, L)
            plsc.addupdate(cur.at[sl], pos_v[sl])

        store_d[u] = pltpu.async_copy(
            cur, out_hbm.at[pl.ds(base + u * CH_W, CH_W)], ssem[u % NBUF])

    for u in range(CHUNKS - NBUF, CHUNKS):
        store_d[u].wait()


@jax.jit
def _hybrid(x, pos_table):
    mesh = plsc.VectorSubcoreMesh(core_axis_name="c", subcore_axis_name="s")
    sc_out = pl.kernel(
        _sc_body,
        mesh=mesh,
        out_type=jax.ShapeDtypeStruct((S * D,), jnp.float32),
        scratch_types=(
            [pltpu.VMEM((CH_W,), jnp.float32)] * (NBUF + 2)
            + [pltpu.SemaphoreType.DMA] * (NBUF * 2 + 2)
        ),
    )(x[0].reshape(-1), pos_table.reshape(-1))

    def tc_body(x_ref, p_ref, o_ref):
        o_ref[...] = x_ref[...] + p_ref[...]

    tc_full = pl.pallas_call(
        tc_body,
        grid=(S // BS, TC_B),
        in_specs=[
            pl.BlockSpec((1, BS, D), lambda i, b: (b + 1, i, 0)),
            pl.BlockSpec((BS, D), lambda i, b: (i, 0)),
        ],
        out_specs=pl.BlockSpec((1, BS, D), lambda i, b: (b + 1, i, 0)),
        out_shape=jax.ShapeDtypeStruct((B, S, D), jnp.float32),
    )(x, pos_table)

    return lax.dynamic_update_slice(tc_full, sc_out.reshape(1, S, D),
                                    (0, 0, 0))


def kernel(x, pos_table):
    return _hybrid(x, pos_table)

# --- scband reference (transcript-rebuilt; emitter-appended) ---
"""Pipeline reference for scband-positional-encoding-24885040513684 (READ-ONLY COPY).

The authoritative reference and input builder live on the scoring server;
editing this copy changes nothing except your own understanding.
"""

import jax, jax.numpy as jnp
import numpy as np

MAX_LEN = 8192
MODEL_DIM = 2048
BATCH = 4
SEQ = 4096

def setup_inputs(seed: int = 0) -> dict:
    key = jax.random.key(seed)
    k1, k2 = jax.random.split(key)
    x = jax.random.normal(k1, (BATCH, SEQ, MODEL_DIM), dtype=jnp.float32)
    pos_table = jax.random.normal(k2, (MAX_LEN, MODEL_DIM), dtype=jnp.float32)
    return {"x": x, "pos_table": pos_table}

def reference(x, pos_table):
    seq_length = x.shape[1]
    positions = jnp.arange(0, seq_length)[None, :]  # [1, S]
    pos_embeds = jnp.take(pos_table, positions, axis=0)  # [1, S, D] embedding gather
    return x + pos_embeds

if __name__ == "__main__":
    import jax
    _d = setup_inputs()
    print(jax.jit(kernel)(*tuple(_d.values())))

</pallas_src>

<mosaic_0001>
#map = affine_map<(d0, d1) -> (0)>
module attributes {stable_mosaic.version = 14 : i64} {
  func.func @_sc_body(%arg0: i32, %arg1: i32, %arg2: memref<8388608xf32, #tpu.memory_space<hbm>>, %arg3: memref<16777216xf32, #tpu.memory_space<hbm>>, %arg4: memref<8388608xf32, #tpu.memory_space<hbm>>, %arg5: memref<16384xf32, #tpu.memory_space<vmem>>, %arg6: memref<16384xf32, #tpu.memory_space<vmem>>, %arg7: memref<16384xf32, #tpu.memory_space<vmem>>, %arg8: memref<16384xf32, #tpu.memory_space<vmem>>, %arg9: memref<16384xf32, #tpu.memory_space<vmem>>, %arg10: memref<16384xf32, #tpu.memory_space<vmem>>, %arg11: memref<!tpu.dma_semaphore, #tpu.memory_space<semaphore_mem>>, %arg12: memref<!tpu.dma_semaphore, #tpu.memory_space<semaphore_mem>>, %arg13: memref<!tpu.dma_semaphore, #tpu.memory_space<semaphore_mem>>, %arg14: memref<!tpu.dma_semaphore, #tpu.memory_space<semaphore_mem>>, %arg15: memref<!tpu.dma_semaphore, #tpu.memory_space<semaphore_mem>>, %arg16: memref<!tpu.dma_semaphore, #tpu.memory_space<semaphore_mem>>, %arg17: memref<!tpu.dma_semaphore, #tpu.memory_space<semaphore_mem>>, %arg18: memref<!tpu.dma_semaphore, #tpu.memory_space<semaphore_mem>>, %arg19: memref<!tpu.dma_semaphore, #tpu.memory_space<semaphore_mem>>, %arg20: memref<!tpu.dma_semaphore, #tpu.memory_space<semaphore_mem>>) attributes {dimension_semantics = [#tpu.dimension_semantics<core_parallel>, #tpu.dimension_semantics<subcore_parallel>], iteration_bounds = array<i64: 2, 16>, scalar_prefetch = 0 : i64, scratch_operands = 16 : i64, tpu.core_type = #tpu.core_type<sc_vector_subcore>, window_params = [{transform_indices = #map}, {transform_indices = #map}, {transform_indices = #map}]} {
    %mul3A = arith.constant 2 : i32
    %mul3A_0 = arith.muli %arg1, %mul3A : i32
    %add3A = arith.addi %mul3A_0, %arg0 : i32
    %mul3A_1 = arith.constant 128 : i32
    %mul3A_2 = arith.muli %add3A, %mul3A_1 : i32
    %mul3A_3 = arith.constant 2048 : i32
    %mul3A_4 = arith.muli %mul3A_2, %mul3A_3 : i32
    %add3A_5 = arith.constant 0 : i32
    %add3A_6 = arith.addi %mul3A_4, %add3A_5 : i32
    %dma_start3A = tpu.memref_slice %arg2[%add3A_6] : memref<8388608xf32, #tpu.memory_space<hbm>> -> memref<16384xf32, #tpu.memory_space<hbm>>
    %dma_start3A_7 = tpu.memref_slice %arg2[%add3A_6] : memref<8388608xf32, #tpu.memory_space<hbm>> -> memref<16384xf32, #tpu.memory_space<hbm>>
    tpu.enqueue_dma source(%dma_start3A_7 : memref<16384xf32, #tpu.memory_space<hbm>>) target(%arg5 : memref<16384xf32, #tpu.memory_space<vmem>>) target_semaphore(%arg11 : memref<!tpu.dma_semaphore, #tpu.memory_space<semaphore_mem>>)
    %add3A_8 = arith.constant 16384 : i32
    %add3A_9 = arith.addi %mul3A_4, %add3A_8 : i32
    %dma_start3A_10 = tpu.memref_slice %arg2[%add3A_9] : memref<8388608xf32, #tpu.memory_space<hbm>> -> memref<16384xf32, #tpu.memory_space<hbm>>
    %dma_start3A_11 = tpu.memref_slice %arg2[%add3A_9] : memref<8388608xf32, #tpu.memory_space<hbm>> -> memref<16384xf32, #tpu.memory_space<hbm>>
    tpu.enqueue_dma source(%dma_start3A_11 : memref<16384xf32, #tpu.memory_space<hbm>>) target(%arg6 : memref<16384xf32, #tpu.memory_space<vmem>>) target_semaphore(%arg12 : memref<!tpu.dma_semaphore, #tpu.memory_space<semaphore_mem>>)
    %add3A_12 = arith.constant 0 : i32
    %add3A_13 = arith.addi %mul3A_4, %add3A_12 : i32
    %dma_start3A_14 = tpu.memref_slice %arg3[%add3A_13] : memref<16777216xf32, #tpu.memory_space<hbm>> -> memref<16384xf32, #tpu.memory_space<hbm>>
    %dma_start3A_15 = tpu.memref_slice %arg3[%add3A_13] : memref<16777216xf32, #tpu.memory_space<hbm>> -> memref<16384xf32, #tpu.memory_space<hbm>>
    tpu.enqueue_dma source(%dma_start3A_15 : memref<16384xf32, #tpu.memory_space<hbm>>) target(%arg9 : memref<16384xf32, #tpu.memory_space<vmem>>) target_semaphore(%arg19 : memref<!tpu.dma_semaphore, #tpu.memory_space<semaphore_mem>>)
    %add3A_16 = arith.constant 32768 : i32
    %add3A_17 = arith.addi %mul3A_4, %add3A_16 : i32
    %dma_start3A_18 = tpu.memref_slice %arg2[%add3A_17] : memref<8388608xf32, #tpu.memory_space<hbm>> -> memref<16384xf32, #tpu.memory_space<hbm>>
    %dma_start3A_19 = tpu.memref_slice %arg2[%add3A_17] : memref<8388608xf32, #tpu.memory_space<hbm>> -> memref<16384xf32, #tpu.memory_space<hbm>>
    tpu.enqueue_dma source(%dma_start3A_19 : memref<16384xf32, #tpu.memory_space<hbm>>) target(%arg7 : memref<16384xf32, #tpu.memory_space<vmem>>) target_semaphore(%arg13 : memref<!tpu.dma_semaphore, #tpu.memory_space<semaphore_mem>>)
    %dma_wait3A = tpu.memref_slice %arg3[%add3A_13] : memref<16777216xf32, #tpu.memory_space<hbm>> -> memref<16384xf32, #tpu.memory_space<hbm>>
    %dma_wait3A_20 = tpu.memref_slice %arg3[%add3A_13] : memref<16777216xf32, #tpu.memory_space<hbm>> -> memref<16384xf32, #tpu.memory_space<hbm>>
    tpu.wait_dma2 semaphore(%arg19 : memref<!tpu.dma_semaphore, #tpu.memory_space<semaphore_mem>>) src(%dma_wait3A_20 : memref<16384xf32, #tpu.memory_space<hbm>>) dst(%arg9 : memref<16384xf32, #tpu.memory_space<vmem>>)
    %add3A_21 = arith.constant 16384 : i32
    %add3A_22 = arith.addi %mul3A_4, %add3A_21 : i32
    %dma_start3A_23 = tpu.memref_slice %arg3[%add3A_22] : memref<16777216xf32, #tpu.memory_space<hbm>> -> memref<16384xf32, #tpu.memory_space<hbm>>
    %dma_start3A_24 = tpu.memref_slice %arg3[%add3A_22] : memref<16777216xf32, #tpu.memory_space<hbm>> -> memref<16384xf32, #tpu.memory_space<hbm>>
    tpu.enqueue_dma source(%dma_start3A_24 : memref<16384xf32, #tpu.memory_space<hbm>>) target(%arg10 : memref<16384xf32, #tpu.memory_space<vmem>>) target_semaphore(%arg20 : memref<!tpu.dma_semaphore, #tpu.memory_space<semaphore_mem>>)
    %dma_wait3A_25 = tpu.memref_slice %arg2[%add3A_6] : memref<8388608xf32, #tpu.memory_space<hbm>> -> memref<16384xf32, #tpu.memory_space<hbm>>
    %dma_wait3A_26 = tpu.memref_slice %arg2[%add3A_6] : memref<8388608xf32, #tpu.memory_space<hbm>> -> memref<16384xf32, #tpu.memory_space<hbm>>
    tpu.wait_dma2 semaphore(%arg11 : memref<!tpu.dma_semaphore, #tpu.memory_space<semaphore_mem>>) src(%dma_wait3A_26 : memref<16384xf32, #tpu.memory_space<hbm>>) dst(%arg5 : memref<16384xf32, #tpu.memory_space<vmem>>)
    %parallel_loop3A = arith.constant 0 : i32
    %parallel_loop3A_27 = arith.constant 1024 : i32
    %parallel_loop3A_28 = arith.constant 1 : i32
    scf.for %parallel_loop3A_338 = %parallel_loop3A to %parallel_loop3A_27 step %parallel_loop3A_28  : i32 {
      %parallel_loop3A_339 = arith.constant 16 : i32
      %parallel_loop3A_340 = arith.muli %parallel_loop3A_338, %parallel_loop3A_339 : i32
      %parallel_loop3A_341 = arith.index_cast %parallel_loop3A_340 : i32 to index
      %parallel_loop3A_342 = tpu.vector_load %arg9[%parallel_loop3A_341] {strides = array<i32>} : memref<16384xf32, #tpu.memory_space<vmem>>, vector<16xf32>,
      %parallel_loop3A_343 = vector.shape_cast %parallel_loop3A_342 : vector<16xf32> to vector<16xf32>
      %parallel_loop3A_344 = arith.index_cast %parallel_loop3A_340 : i32 to index
      %parallel_loop3A_345 = tpu.vector_load %arg5[%parallel_loop3A_344] {strides = array<i32>} : memref<16384xf32, #tpu.memory_space<vmem>>, vector<16xf32>,
      %parallel_loop3A_346 = vector.shape_cast %parallel_loop3A_345 : vector<16xf32> to vector<16xf32>
      %parallel_loop3A_347 = vector.shape_cast %parallel_loop3A_343 : vector<16xf32> to vector<16xf32>
      tpu.vector_store %arg5[%parallel_loop3A_344], %parallel_loop3A_347 {add = true, strides = array<i32>} : memref<16384xf32, #tpu.memory_space<vmem>>, vector<16xf32>,
    } {sc.loop_unroll_factor = 16 : i64, sc.parallel_access}
    %add3A_29 = arith.constant 0 : i32
    %add3A_30 = arith.addi %mul3A_4, %add3A_29 : i32
    %dma_start3A_31 = tpu.memref_slice %arg4[%add3A_30] : memref<8388608xf32, #tpu.memory_space<hbm>> -> memref<16384xf32, #tpu.memory_space<hbm>>
    %dma_start3A_32 = tpu.memref_slice %arg4[%add3A_30] : memref<8388608xf32, #tpu.memory_space<hbm>> -> memref<16384xf32, #tpu.memory_space<hbm>>
    tpu.enqueue_dma source(%arg5 : memref<16384xf32, #tpu.memory_space<vmem>>) target(%dma_start3A_32 : memref<16384xf32, #tpu.memory_space<hbm>>) target_semaphore(%arg15 : memref<!tpu.dma_semaphore, #tpu.memory_space<semaphore_mem>>)
    %add3A_33 = arith.constant 49152 : i32
    %add3A_34 = arith.addi %mul3A_4, %add3A_33 : i32
    %dma_start3A_35 = tpu.memref_slice %arg2[%add3A_34] : memref<8388608xf32, #tpu.memory_space<hbm>> -> memref<16384xf32, #tpu.memory_space<hbm>>
    %dma_start3A_36 = tpu.memref_slice %arg2[%add3A_34] : memref<8388608xf32, #tpu.memory_space<hbm>> -> memref<16384xf32, #tpu.memory_space<hbm>>
    tpu.enqueue_dma source(%dma_start3A_36 : memref<16384xf32, #tpu.memory_space<hbm>>) target(%arg8 : memref<16384xf32, #tpu.memory_space<vmem>>) target_semaphore(%arg14 : memref<!tpu.dma_semaphore, #tpu.memory_space<semaphore_mem>>)
    %dma_wait3A_37 = tpu.memref_slice %arg3[%add3A_22] : memref<16777216xf32, #tpu.memory_space<hbm>> -> memref<16384xf32, #tpu.memory_space<hbm>>
    %dma_wait3A_38 = tpu.memref_slice %arg3[%add3A_22] : memref<16777216xf32, #tpu.memory_space<hbm>> -> memref<16384xf32, #tpu.memory_space<hbm>>
    tpu.wait_dma2 semaphore(%arg20 : memref<!tpu.dma_semaphore, #tpu.memory_space<semaphore_mem>>) src(%dma_wait3A_38 : memref<16384xf32, #tpu.memory_space<hbm>>) dst(%arg10 : memref<16384xf32, #tpu.memory_space<vmem>>)
    %add3A_39 = arith.constant 32768 : i32
    %add3A_40 = arith.addi %mul3A_4, %add3A_39 : i32
    %dma_start3A_41 = tpu.memref_slice %arg3[%add3A_40] : memref<16777216xf32, #tpu.memory_space<hbm>> -> memref<16384xf32, #tpu.memory_space<hbm>>
    %dma_start3A_42 = tpu.memref_slice %arg3[%add3A_40] : memref<16777216xf32, #tpu.memory_space<hbm>> -> memref<16384xf32, #tpu.memory_space<hbm>>
    tpu.enqueue_dma source(%dma_start3A_42 : memref<16384xf32, #tpu.memory_space<hbm>>) target(%arg9 : memref<16384xf32, #tpu.memory_space<vmem>>) target_semaphore(%arg19 : memref<!tpu.dma_semaphore, #tpu.memory_space<semaphore_mem>>)
    %dma_wait3A_43 = tpu.memref_slice %arg2[%add3A_9] : memref<8388608xf32, #tpu.memory_space<hbm>> -> memref<16384xf32, #tpu.memory_space<hbm>>
    %dma_wait3A_44 = tpu.memref_slice %arg2[%add3A_9] : memref<8388608xf32, #tpu.memory_space<hbm>> -> memref<16384xf32, #tpu.memory_space<hbm>>
    tpu.wait_dma2 semaphore(%arg12 : memref<!tpu.dma_semaphore, #tpu.memory_space<semaphore_mem>>) src(%dma_wait3A_44 : memref<16384xf32, #tpu.memory_space<hbm>>) dst(%arg6 : memref<16384xf32, #tpu.memory_space<vmem>>)
    %parallel_loop3A_45 = arith.constant 0 : i32
    %parallel_loop3A_46 = arith.constant 1024 : i32
    %parallel_loop3A_47 = arith.constant 1 : i32
    scf.for %parallel_loop3A_338 = %parallel_loop3A_45 to %parallel_loop3A_46 step %parallel_loop3A_47  : i32 {
      %parallel_loop3A_339 = arith.constant 16 : i32
      %parallel_loop3A_340 = arith.muli %parallel_loop3A_338, %parallel_loop3A_339 : i32
      %parallel_loop3A_341 = arith.index_cast %parallel_loop3A_340 : i32 to index
      %parallel_loop3A_342 = tpu.vector_load %arg10[%parallel_loop3A_341] {strides = array<i32>} : memref<16384xf32, #tpu.memory_space<vmem>>, vector<16xf32>,
      %parallel_loop3A_343 = vector.shape_cast %parallel_loop3A_342 : vector<16xf32> to vector<16xf32>
      %parallel_loop3A_344 = arith.index_cast %parallel_loop3A_340 : i32 to index
      %parallel_loop3A_345 = tpu.vector_load %arg6[%parallel_loop3A_344] {strides = array<i32>} : memref<16384xf32, #tpu.memory_space<vmem>>, vector<16xf32>,
      %parallel_loop3A_346 = vector.shape_cast %parallel_loop3A_345 : vector<16xf32> to vector<16xf32>
      %parallel_loop3A_347 = vector.shape_cast %parallel_loop3A_343 : vector<16xf32> to vector<16xf32>
      tpu.vector_store %arg6[%parallel_loop3A_344], %parallel_loop3A_347 {add = true, strides = array<i32>} : memref<16384xf32, #tpu.memory_space<vmem>>, vector<16xf32>,
    } {sc.loop_unroll_factor = 16 : i64, sc.parallel_access}
    %add3A_48 = arith.constant 16384 : i32
    %add3A_49 = arith.addi %mul3A_4, %add3A_48 : i32
    %dma_start3A_50 = tpu.memref_slice %arg4[%add3A_49] : memref<8388608xf32, #tpu.memory_space<hbm>> -> memref<16384xf32, #tpu.memory_space<hbm>>
    %dma_start3A_51 = tpu.memref_slice %arg4[%add3A_49] : memref<8388608xf32, #tpu.memory_space<hbm>> -> memref<16384xf32, #tpu.memory_space<hbm>>
    tpu.enqueue_dma source(%arg6 : memref<16384xf32, #tpu.memory_space<vmem>>) target(%dma_start3A_51 : memref<16384xf32, #tpu.memory_space<hbm>>) target_semaphore(%arg16 : memref<!tpu.dma_semaphore, #tpu.memory_space<semaphore_mem>>)
    %dma_wait3A_52 = tpu.memref_slice %arg4[%add3A_30] : memref<8388608xf32, #tpu.memory_space<hbm>> -> memref<16384xf32, #tpu.memory_space<hbm>>
    %dma_wait3A_53 = tpu.memref_slice %arg4[%add3A_30] : memref<8388608xf32, #tpu.memory_space<hbm>> -> memref<16384xf32, #tpu.memory_space<hbm>>
    tpu.wait_dma2 semaphore(%arg15 : memref<!tpu.dma_semaphore, #tpu.memory_space<semaphore_mem>>) src(%arg5 : memref<16384xf32, #tpu.memory_space<vmem>>) dst(%dma_wait3A_53 : memref<16384xf32, #tpu.memory_space<hbm>>)
    %add3A_54 = arith.constant 65536 : i32
    %add3A_55 = arith.addi %mul3A_4, %add3A_54 : i32
    %dma_start3A_56 = tpu.memref_slice %arg2[%add3A_55] : memref<8388608xf32, #tpu.memory_space<hbm>> -> memref<16384xf32, #tpu.memory_space<hbm>>
    %dma_start3A_57 = tpu.memref_slice %arg2[%add3A_55] : memref<8388608xf32, #tpu.memory_space<hbm>> -> memref<16384xf32, #tpu.memory_space<hbm>>
    tpu.enqueue_dma source(%dma_start3A_57 : memref<16384xf32, #tpu.memory_space<hbm>>) target(%arg5 : memref<16384xf32, #tpu.memory_space<vmem>>) target_semaphore(%arg11 : memref<!tpu.dma_semaphore, #tpu.memory_space<semaphore_mem>>)
    %dma_wait3A_58 = tpu.memref_slice %arg3[%add3A_40] : memref<16777216xf32, #tpu.memory_space<hbm>> -> memref<16384xf32, #tpu.memory_space<hbm>>
    %dma_wait3A_59 = tpu.memref_slice %arg3[%add3A_40] : memref<16777216xf32, #tpu.memory_space<hbm>> -> memref<16384xf32, #tpu.memory_space<hbm>>
    tpu.wait_dma2 semaphore(%arg19 : memref<!tpu.dma_semaphore, #tpu.memory_space<semaphore_mem>>) src(%dma_wait3A_59 : memref<16384xf32, #tpu.memory_space<hbm>>) dst(%arg9 : memref<16384xf32, #tpu.memory_space<vmem>>)
    %add3A_60 = arith.constant 49152 : i32
    %add3A_61 = arith.addi %mul3A_4, %add3A_60 : i32
    %dma_start3A_62 = tpu.memref_slice %arg3[%add3A_61] : memref<16777216xf32, #tpu.memory_space<hbm>> -> memref<16384xf32, #tpu.memory_space<hbm>>
    %dma_start3A_63 = tpu.memref_slice %arg3[%add3A_61] : memref<16777216xf32, #tpu.memory_space<hbm>> -> memref<16384xf32, #tpu.memory_space<hbm>>
    tpu.enqueue_dma source(%dma_start3A_63 : memref<16384xf32, #tpu.memory_space<hbm>>) target(%arg10 : memref<16384xf32, #tpu.memory_space<vmem>>) target_semaphore(%arg20 : memref<!tpu.dma_semaphore, #tpu.memory_space<semaphore_mem>>)
    %dma_wait3A_64 = tpu.memref_slice %arg2[%add3A_17] : memref<8388608xf32, #tpu.memory_space<hbm>> -> memref<16384xf32, #tpu.memory_space<hbm>>
    %dma_wait3A_65 = tpu.memref_slice %arg2[%add3A_17] : memref<8388608xf32, #tpu.memory_space<hbm>> -> memref<16384xf32, #tpu.memory_space<hbm>>
    tpu.wait_dma2 semaphore(%arg13 : memref<!tpu.dma_semaphore, #tpu.memory_space<semaphore_mem>>) src(%dma_wait3A_65 : memref<16384xf32, #tpu.memory_space<hbm>>) dst(%arg7 : memref<16384xf32, #tpu.memory_space<vmem>>)
    %parallel_loop3A_66 = arith.constant 0 : i32
    %parallel_loop3A_67 = arith.constant 1024 : i32
    %parallel_loop3A_68 = arith.constant 1 : i32
    scf.for %parallel_loop3A_338 = %parallel_loop3A_66 to %parallel_loop3A_67 step %parallel_loop3A_68  : i32 {
      %parallel_loop3A_339 = arith.constant 16 : i32
      %parallel_loop3A_340 = arith.muli %parallel_loop3A_338, %parallel_loop3A_339 : i32
      %parallel_loop3A_341 = arith.index_cast %parallel_loop3A_340 : i32 to index
      %parallel_loop3A_342 = tpu.vector_load %arg9[%parallel_loop3A_341] {strides = array<i32>} : memref<16384xf32, #tpu.memory_space<vmem>>, vector<16xf32>,
      %parallel_loop3A_343 = vector.shape_cast %parallel_loop3A_342 : vector<16xf32> to vector<16xf32>
      %parallel_loop3A_344 = arith.index_cast %parallel_loop3A_340 : i32 to index
      %parallel_loop3A_345 = tpu.vector_load %arg7[%parallel_loop3A_344] {strides = array<i32>} : memref<16384xf32, #tpu.memory_space<vmem>>, vector<16xf32>,
      %parallel_loop3A_346 = vector.shape_cast %parallel_loop3A_345 : vector<16xf32> to vector<16xf32>
      %parallel_loop3A_347 = vector.shape_cast %parallel_loop3A_343 : vector<16xf32> to vector<16xf32>
      tpu.vector_store %arg7[%parallel_loop3A_344], %parallel_loop3A_347 {add = true, strides = array<i32>} : memref<16384xf32, #tpu.memory_space<vmem>>, vector<16xf32>,
    } {sc.loop_unroll_factor = 16 : i64, sc.parallel_access}
    %add3A_69 = arith.constant 32768 : i32
    %add3A_70 = arith.addi %mul3A_4, %add3A_69 : i32
    %dma_start3A_71 = tpu.memref_slice %arg4[%add3A_70] : memref<8388608xf32, #tpu.memory_space<hbm>> -> memref<16384xf32, #tpu.memory_space<hbm>>
    %dma_start3A_72 = tpu.memref_slice %arg4[%add3A_70] : memref<8388608xf32, #tpu.memory_space<hbm>> -> memref<16384xf32, #tpu.memory_space<hbm>>
    tpu.enqueue_dma source(%arg7 : memref<16384xf32, #tpu.memory_space<vmem>>) target(%dma_start3A_72 : memref<16384xf32, #tpu.memory_space<hbm>>) target_semaphore(%arg17 : memref<!tpu.dma_semaphore, #tpu.memory_space<semaphore_mem>>)
    %dma_wait3A_73 = tpu.memref_slice %arg4[%add3A_49] : memref<8388608xf32, #tpu.memory_space<hbm>> -> memref<16384xf32, #tpu.memory_space<hbm>>
    %dma_wait3A_74 = tpu.memref_slice %arg4[%add3A_49] : memref<8388608xf32, #tpu.memory_space<hbm>> -> memref<16384xf32, #tpu.memory_space<hbm>>
    tpu.wait_dma2 semaphore(%arg16 : memref<!tpu.dma_semaphore, #tpu.memory_space<semaphore_mem>>) src(%arg6 : memref<16384xf32, #tpu.memory_space<vmem>>) dst(%dma_wait3A_74 : memref<16384xf32, #tpu.memory_space<hbm>>)
    %add3A_75 = arith.constant 81920 : i32
    %add3A_76 = arith.addi %mul3A_4, %add3A_75 : i32
    %dma_start3A_77 = tpu.memref_slice %arg2[%add3A_76] : memref<8388608xf32, #tpu.memory_space<hbm>> -> memref<16384xf32, #tpu.memory_space<hbm>>
    %dma_start3A_78 = tpu.memref_slice %arg2[%add3A_76] : memref<8388608xf32, #tpu.memory_space<hbm>> -> memref<16384xf32, #tpu.memory_space<hbm>>
    tpu.enqueue_dma source(%dma_start3A_78 : memref<16384xf32, #tpu.memory_space<hbm>>) target(%arg6 : memref<16384xf32, #tpu.memory_space<vmem>>) target_semaphore(%arg12 : memref<!tpu.dma_semaphore, #tpu.memory_space<semaphore_mem>>)
    %dma_wait3A_79 = tpu.memref_slice %arg3[%add3A_61] : memref<16777216xf32, #tpu.memory_space<hbm>> -> memref<16384xf32, #tpu.memory_space<hbm>>
    %dma_wait3A_80 = tpu.memref_slice %arg3[%add3A_61] : memref<16777216xf32, #tpu.memory_space<hbm>> -> memref<16384xf32, #tpu.memory_space<hbm>>
    tpu.wait_dma2 semaphore(%arg20 : memref<!tpu.dma_semaphore, #tpu.memory_space<semaphore_mem>>) src(%dma_wait3A_80 : memref<16384xf32, #tpu.memory_space<hbm>>) dst(%arg10 : memref<16384xf32, #tpu.memory_space<vmem>>)
    %add3A_81 = arith.constant 65536 : i32
    %add3A_82 = arith.addi %mul3A_4, %add3A_81 : i32
    %dma_start3A_83 = tpu.memref_slice %arg3[%add3A_82] : memref<16777216xf32, #tpu.memory_space<hbm>> -> memref<16384xf32, #tpu.memory_space<hbm>>
    %dma_start3A_84 = tpu.memref_slice %arg3[%add3A_82] : memref<16777216xf32, #tpu.memory_space<hbm>> -> memref<16384xf32, #tpu.memory_space<hbm>>
    tpu.enqueue_dma source(%dma_start3A_84 : memref<16384xf32, #tpu.memory_space<hbm>>) target(%arg9 : memref<16384xf32, #tpu.memory_space<vmem>>) target_semaphore(%arg19 : memref<!tpu.dma_semaphore, #tpu.memory_space<semaphore_mem>>)
    %dma_wait3A_85 = tpu.memref_slice %arg2[%add3A_34] : memref<8388608xf32, #tpu.memory_space<hbm>> -> memref<16384xf32, #tpu.memory_space<hbm>>
    %dma_wait3A_86 = tpu.memref_slice %arg2[%add3A_34] : memref<8388608xf32, #tpu.memory_space<hbm>> -> memref<16384xf32, #tpu.memory_space<hbm>>
    tpu.wait_dma2 semaphore(%arg14 : memref<!tpu.dma_semaphore, #tpu.memory_space<semaphore_mem>>) src(%dma_wait3A_86 : memref<16384xf32, #tpu.memory_space<hbm>>) dst(%arg8 : memref<16384xf32, #tpu.memory_space<vmem>>)
    %parallel_loop3A_87 = arith.constant 0 : i32
    %parallel_loop3A_88 = arith.constant 1024 : i32
    %parallel_loop3A_89 = arith.constant 1 : i32
    scf.for %parallel_loop3A_338 = %parallel_loop3A_87 to %parallel_loop3A_88 step %parallel_loop3A_89  : i32 {
      %parallel_loop3A_339 = arith.constant 16 : i32
      %parallel_loop3A_340 = arith.muli %parallel_loop3A_338, %parallel_loop3A_339 : i32
      %parallel_loop3A_341 = arith.index_cast %parallel_loop3A_340 : i32 to index
      %parallel_loop3A_342 = tpu.vector_load %arg10[%parallel_loop3A_341] {strides = array<i32>} : memref<16384xf32, #tpu.memory_space<vmem>>, vector<16xf32>,
      %parallel_loop3A_343 = vector.shape_cast %parallel_loop3A_342 : vector<16xf32> to vector<16xf32>
      %parallel_loop3A_344 = arith.index_cast %parallel_loop3A_340 : i32 to index
      %parallel_loop3A_345 = tpu.vector_load %arg8[%parallel_loop3A_344] {strides = array<i32>} : memref<16384xf32, #tpu.memory_space<vmem>>, vector<16xf32>,
      %parallel_loop3A_346 = vector.shape_cast %parallel_loop3A_345 : vector<16xf32> to vector<16xf32>
      %parallel_loop3A_347 = vector.shape_cast %parallel_loop3A_343 : vector<16xf32> to vector<16xf32>
      tpu.vector_store %arg8[%parallel_loop3A_344], %parallel_loop3A_347 {add = true, strides = array<i32>} : memref<16384xf32, #tpu.memory_space<vmem>>, vector<16xf32>,
    } {sc.loop_unroll_factor = 16 : i64, sc.parallel_access}
    %add3A_90 = arith.constant 49152 : i32
    %add3A_91 = arith.addi %mul3A_4, %add3A_90 : i32
    %dma_start3A_92 = tpu.memref_slice %arg4[%add3A_91] : memref<8388608xf32, #tpu.memory_space<hbm>> -> memref<16384xf32, #tpu.memory_space<hbm>>
    %dma_start3A_93 = tpu.memref_slice %arg4[%add3A_91] : memref<8388608xf32, #tpu.memory_space<hbm>> -> memref<16384xf32, #tpu.memory_space<hbm>>
    tpu.enqueue_dma source(%arg8 : memref<16384xf32, #tpu.memory_space<vmem>>) target(%dma_start3A_93 : memref<16384xf32, #tpu.memory_space<hbm>>) target_semaphore(%arg18 : memref<!tpu.dma_semaphore, #tpu.memory_space<semaphore_mem>>)
    %dma_wait3A_94 = tpu.memref_slice %arg4[%add3A_70] : memref<8388608xf32, #tpu.memory_space<hbm>> -> memref<16384xf32, #tpu.memory_space<hbm>>
    %dma_wait3A_95 = tpu.memref_slice %arg4[%add3A_70] : memref<8388608xf32, #tpu.memory_space<hbm>> -> memref<16384xf32, #tpu.memory_space<hbm>>
    tpu.wait_dma2 semaphore(%arg17 : memref<!tpu.dma_semaphore, #tpu.memory_space<semaphore_mem>>) src(%arg7 : memref<16384xf32, #tpu.memory_space<vmem>>) dst(%dma_wait3A_95 : memref<16384xf32, #tpu.memory_space<hbm>>)
    %add3A_96 = arith.constant 98304 : i32
    %add3A_97 = arith.addi %mul3A_4, %add3A_96 : i32
    %dma_start3A_98 = tpu.memref_slice %arg2[%add3A_97] : memref<8388608xf32, #tpu.memory_space<hbm>> -> memref<16384xf32, #tpu.memory_space<hbm>>
    %dma_start3A_99 = tpu.memref_slice %arg2[%add3A_97] : memref<8388608xf32, #tpu.memory_space<hbm>> -> memref<16384xf32, #tpu.memory_space<hbm>>
    tpu.enqueue_dma source(%dma_start3A_99 : memref<16384xf32, #tpu.memory_space<hbm>>) target(%arg7 : memref<16384xf32, #tpu.memory_space<vmem>>) target_semaphore(%arg13 : memref<!tpu.dma_semaphore, #tpu.memory_space<semaphore_mem>>)
    %dma_wait3A_100 = tpu.memref_slice %arg3[%add3A_82] : memref<16777216xf32, #tpu.memory_space<hbm>> -> memref<16384xf32, #tpu.memory_space<hbm>>
    %dma_wait3A_101 = tpu.memref_slice %arg3[%add3A_82] : memref<16777216xf32, #tpu.memory_space<hbm>> -> memref<16384xf32, #tpu.memory_space<hbm>>
    tpu.wait_dma2 semaphore(%arg19 : memref<!tpu.dma_semaphore, #tpu.memory_space<semaphore_mem>>) src(%dma_wait3A_101 : memref<16384xf32, #tpu.memory_space<hbm>>) dst(%arg9 : memref<16384xf32, #tpu.memory_space<vmem>>)
    %add3A_102 = arith.constant 81920 : i32
    %add3A_103 = arith.addi %mul3A_4, %add3A_102 : i32
    %dma_start3A_104 = tpu.memref_slice %arg3[%add3A_103] : memref<16777216xf32, #tpu.memory_space<hbm>> -> memref<16384xf32, #tpu.memory_space<hbm>>
    %dma_start3A_105 = tpu.memref_slice %arg3[%add3A_103] : memref<16777216xf32, #tpu.memory_space<hbm>> -> memref<16384xf32, #tpu.memory_space<hbm>>
    tpu.enqueue_dma source(%dma_start3A_105 : memref<16384xf32, #tpu.memory_space<hbm>>) target(%arg10 : memref<16384xf32, #tpu.memory_space<vmem>>) target_semaphore(%arg20 : memref<!tpu.dma_semaphore, #tpu.memory_space<semaphore_mem>>)
    %dma_wait3A_106 = tpu.memref_slice %arg2[%add3A_55] : memref<8388608xf32, #tpu.memory_space<hbm>> -> memref<16384xf32, #tpu.memory_space<hbm>>
    %dma_wait3A_107 = tpu.memref_slice %arg2[%add3A_55] : memref<8388608xf32, #tpu.memory_space<hbm>> -> memref<16384xf32, #tpu.memory_space<hbm>>
    tpu.wait_dma2 semaphore(%arg11 : memref<!tpu.dma_semaphore, #tpu.memory_space<semaphore_mem>>) src(%dma_wait3A_107 : memref<16384xf32, #tpu.memory_space<hbm>>) dst(%arg5 : memref<16384xf32, #tpu.memory_space<vmem>>)
    %parallel_loop3A_108 = arith.constant 0 : i32
    %parallel_loop3A_109 = arith.constant 1024 : i32
    %parallel_loop3A_110 = arith.constant 1 : i32
    scf.for %parallel_loop3A_338 = %parallel_loop3A_108 to %parallel_loop3A_109 step %parallel_loop3A_110  : i32 {
      %parallel_loop3A_339 = arith.constant 16 : i32
      %parallel_loop3A_340 = arith.muli %parallel_loop3A_338, %parallel_loop3A_339 : i32
      %parallel_loop3A_341 = arith.index_cast %parallel_loop3A_340 : i32 to index
      %parallel_loop3A_342 = tpu.vector_load %arg9[%parallel_loop3A_341] {strides = array<i32>} : memref<16384xf32, #tpu.memory_space<vmem>>, vector<16xf32>,
      %parallel_loop3A_343 = vector.shape_cast %parallel_loop3A_342 : vector<16xf32> to vector<16xf32>
      %parallel_loop3A_344 = arith.index_cast %parallel_loop3A_340 : i32 to index
      %parallel_loop3A_345 = tpu.vector_load %arg5[%parallel_loop3A_344] {strides = array<i32>} : memref<16384xf32, #tpu.memory_space<vmem>>, vector<16xf32>,
      %parallel_loop3A_346 = vector.shape_cast %parallel_loop3A_345 : vector<16xf32> to vector<16xf32>
      %parallel_loop3A_347 = vector.shape_cast %parallel_loop3A_343 : vector<16xf32> to vector<16xf32>
      tpu.vector_store %arg5[%parallel_loop3A_344], %parallel_loop3A_347 {add = true, strides = array<i32>} : memref<16384xf32, #tpu.memory_space<vmem>>, vector<16xf32>,
    } {sc.loop_unroll_factor = 16 : i64, sc.parallel_access}
    %add3A_111 = arith.constant 65536 : i32
    %add3A_112 = arith.addi %mul3A_4, %add3A_111 : i32
    %dma_start3A_113 = tpu.memref_slice %arg4[%add3A_112] : memref<8388608xf32, #tpu.memory_space<hbm>> -> memref<16384xf32, #tpu.memory_space<hbm>>
    %dma_start3A_114 = tpu.memref_slice %arg4[%add3A_112] : memref<8388608xf32, #tpu.memory_space<hbm>> -> memref<16384xf32, #tpu.memory_space<hbm>>
    tpu.enqueue_dma source(%arg5 : memref<16384xf32, #tpu.memory_space<vmem>>) target(%dma_start3A_114 : memref<16384xf32, #tpu.memory_space<hbm>>) target_semaphore(%arg15 : memref<!tpu.dma_semaphore, #tpu.memory_space<semaphore_mem>>)
    %dma_wait3A_115 = tpu.memref_slice %arg4[%add3A_91] : memref<8388608xf32, #tpu.memory_space<hbm>> -> memref<16384xf32, #tpu.memory_space<hbm>>
    %dma_wait3A_116 = tpu.memref_slice %arg4[%add3A_91] : memref<8388608xf32, #tpu.memory_space<hbm>> -> memref<16384xf32, #tpu.memory_space<hbm>>
    tpu.wait_dma2 semaphore(%arg18 : memref<!tpu.dma_semaphore, #tpu.memory_space<semaphore_mem>>) src(%arg8 : memref<16384xf32, #tpu.memory_space<vmem>>) dst(%dma_wait3A_116 : memref<16384xf32, #tpu.memory_space<hbm>>)
    %add3A_117 = arith.constant 114688 : i32
    %add3A_118 = arith.addi %mul3A_4, %add3A_117 : i32
    %dma_start3A_119 = tpu.memref_slice %arg2[%add3A_118] : memref<8388608xf32, #tpu.memory_space<hbm>> -> memref<16384xf32, #tpu.memory_space<hbm>>
    %dma_start3A_120 = tpu.memref_slice %arg2[%add3A_118] : memref<8388608xf32, #tpu.memory_space<hbm>> -> memref<16384xf32, #tpu.memory_space<hbm>>
    tpu.enqueue_dma source(%dma_start3A_120 : memref<16384xf32, #tpu.memory_space<hbm>>) target(%arg8 : memref<16384xf32, #tpu.memory_space<vmem>>) target_semaphore(%arg14 : memref<!tpu.dma_semaphore, #tpu.memory_space<semaphore_mem>>)
    %dma_wait3A_121 = tpu.memref_slice %arg3[%add3A_103] : memref<16777216xf32, #tpu.memory_space<hbm>> -> memref<16384xf32, #tpu.memory_space<hbm>>
    %dma_wait3A_122 = tpu.memref_slice %arg3[%add3A_103] : memref<16777216xf32, #tpu.memory_space<hbm>> -> memref<16384xf32, #tpu.memory_space<hbm>>
    tpu.wait_dma2 semaphore(%arg20 : memref<!tpu.dma_semaphore, #tpu.memory_space<semaphore_mem>>) src(%dma_wait3A_122 : memref<16384xf32, #tpu.memory_space<hbm>>) dst(%arg10 : memref<16384xf32, #tpu.memory_space<vmem>>)
    %add3A_123 = arith.constant 98304 : i32
    %add3A_124 = arith.addi %mul3A_4, %add3A_123 : i32
    %dma_start3A_125 = tpu.memref_slice %arg3[%add3A_124] : memref<16777216xf32, #tpu.memory_space<hbm>> -> memref<16384xf32, #tpu.memory_space<hbm>>
    %dma_start3A_126 = tpu.memref_slice %arg3[%add3A_124] : memref<16777216xf32, #tpu.memory_space<hbm>> -> memref<16384xf32, #tpu.memory_space<hbm>>
    tpu.enqueue_dma source(%dma_start3A_126 : memref<16384xf32, #tpu.memory_space<hbm>>) target(%arg9 : memref<16384xf32, #tpu.memory_space<vmem>>) target_semaphore(%arg19 : memref<!tpu.dma_semaphore, #tpu.memory_space<semaphore_mem>>)
    %dma_wait3A_127 = tpu.memref_slice %arg2[%add3A_76] : memref<8388608xf32, #tpu.memory_space<hbm>> -> memref<16384xf32, #tpu.memory_space<hbm>>
    %dma_wait3A_128 = tpu.memref_slice %arg2[%add3A_76] : memref<8388608xf32, #tpu.memory_space<hbm>> -> memref<16384xf32, #tpu.memory_space<hbm>>
    tpu.wait_dma2 semaphore(%arg12 : memref<!tpu.dma_semaphore, #tpu.memory_space<semaphore_mem>>) src(%dma_wait3A_128 : memref<16384xf32, #tpu.memory_space<hbm>>) dst(%arg6 : memref<16384xf32, #tpu.memory_space<vmem>>)
    %parallel_loop3A_129 = arith.constant 0 : i32
    %parallel_loop3A_130 = arith.constant 1024 : i32
    %parallel_loop3A_131 = arith.constant 1 : i32
    scf.for %parallel_loop3A_338 = %parallel_loop3A_129 to %parallel_loop3A_130 step %parallel_loop3A_131  : i32 {
      %parallel_loop3A_339 = arith.constant 16 : i32
      %parallel_loop3A_340 = arith.muli %parallel_loop3A_338, %parallel_loop3A_339 : i32
      %parallel_loop3A_341 = arith.index_cast %parallel_loop3A_340 : i32 to index
      %parallel_loop3A_342 = tpu.vector_load %arg10[%parallel_loop3A_341] {strides = array<i32>} : memref<16384xf32, #tpu.memory_space<vmem>>, vector<16xf32>,
      %parallel_loop3A_343 = vector.shape_cast %parallel_loop3A_342 : vector<16xf32> to vector<16xf32>
      %parallel_loop3A_344 = arith.index_cast %parallel_loop3A_340 : i32 to index
      %parallel_loop3A_345 = tpu.vector_load %arg6[%parallel_loop3A_344] {strides = array<i32>} : memref<16384xf32, #tpu.memory_space<vmem>>, vector<16xf32>,
      %parallel_loop3A_346 = vector.shape_cast %parallel_loop3A_345 : vector<16xf32> to vector<16xf32>
      %parallel_loop3A_347 = vector.shape_cast %parallel_loop3A_343 : vector<16xf32> to vector<16xf32>
      tpu.vector_store %arg6[%parallel_loop3A_344], %parallel_loop3A_347 {add = true, strides = array<i32>} : memref<16384xf32, #tpu.memory_space<vmem>>, vector<16xf32>,
    } {sc.loop_unroll_factor = 16 : i64, sc.parallel_access}
    %add3A_132 = arith.constant 81920 : i32
    %add3A_133 = arith.addi %mul3A_4, %add3A_132 : i32
    %dma_start3A_134 = tpu.memref_slice %arg4[%add3A_133] : memref<8388608xf32, #tpu.memory_space<hbm>> -> memref<16384xf32, #tpu.memory_space<hbm>>
    %dma_start3A_135 = tpu.memref_slice %arg4[%add3A_133] : memref<8388608xf32, #tpu.memory_space<hbm>> -> memref<16384xf32, #tpu.memory_space<hbm>>
    tpu.enqueue_dma source(%arg6 : memref<16384xf32, #tpu.memory_space<vmem>>) target(%dma_start3A_135 : memref<16384xf32, #tpu.memory_space<hbm>>) target_semaphore(%arg16 : memref<!tpu.dma_semaphore, #tpu.memory_space<semaphore_mem>>)
    %dma_wait3A_136 = tpu.memref_slice %arg4[%add3A_112] : memref<8388608xf32, #tpu.memory_space<hbm>> -> memref<16384xf32, #tpu.memory_space<hbm>>
    %dma_wait3A_137 = tpu.memref_slice %arg4[%add3A_112] : memref<8388608xf32, #tpu.memory_space<hbm>> -> memref<16384xf32, #tpu.memory_space<hbm>>
    tpu.wait_dma2 semaphore(%arg15 : memref<!tpu.dma_semaphore, #tpu.memory_space<semaphore_mem>>) src(%arg5 : memref<16384xf32, #tpu.memory_space<vmem>>) dst(%dma_wait3A_137 : memref<16384xf32, #tpu.memory_space<hbm>>)
    %add3A_138 = arith.constant 131072 : i32
    %add3A_139 = arith.addi %mul3A_4, %add3A_138 : i32
    %dma_start3A_140 = tpu.memref_slice %arg2[%add3A_139] : memref<8388608xf32, #tpu.memory_space<hbm>> -> memref<16384xf32, #tpu.memory_space<hbm>>
    %dma_start3A_141 = tpu.memref_slice %arg2[%add3A_139] : memref<8388608xf32, #tpu.memory_space<hbm>> -> memref<16384xf32, #tpu.memory_space<hbm>>
    tpu.enqueue_dma source(%dma_start3A_141 : memref<16384xf32, #tpu.memory_space<hbm>>) target(%arg5 : memref<16384xf32, #tpu.memory_space<vmem>>) target_semaphore(%arg11 : memref<!tpu.dma_semaphore, #tpu.memory_space<semaphore_mem>>)
    %dma_wait3A_142 = tpu.memref_slice %arg3[%add3A_124] : memref<16777216xf32, #tpu.memory_space<hbm>> -> memref<16384xf32, #tpu.memory_space<hbm>>
    %dma_wait3A_143 = tpu.memref_slice %arg3[%add3A_124] : memref<16777216xf32, #tpu.memory_space<hbm>> -> memref<16384xf32, #tpu.memory_space<hbm>>
    tpu.wait_dma2 semaphore(%arg19 : memref<!tpu.dma_semaphore, #tpu.memory_space<semaphore_mem>>) src(%dma_wait3A_143 : memref<16384xf32, #tpu.memory_space<hbm>>) dst(%arg9 : memref<16384xf32, #tpu.memory_space<vmem>>)
    %add3A_144 = arith.constant 114688 : i32
    %add3A_145 = arith.addi %mul3A_4, %add3A_144 : i32
    %dma_start3A_146 = tpu.memref_slice %arg3[%add3A_145] : memref<16777216xf32, #tpu.memory_space<hbm>> -> memref<16384xf32, #tpu.memory_space<hbm>>
    %dma_start3A_147 = tpu.memref_slice %arg3[%add3A_145] : memref<16777216xf32, #tpu.memory_space<hbm>> -> memref<16384xf32, #tpu.memory_space<hbm>>
    tpu.enqueue_dma source(%dma_start3A_147 : memref<16384xf32, #tpu.memory_space<hbm>>) target(%arg10 : memref<16384xf32, #tpu.memory_space<vmem>>) target_semaphore(%arg20 : memref<!tpu.dma_semaphore, #tpu.memory_space<semaphore_mem>>)
    %dma_wait3A_148 = tpu.memref_slice %arg2[%add3A_97] : memref<8388608xf32, #tpu.memory_space<hbm>> -> memref<16384xf32, #tpu.memory_space<hbm>>
    %dma_wait3A_149 = tpu.memref_slice %arg2[%add3A_97] : memref<8388608xf32, #tpu.memory_space<hbm>> -> memref<16384xf32, #tpu.memory_space<hbm>>
    tpu.wait_dma2 semaphore(%arg13 : memref<!tpu.dma_semaphore, #tpu.memory_space<semaphore_mem>>) src(%dma_wait3A_149 : memref<16384xf32, #tpu.memory_space<hbm>>) dst(%arg7 : memref<16384xf32, #tpu.memory_space<vmem>>)
    %parallel_loop3A_150 = arith.constant 0 : i32
    %parallel_loop3A_151 = arith.constant 1024 : i32
    %parallel_loop3A_152 = arith.constant 1 : i32
    scf.for %parallel_loop3A_338 = %parallel_loop3A_150 to %parallel_loop3A_151 step %parallel_loop3A_152  : i32 {
      %parallel_loop3A_339 = arith.constant 16 : i32
      %parallel_loop3A_340 = arith.muli %parallel_loop3A_338, %parallel_loop3A_339 : i32
      %parallel_loop3A_341 = arith.index_cast %parallel_loop3A_340 : i32 to index
      %parallel_loop3A_342 = tpu.vector_load %arg9[%parallel_loop3A_341] {strides = array<i32>} : memref<16384xf32, #tpu.memory_space<vmem>>, vector<16xf32>,
      %parallel_loop3A_343 = vector.shape_cast %parallel_loop3A_342 : vector<16xf32> to vector<16xf32>
      %parallel_loop3A_344 = arith.index_cast %parallel_loop3A_340 : i32 to index
      %parallel_loop3A_345 = tpu.vector_load %arg7[%parallel_loop3A_344] {strides = array<i32>} : memref<16384xf32, #tpu.memory_space<vmem>>, vector<16xf32>,
      %parallel_loop3A_346 = vector.shape_cast %parallel_loop3A_345 : vector<16xf32> to vector<16xf32>
      %parallel_loop3A_347 = vector.shape_cast %parallel_loop3A_343 : vector<16xf32> to vector<16xf32>
      tpu.vector_store %arg7[%parallel_loop3A_344], %parallel_loop3A_347 {add = true, strides = array<i32>} : memref<16384xf32, #tpu.memory_space<vmem>>, vector<16xf32>,
    } {sc.loop_unroll_factor = 16 : i64, sc.parallel_access}
    %add3A_153 = arith.constant 98304 : i32
    %add3A_154 = arith.addi %mul3A_4, %add3A_153 : i32
    %dma_start3A_155 = tpu.memref_slice %arg4[%add3A_154] : memref<8388608xf32, #tpu.memory_space<hbm>> -> memref<16384xf32, #tpu.memory_space<hbm>>
    %dma_start3A_156 = tpu.memref_slice %arg4[%add3A_154] : memref<8388608xf32, #tpu.memory_space<hbm>> -> memref<16384xf32, #tpu.memory_space<hbm>>
    tpu.enqueue_dma source(%arg7 : memref<16384xf32, #tpu.memory_space<vmem>>) target(%dma_start3A_156 : memref<16384xf32, #tpu.memory_space<hbm>>) target_semaphore(%arg17 : memref<!tpu.dma_semaphore, #tpu.memory_space<semaphore_mem>>)
    %dma_wait3A_157 = tpu.memref_slice %arg4[%add3A_133] : memref<8388608xf32, #tpu.memory_space<hbm>> -> memref<16384xf32, #tpu.memory_space<hbm>>
    %dma_wait3A_158 = tpu.memref_slice %arg4[%add3A_133] : memref<8388608xf32, #tpu.memory_space<hbm>> -> memref<16384xf32, #tpu.memory_space<hbm>>
    tpu.wait_dma2 semaphore(%arg16 : memref<!tpu.dma_semaphore, #tpu.memory_space<semaphore_mem>>) src(%arg6 : memref<16384xf32, #tpu.memory_space<vmem>>) dst(%dma_wait3A_158 : memref<16384xf32, #tpu.memory_space<hbm>>)
    %add3A_159 = arith.constant 147456 : i32
    %add3A_160 = arith.addi %mul3A_4, %add3A_159 : i32
    %dma_start3A_161 = tpu.memref_slice %arg2[%add3A_160] : memref<8388608xf32, #tpu.memory_space<hbm>> -> memref<16384xf32, #tpu.memory_space<hbm>>
    %dma_start3A_162 = tpu.memref_slice %arg2[%add3A_160] : memref<8388608xf32, #tpu.memory_space<hbm>> -> memref<16384xf32, #tpu.memory_space<hbm>>
    tpu.enqueue_dma source(%dma_start3A_162 : memref<16384xf32, #tpu.memory_space<hbm>>) target(%arg6 : memref<16384xf32, #tpu.memory_space<vmem>>) target_semaphore(%arg12 : memref<!tpu.dma_semaphore, #tpu.memory_space<semaphore_mem>>)
    %dma_wait3A_163 = tpu.memref_slice %arg3[%add3A_145] : memref<16777216xf32, #tpu.memory_space<hbm>> -> memref<16384xf32, #tpu.memory_space<hbm>>
    %dma_wait3A_164 = tpu.memref_slice %arg3[%add3A_145] : memref<16777216xf32, #tpu.memory_space<hbm>> -> memref<16384xf32, #tpu.memory_space<hbm>>
    tpu.wait_dma2 semaphore(%arg20 : memref<!tpu.dma_semaphore, #tpu.memory_space<semaphore_mem>>) src(%dma_wait3A_164 : memref<16384xf32, #tpu.memory_space<hbm>>) dst(%arg10 : memref<16384xf32, #tpu.memory_space<vmem>>)
    %add3A_165 = arith.constant 131072 : i32
    %add3A_166 = arith.addi %mul3A_4, %add3A_165 : i32
    %dma_start3A_167 = tpu.memref_slice %arg3[%add3A_166] : memref<16777216xf32, #tpu.memory_space<hbm>> -> memref<16384xf32, #tpu.memory_space<hbm>>
    %dma_start3A_168 = tpu.memref_slice %arg3[%add3A_166] : memref<16777216xf32, #tpu.memory_space<hbm>> -> memref<16384xf32, #tpu.memory_space<hbm>>
    tpu.enqueue_dma source(%dma_start3A_168 : memref<16384xf32, #tpu.memory_space<hbm>>) target(%arg9 : memref<16384xf32, #tpu.memory_space<vmem>>) target_semaphore(%arg19 : memref<!tpu.dma_semaphore, #tpu.memory_space<semaphore_mem>>)
    %dma_wait3A_169 = tpu.memref_slice %arg2[%add3A_118] : memref<8388608xf32, #tpu.memory_space<hbm>> -> memref<16384xf32, #tpu.memory_space<hbm>>
    %dma_wait3A_170 = tpu.memref_slice %arg2[%add3A_118] : memref<8388608xf32, #tpu.memory_space<hbm>> -> memref<16384xf32, #tpu.memory_space<hbm>>
    tpu.wait_dma2 semaphore(%arg14 : memref<!tpu.dma_semaphore, #tpu.memory_space<semaphore_mem>>) src(%dma_wait3A_170 : memref<16384xf32, #tpu.memory_space<hbm>>) dst(%arg8 : memref<16384xf32, #tpu.memory_space<vmem>>)
    %parallel_loop3A_171 = arith.constant 0 : i32
    %parallel_loop3A_172 = arith.constant 1024 : i32
    %parallel_loop3A_173 = arith.constant 1 : i32
    scf.for %parallel_loop3A_338 = %parallel_loop3A_171 to %parallel_loop3A_172 step %parallel_loop3A_173  : i32 {
      %parallel_loop3A_339 = arith.constant 16 : i32
      %parallel_loop3A_340 = arith.muli %parallel_loop3A_338, %parallel_loop3A_339 : i32
      %parallel_loop3A_341 = arith.index_cast %parallel_loop3A_340 : i32 to index
      %parallel_loop3A_342 = tpu.vector_load %arg10[%parallel_loop3A_341] {strides = array<i32>} : memref<16384xf32, #tpu.memory_space<vmem>>, vector<16xf32>,
      %parallel_loop3A_343 = vector.shape_cast %parallel_loop3A_342 : vector<16xf32> to vector<16xf32>
      %parallel_loop3A_344 = arith.index_cast %parallel_loop3A_340 : i32 to index
      %parallel_loop3A_345 = tpu.vector_load %arg8[%parallel_loop3A_344] {strides = array<i32>} : memref<16384xf32, #tpu.memory_space<vmem>>, vector<16xf32>,
      %parallel_loop3A_346 = vector.shape_cast %parallel_loop3A_345 : vector<16xf32> to vector<16xf32>
      %parallel_loop3A_347 = vector.shape_cast %parallel_loop3A_343 : vector<16xf32> to vector<16xf32>
      tpu.vector_store %arg8[%parallel_loop3A_344], %parallel_loop3A_347 {add = true, strides = array<i32>} : memref<16384xf32, #tpu.memory_space<vmem>>, vector<16xf32>,
    } {sc.loop_unroll_factor = 16 : i64, sc.parallel_access}
    %add3A_174 = arith.constant 114688 : i32
    %add3A_175 = arith.addi %mul3A_4, %add3A_174 : i32
    %dma_start3A_176 = tpu.memref_slice %arg4[%add3A_175] : memref<8388608xf32, #tpu.memory_space<hbm>> -> memref<16384xf32, #tpu.memory_space<hbm>>
    %dma_start3A_177 = tpu.memref_slice %arg4[%add3A_175] : memref<8388608xf32, #tpu.memory_space<hbm>> -> memref<16384xf32, #tpu.memory_space<hbm>>
    tpu.enqueue_dma source(%arg8 : memref<16384xf32, #tpu.memory_space<vmem>>) target(%dma_start3A_177 : memref<16384xf32, #tpu.memory_space<hbm>>) target_semaphore(%arg18 : memref<!tpu.dma_semaphore, #tpu.memory_space<semaphore_mem>>)
    %dma_wait3A_178 = tpu.memref_slice %arg4[%add3A_154] : memref<8388608xf32, #tpu.memory_space<hbm>> -> memref<16384xf32, #tpu.memory_space<hbm>>
    %dma_wait3A_179 = tpu.memref_slice %arg4[%add3A_154] : memref<8388608xf32, #tpu.memory_space<hbm>> -> memref<16384xf32, #tpu.memory_space<hbm>>
    tpu.wait_dma2 semaphore(%arg17 : memref<!tpu.dma_semaphore, #tpu.memory_space<semaphore_mem>>) src(%arg7 : memref<16384xf32, #tpu.memory_space<vmem>>) dst(%dma_wait3A_179 : memref<16384xf32, #tpu.memory_space<hbm>>)
    %add3A_180 = arith.constant 163840 : i32
    %add3A_181 = arith.addi %mul3A_4, %add3A_180 : i32
    %dma_start3A_182 = tpu.memref_slice %arg2[%add3A_181] : memref<8388608xf32, #tpu.memory_space<hbm>> -> memref<16384xf32, #tpu.memory_space<hbm>>
    %dma_start3A_183 = tpu.memref_slice %arg2[%add3A_181] : memref<8388608xf32, #tpu.memory_space<hbm>> -> memref<16384xf32, #tpu.memory_space<hbm>>
    tpu.enqueue_dma source(%dma_start3A_183 : memref<16384xf32, #tpu.memory_space<hbm>>) target(%arg7 : memref<16384xf32, #tpu.memory_space<vmem>>) target_semaphore(%arg13 : memref<!tpu.dma_semaphore, #tpu.memory_space<semaphore_mem>>)
    %dma_wait3A_184 = tpu.memref_slice %arg3[%add3A_166] : memref<16777216xf32, #tpu.memory_space<hbm>> -> memref<16384xf32, #tpu.memory_space<hbm>>
    %dma_wait3A_185 = tpu.memref_slice %arg3[%add3A_166] : memref<16777216xf32, #tpu.memory_space<hbm>> -> memref<16384xf32, #tpu.memory_space<hbm>>
    tpu.wait_dma2 semaphore(%arg19 : memref<!tpu.dma_semaphore, #tpu.memory_space<semaphore_mem>>) src(%dma_wait3A_185 : memref<16384xf32, #tpu.memory_space<hbm>>) dst(%arg9 : memref<16384xf32, #tpu.memory_space<vmem>>)
    %add3A_186 = arith.constant 147456 : i32
    %add3A_187 = arith.addi %mul3A_4, %add3A_186 : i32
    %dma_start3A_188 = tpu.memref_slice %arg3[%add3A_187] : memref<16777216xf32, #tpu.memory_space<hbm>> -> memref<16384xf32, #tpu.memory_space<hbm>>
    %dma_start3A_189 = tpu.memref_slice %arg3[%add3A_187] : memref<16777216xf32, #tpu.memory_space<hbm>> -> memref<16384xf32, #tpu.memory_space<hbm>>
    tpu.enqueue_dma source(%dma_start3A_189 : memref<16384xf32, #tpu.memory_space<hbm>>) target(%arg10 : memref<16384xf32, #tpu.memory_space<vmem>>) target_semaphore(%arg20 : memref<!tpu.dma_semaphore, #tpu.memory_space<semaphore_mem>>)
    %dma_wait3A_190 = tpu.memref_slice %arg2[%add3A_139] : memref<8388608xf32, #tpu.memory_space<hbm>> -> memref<16384xf32, #tpu.memory_space<hbm>>
    %dma_wait3A_191 = tpu.memref_slice %arg2[%add3A_139] : memref<8388608xf32, #tpu.memory_space<hbm>> -> memref<16384xf32, #tpu.memory_space<hbm>>
    tpu.wait_dma2 semaphore(%arg11 : memref<!tpu.dma_semaphore, #tpu.memory_space<semaphore_mem>>) src(%dma_wait3A_191 : memref<16384xf32, #tpu.memory_space<hbm>>) dst(%arg5 : memref<16384xf32, #tpu.memory_space<vmem>>)
    %parallel_loop3A_192 = arith.constant 0 : i32
    %parallel_loop3A_193 = arith.constant 1024 : i32
    %parallel_loop3A_194 = arith.constant 1 : i32
    scf.for %parallel_loop3A_338 = %parallel_loop3A_192 to %parallel_loop3A_193 step %parallel_loop3A_194  : i32 {
      %parallel_loop3A_339 = arith.constant 16 : i32
      %parallel_loop3A_340 = arith.muli %parallel_loop3A_338, %parallel_loop3A_339 : i32
      %parallel_loop3A_341 = arith.index_cast %parallel_loop3A_340 : i32 to index
      %parallel_loop3A_342 = tpu.vector_load %arg9[%parallel_loop3A_341] {strides = array<i32>} : memref<16384xf32, #tpu.memory_space<vmem>>, vector<16xf32>,
      %parallel_loop3A_343 = vector.shape_cast %parallel_loop3A_342 : vector<16xf32> to vector<16xf32>
      %parallel_loop3A_344 = arith.index_cast %parallel_loop3A_340 : i32 to index
      %parallel_loop3A_345 = tpu.vector_load %arg5[%parallel_loop3A_344] {strides = array<i32>} : memref<16384xf32, #tpu.memory_space<vmem>>, vector<16xf32>,
      %parallel_loop3A_346 = vector.shape_cast %parallel_loop3A_345 : vector<16xf32> to vector<16xf32>
      %parallel_loop3A_347 = vector.shape_cast %parallel_loop3A_343 : vector<16xf32> to vector<16xf32>
      tpu.vector_store %arg5[%parallel_loop3A_344], %parallel_loop3A_347 {add = true, strides = array<i32>} : memref<16384xf32, #tpu.memory_space<vmem>>, vector<16xf32>,
    } {sc.loop_unroll_factor = 16 : i64, sc.parallel_access}
    %add3A_195 = arith.constant 131072 : i32
    %add3A_196 = arith.addi %mul3A_4, %add3A_195 : i32
    %dma_start3A_197 = tpu.memref_slice %arg4[%add3A_196] : memref<8388608xf32, #tpu.memory_space<hbm>> -> memref<16384xf32, #tpu.memory_space<hbm>>
    %dma_start3A_198 = tpu.memref_slice %arg4[%add3A_196] : memref<8388608xf32, #tpu.memory_space<hbm>> -> memref<16384xf32, #tpu.memory_space<hbm>>
    tpu.enqueue_dma source(%arg5 : memref<16384xf32, #tpu.memory_space<vmem>>) target(%dma_start3A_198 : memref<16384xf32, #tpu.memory_space<hbm>>) target_semaphore(%arg15 : memref<!tpu.dma_semaphore, #tpu.memory_space<semaphore_mem>>)
    %dma_wait3A_199 = tpu.memref_slice %arg4[%add3A_175] : memref<8388608xf32, #tpu.memory_space<hbm>> -> memref<16384xf32, #tpu.memory_space<hbm>>
    %dma_wait3A_200 = tpu.memref_slice %arg4[%add3A_175] : memref<8388608xf32, #tpu.memory_space<hbm>> -> memref<16384xf32, #tpu.memory_space<hbm>>
    tpu.wait_dma2 semaphore(%arg18 : memref<!tpu.dma_semaphore, #tpu.memory_space<semaphore_mem>>) src(%arg8 : memref<16384xf32, #tpu.memory_space<vmem>>) dst(%dma_wait3A_200 : memref<16384xf32, #tpu.memory_space<hbm>>)
    %add3A_201 = arith.constant 180224 : i32
    %add3A_202 = arith.addi %mul3A_4, %add3A_201 : i32
    %dma_start3A_203 = tpu.memref_slice %arg2[%add3A_202] : memref<8388608xf32, #tpu.memory_space<hbm>> -> memref<16384xf32, #tpu.memory_space<hbm>>
    %dma_start3A_204 = tpu.memref_slice %arg2[%add3A_202] : memref<8388608xf32, #tpu.memory_space<hbm>> -> memref<16384xf32, #tpu.memory_space<hbm>>
    tpu.enqueue_dma source(%dma_start3A_204 : memref<16384xf32, #tpu.memory_space<hbm>>) target(%arg8 : memref<16384xf32, #tpu.memory_space<vmem>>) target_semaphore(%arg14 : memref<!tpu.dma_semaphore, #tpu.memory_space<semaphore_mem>>)
    %dma_wait3A_205 = tpu.memref_slice %arg3[%add3A_187] : memref<16777216xf32, #tpu.memory_space<hbm>> -> memref<16384xf32, #tpu.memory_space<hbm>>
    %dma_wait3A_206 = tpu.memref_slice %arg3[%add3A_187] : memref<16777216xf32, #tpu.memory_space<hbm>> -> memref<16384xf32, #tpu.memory_space<hbm>>
    tpu.wait_dma2 semaphore(%arg20 : memref<!tpu.dma_semaphore, #tpu.memory_space<semaphore_mem>>) src(%dma_wait3A_206 : memref<16384xf32, #tpu.memory_space<hbm>>) dst(%arg10 : memref<16384xf32, #tpu.memory_space<vmem>>)
    %add3A_207 = arith.constant 163840 : i32
    %add3A_208 = arith.addi %mul3A_4, %add3A_207 : i32
    %dma_start3A_209 = tpu.memref_slice %arg3[%add3A_208] : memref<16777216xf32, #tpu.memory_space<hbm>> -> memref<16384xf32, #tpu.memory_space<hbm>>
    %dma_start3A_210 = tpu.memref_slice %arg3[%add3A_208] : memref<16777216xf32, #tpu.memory_space<hbm>> -> memref<16384xf32, #tpu.memory_space<hbm>>
    tpu.enqueue_dma source(%dma_start3A_210 : memref<16384xf32, #tpu.memory_space<hbm>>) target(%arg9 : memref<16384xf32, #tpu.memory_space<vmem>>) target_semaphore(%arg19 : memref<!tpu.dma_semaphore, #tpu.memory_space<semaphore_mem>>)
    %dma_wait3A_211 = tpu.memref_slice %arg2[%add3A_160] : memref<8388608xf32, #tpu.memory_space<hbm>> -> memref<16384xf32, #tpu.memory_space<hbm>>
    %dma_wait3A_212 = tpu.memref_slice %arg2[%add3A_160] : memref<8388608xf32, #tpu.memory_space<hbm>> -> memref<16384xf32, #tpu.memory_space<hbm>>
    tpu.wait_dma2 semaphore(%arg12 : memref<!tpu.dma_semaphore, #tpu.memory_space<semaphore_mem>>) src(%dma_wait3A_212 : memref<16384xf32, #tpu.memory_space<hbm>>) dst(%arg6 : memref<16384xf32, #tpu.memory_space<vmem>>)
    %parallel_loop3A_213 = arith.constant 0 : i32
    %parallel_loop3A_214 = arith.constant 1024 : i32
    %parallel_loop3A_215 = arith.constant 1 : i32
    scf.for %parallel_loop3A_338 = %parallel_loop3A_213 to %parallel_loop3A_214 step %parallel_loop3A_215  : i32 {
      %parallel_loop3A_339 = arith.constant 16 : i32
      %parallel_loop3A_340 = arith.muli %parallel_loop3A_338, %parallel_loop3A_339 : i32
      %parallel_loop3A_341 = arith.index_cast %parallel_loop3A_340 : i32 to index
      %parallel_loop3A_342 = tpu.vector_load %arg10[%parallel_loop3A_341] {strides = array<i32>} : memref<16384xf32, #tpu.memory_space<vmem>>, vector<16xf32>,
      %parallel_loop3A_343 = vector.shape_cast %parallel_loop3A_342 : vector<16xf32> to vector<16xf32>
      %parallel_loop3A_344 = arith.index_cast %parallel_loop3A_340 : i32 to index
      %parallel_loop3A_345 = tpu.vector_load %arg6[%parallel_loop3A_344] {strides = array<i32>} : memref<16384xf32, #tpu.memory_space<vmem>>, vector<16xf32>,
      %parallel_loop3A_346 = vector.shape_cast %parallel_loop3A_345 : vector<16xf32> to vector<16xf32>
      %parallel_loop3A_347 = vector.shape_cast %parallel_loop3A_343 : vector<16xf32> to vector<16xf32>
      tpu.vector_store %arg6[%parallel_loop3A_344], %parallel_loop3A_347 {add = true, strides = array<i32>} : memref<16384xf32, #tpu.memory_space<vmem>>, vector<16xf32>,
    } {sc.loop_unroll_factor = 16 : i64, sc.parallel_access}
    %add3A_216 = arith.constant 147456 : i32
    %add3A_217 = arith.addi %mul3A_4, %add3A_216 : i32
    %dma_start3A_218 = tpu.memref_slice %arg4[%add3A_217] : memref<8388608xf32, #tpu.memory_space<hbm>> -> memref<16384xf32, #tpu.memory_space<hbm>>
    %dma_start3A_219 = tpu.memref_slice %arg4[%add3A_217] : memref<8388608xf32, #tpu.memory_space<hbm>> -> memref<16384xf32, #tpu.memory_space<hbm>>
    tpu.enqueue_dma source(%arg6 : memref<16384xf32, #tpu.memory_space<vmem>>) target(%dma_start3A_219 : memref<16384xf32, #tpu.memory_space<hbm>>) target_semaphore(%arg16 : memref<!tpu.dma_semaphore, #tpu.memory_space<semaphore_mem>>)
    %dma_wait3A_220 = tpu.memref_slice %arg4[%add3A_196] : memref<8388608xf32, #tpu.memory_space<hbm>> -> memref<16384xf32, #tpu.memory_space<hbm>>
    %dma_wait3A_221 = tpu.memref_slice %arg4[%add3A_196] : memref<8388608xf32, #tpu.memory_space<hbm>> -> memref<16384xf32, #tpu.memory_space<hbm>>
    tpu.wait_dma2 semaphore(%arg15 : memref<!tpu.dma_semaphore, #tpu.memory_space<semaphore_mem>>) src(%arg5 : memref<16384xf32, #tpu.memory_space<vmem>>) dst(%dma_wait3A_221 : memref<16384xf32, #tpu.memory_space<hbm>>)
    %add3A_222 = arith.constant 196608 : i32
    %add3A_223 = arith.addi %mul3A_4, %add3A_222 : i32
    %dma_start3A_224 = tpu.memref_slice %arg2[%add3A_223] : memref<8388608xf32, #tpu.memory_space<hbm>> -> memref<16384xf32, #tpu.memory_space<hbm>>
    %dma_start3A_225 = tpu.memref_slice %arg2[%add3A_223] : memref<8388608xf32, #tpu.memory_space<hbm>> -> memref<16384xf32, #tpu.memory_space<hbm>>
    tpu.enqueue_dma source(%dma_start3A_225 : memref<16384xf32, #tpu.memory_space<hbm>>) target(%arg5 : memref<16384xf32, #tpu.memory_space<vmem>>) target_semaphore(%arg11 : memref<!tpu.dma_semaphore, #tpu.memory_space<semaphore_mem>>)
    %dma_wait3A_226 = tpu.memref_slice %arg3[%add3A_208] : memref<16777216xf32, #tpu.memory_space<hbm>> -> memref<16384xf32, #tpu.memory_space<hbm>>
    %dma_wait3A_227 = tpu.memref_slice %arg3[%add3A_208] : memref<16777216xf32, #tpu.memory_space<hbm>> -> memref<16384xf32, #tpu.memory_space<hbm>>
    tpu.wait_dma2 semaphore(%arg19 : memref<!tpu.dma_semaphore, #tpu.memory_space<semaphore_mem>>) src(%dma_wait3A_227 : memref<16384xf32, #tpu.memory_space<hbm>>) dst(%arg9 : memref<16384xf32, #tpu.memory_space<vmem>>)
    %add3A_228 = arith.constant 180224 : i32
    %add3A_229 = arith.addi %mul3A_4, %add3A_228 : i32
    %dma_start3A_230 = tpu.memref_slice %arg3[%add3A_229] : memref<16777216xf32, #tpu.memory_space<hbm>> -> memref<16384xf32, #tpu.memory_space<hbm>>
    %dma_start3A_231 = tpu.memref_slice %arg3[%add3A_229] : memref<16777216xf32, #tpu.memory_space<hbm>> -> memref<16384xf32, #tpu.memory_space<hbm>>
    tpu.enqueue_dma source(%dma_start3A_231 : memref<16384xf32, #tpu.memory_space<hbm>>) target(%arg10 : memref<16384xf32, #tpu.memory_space<vmem>>) target_semaphore(%arg20 : memref<!tpu.dma_semaphore, #tpu.memory_space<semaphore_mem>>)
    %dma_wait3A_232 = tpu.memref_slice %arg2[%add3A_181] : memref<8388608xf32, #tpu.memory_space<hbm>> -> memref<16384xf32, #tpu.memory_space<hbm>>
    %dma_wait3A_233 = tpu.memref_slice %arg2[%add3A_181] : memref<8388608xf32, #tpu.memory_space<hbm>> -> memref<16384xf32, #tpu.memory_space<hbm>>
    tpu.wait_dma2 semaphore(%arg13 : memref<!tpu.dma_semaphore, #tpu.memory_space<semaphore_mem>>) src(%dma_wait3A_233 : memref<16384xf32, #tpu.memory_space<hbm>>) dst(%arg7 : memref<16384xf32, #tpu.memory_space<vmem>>)
    %parallel_loop3A_234 = arith.constant 0 : i32
    %parallel_loop3A_235 = arith.constant 1024 : i32
    %parallel_loop3A_236 = arith.constant 1 : i32
    scf.for %parallel_loop3A_338 = %parallel_loop3A_234 to %parallel_loop3A_235 step %parallel_loop3A_236  : i32 {
      %parallel_loop3A_339 = arith.constant 16 : i32
      %parallel_loop3A_340 = arith.muli %parallel_loop3A_338, %parallel_loop3A_339 : i32
      %parallel_loop3A_341 = arith.index_cast %parallel_loop3A_340 : i32 to index
      %parallel_loop3A_342 = tpu.vector_load %arg9[%parallel_loop3A_341] {strides = array<i32>} : memref<16384xf32, #tpu.memory_space<vmem>>, vector<16xf32>,
      %parallel_loop3A_343 = vector.shape_cast %parallel_loop3A_342 : vector<16xf32> to vector<16xf32>
      %parallel_loop3A_344 = arith.index_cast %parallel_loop3A_340 : i32 to index
      %parallel_loop3A_345 = tpu.vector_load %arg7[%parallel_loop3A_344] {strides = array<i32>} : memref<16384xf32, #tpu.memory_space<vmem>>, vector<16xf32>,
      %parallel_loop3A_346 = vector.shape_cast %parallel_loop3A_345 : vector<16xf32> to vector<16xf32>
      %parallel_loop3A_347 = vector.shape_cast %parallel_loop3A_343 : vector<16xf32> to vector<16xf32>
      tpu.vector_store %arg7[%parallel_loop3A_344], %parallel_loop3A_347 {add = true, strides = array<i32>} : memref<16384xf32, #tpu.memory_space<vmem>>, vector<16xf32>,
    } {sc.loop_unroll_factor = 16 : i64, sc.parallel_access}
    %add3A_237 = arith.constant 163840 : i32
    %add3A_238 = arith.addi %mul3A_4, %add3A_237 : i32
    %dma_start3A_239 = tpu.memref_slice %arg4[%add3A_238] : memref<8388608xf32, #tpu.memory_space<hbm>> -> memref<16384xf32, #tpu.memory_space<hbm>>
    %dma_start3A_240 = tpu.memref_slice %arg4[%add3A_238] : memref<8388608xf32, #tpu.memory_space<hbm>> -> memref<16384xf32, #tpu.memory_space<hbm>>
    tpu.enqueue_dma source(%arg7 : memref<16384xf32, #tpu.memory_space<vmem>>) target(%dma_start3A_240 : memref<16384xf32, #tpu.memory_space<hbm>>) target_semaphore(%arg17 : memref<!tpu.dma_semaphore, #tpu.memory_space<semaphore_mem>>)
    %dma_wait3A_241 = tpu.memref_slice %arg4[%add3A_217] : memref<8388608xf32, #tpu.memory_space<hbm>> -> memref<16384xf32, #tpu.memory_space<hbm>>
    %dma_wait3A_242 = tpu.memref_slice %arg4[%add3A_217] : memref<8388608xf32, #tpu.memory_space<hbm>> -> memref<16384xf32, #tpu.memory_space<hbm>>
    tpu.wait_dma2 semaphore(%arg16 : memref<!tpu.dma_semaphore, #tpu.memory_space<semaphore_mem>>) src(%arg6 : memref<16384xf32, #tpu.memory_space<vmem>>) dst(%dma_wait3A_242 : memref<16384xf32, #tpu.memory_space<hbm>>)
    %add3A_243 = arith.constant 212992 : i32
    %add3A_244 = arith.addi %mul3A_4, %add3A_243 : i32
    %dma_start3A_245 = tpu.memref_slice %arg2[%add3A_244] : memref<8388608xf32, #tpu.memory_space<hbm>> -> memref<16384xf32, #tpu.memory_space<hbm>>
    %dma_start3A_246 = tpu.memref_slice %arg2[%add3A_244] : memref<8388608xf32, #tpu.memory_space<hbm>> -> memref<16384xf32, #tpu.memory_space<hbm>>
    tpu.enqueue_dma source(%dma_start3A_246 : memref<16384xf32, #tpu.memory_space<hbm>>) target(%arg6 : memref<16384xf32, #tpu.memory_space<vmem>>) target_semaphore(%arg12 : memref<!tpu.dma_semaphore, #tpu.memory_space<semaphore_mem>>)
    %dma_wait3A_247 = tpu.memref_slice %arg3[%add3A_229] : memref<16777216xf32, #tpu.memory_space<hbm>> -> memref<16384xf32, #tpu.memory_space<hbm>>
    %dma_wait3A_248 = tpu.memref_slice %arg3[%add3A_229] : memref<16777216xf32, #tpu.memory_space<hbm>> -> memref<16384xf32, #tpu.memory_space<hbm>>
    tpu.wait_dma2 semaphore(%arg20 : memref<!tpu.dma_semaphore, #tpu.memory_space<semaphore_mem>>) src(%dma_wait3A_248 : memref<16384xf32, #tpu.memory_space<hbm>>) dst(%arg10 : memref<16384xf32, #tpu.memory_space<vmem>>)
    %add3A_249 = arith.constant 196608 : i32
    %add3A_250 = arith.addi %mul3A_4, %add3A_249 : i32
    %dma_start3A_251 = tpu.memref_slice %arg3[%add3A_250] : memref<16777216xf32, #tpu.memory_space<hbm>> -> memref<16384xf32, #tpu.memory_space<hbm>>
    %dma_start3A_252 = tpu.memref_slice %arg3[%add3A_250] : memref<16777216xf32, #tpu.memory_space<hbm>> -> memref<16384xf32, #tpu.memory_space<hbm>>
    tpu.enqueue_dma source(%dma_start3A_252 : memref<16384xf32, #tpu.memory_space<hbm>>) target(%arg9 : memref<16384xf32, #tpu.memory_space<vmem>>) target_semaphore(%arg19 : memref<!tpu.dma_semaphore, #tpu.memory_space<semaphore_mem>>)
    %dma_wait3A_253 = tpu.memref_slice %arg2[%add3A_202] : memref<8388608xf32, #tpu.memory_space<hbm>> -> memref<16384xf32, #tpu.memory_space<hbm>>
    %dma_wait3A_254 = tpu.memref_slice %arg2[%add3A_202] : memref<8388608xf32, #tpu.memory_space<hbm>> -> memref<16384xf32, #tpu.memory_space<hbm>>
    tpu.wait_dma2 semaphore(%arg14 : memref<!tpu.dma_semaphore, #tpu.memory_space<semaphore_mem>>) src(%dma_wait3A_254 : memref<16384xf32, #tpu.memory_space<hbm>>) dst(%arg8 : memref<16384xf32, #tpu.memory_space<vmem>>)
    %parallel_loop3A_255 = arith.constant 0 : i32
    %parallel_loop3A_256 = arith.constant 1024 : i32
    %parallel_loop3A_257 = arith.constant 1 : i32
    scf.for %parallel_loop3A_338 = %parallel_loop3A_255 to %parallel_loop3A_256 step %parallel_loop3A_257  : i32 {
      %parallel_loop3A_339 = arith.constant 16 : i32
      %parallel_loop3A_340 = arith.muli %parallel_loop3A_338, %parallel_loop3A_339 : i32
      %parallel_loop3A_341 = arith.index_cast %parallel_loop3A_340 : i32 to index
      %parallel_loop3A_342 = tpu.vector_load %arg10[%parallel_loop3A_341] {strides = array<i32>} : memref<16384xf32, #tpu.memory_space<vmem>>, vector<16xf32>,
      %parallel_loop3A_343 = vector.shape_cast %parallel_loop3A_342 : vector<16xf32> to vector<16xf32>
      %parallel_loop3A_344 = arith.index_cast %parallel_loop3A_340 : i32 to index
      %parallel_loop3A_345 = tpu.vector_load %arg8[%parallel_loop3A_344] {strides = array<i32>} : memref<16384xf32, #tpu.memory_space<vmem>>, vector<16xf32>,
      %parallel_loop3A_346 = vector.shape_cast %parallel_loop3A_345 : vector<16xf32> to vector<16xf32>
      %parallel_loop3A_347 = vector.shape_cast %parallel_loop3A_343 : vector<16xf32> to vector<16xf32>
      tpu.vector_store %arg8[%parallel_loop3A_344], %parallel_loop3A_347 {add = true, strides = array<i32>} : memref<16384xf32, #tpu.memory_space<vmem>>, vector<16xf32>,
    } {sc.loop_unroll_factor = 16 : i64, sc.parallel_access}
    %add3A_258 = arith.constant 180224 : i32
    %add3A_259 = arith.addi %mul3A_4, %add3A_258 : i32
    %dma_start3A_260 = tpu.memref_slice %arg4[%add3A_259] : memref<8388608xf32, #tpu.memory_space<hbm>> -> memref<16384xf32, #tpu.memory_space<hbm>>
    %dma_start3A_261 = tpu.memref_slice %arg4[%add3A_259] : memref<8388608xf32, #tpu.memory_space<hbm>> -> memref<16384xf32, #tpu.memory_space<hbm>>
    tpu.enqueue_dma source(%arg8 : memref<16384xf32, #tpu.memory_space<vmem>>) target(%dma_start3A_261 : memref<16384xf32, #tpu.memory_space<hbm>>) target_semaphore(%arg18 : memref<!tpu.dma_semaphore, #tpu.memory_space<semaphore_mem>>)
    %dma_wait3A_262 = tpu.memref_slice %arg4[%add3A_238] : memref<8388608xf32, #tpu.memory_space<hbm>> -> memref<16384xf32, #tpu.memory_space<hbm>>
    %dma_wait3A_263 = tpu.memref_slice %arg4[%add3A_238] : memref<8388608xf32, #tpu.memory_space<hbm>> -> memref<16384xf32, #tpu.memory_space<hbm>>
    tpu.wait_dma2 semaphore(%arg17 : memref<!tpu.dma_semaphore, #tpu.memory_space<semaphore_mem>>) src(%arg7 : memref<16384xf32, #tpu.memory_space<vmem>>) dst(%dma_wait3A_263 : memref<16384xf32, #tpu.memory_space<hbm>>)
    %add3A_264 = arith.constant 229376 : i32
    %add3A_265 = arith.addi %mul3A_4, %add3A_264 : i32
    %dma_start3A_266 = tpu.memref_slice %arg2[%add3A_265] : memref<8388608xf32, #tpu.memory_space<hbm>> -> memref<16384xf32, #tpu.memory_space<hbm>>
    %dma_start3A_267 = tpu.memref_slice %arg2[%add3A_265] : memref<8388608xf32, #tpu.memory_space<hbm>> -> memref<16384xf32, #tpu.memory_space<hbm>>
    tpu.enqueue_dma source(%dma_start3A_267 : memref<16384xf32, #tpu.memory_space<hbm>>) target(%arg7 : memref<16384xf32, #tpu.memory_space<vmem>>) target_semaphore(%arg13 : memref<!tpu.dma_semaphore, #tpu.memory_space<semaphore_mem>>)
    %dma_wait3A_268 = tpu.memref_slice %arg3[%add3A_250] : memref<16777216xf32, #tpu.memory_space<hbm>> -> memref<16384xf32, #tpu.memory_space<hbm>>
    %dma_wait3A_269 = tpu.memref_slice %arg3[%add3A_250] : memref<16777216xf32, #tpu.memory_space<hbm>> -> memref<16384xf32, #tpu.memory_space<hbm>>
    tpu.wait_dma2 semaphore(%arg19 : memref<!tpu.dma_semaphore, #tpu.memory_space<semaphore_mem>>) src(%dma_wait3A_269 : memref<16384xf32, #tpu.memory_space<hbm>>) dst(%arg9 : memref<16384xf32, #tpu.memory_space<vmem>>)
    %add3A_270 = arith.constant 212992 : i32
    %add3A_271 = arith.addi %mul3A_4, %add3A_270 : i32
    %dma_start3A_272 = tpu.memref_slice %arg3[%add3A_271] : memref<16777216xf32, #tpu.memory_space<hbm>> -> memref<16384xf32, #tpu.memory_space<hbm>>
    %dma_start3A_273 = tpu.memref_slice %arg3[%add3A_271] : memref<16777216xf32, #tpu.memory_space<hbm>> -> memref<16384xf32, #tpu.memory_space<hbm>>
    tpu.enqueue_dma source(%dma_start3A_273 : memref<16384xf32, #tpu.memory_space<hbm>>) target(%arg10 : memref<16384xf32, #tpu.memory_space<vmem>>) target_semaphore(%arg20 : memref<!tpu.dma_semaphore, #tpu.memory_space<semaphore_mem>>)
    %dma_wait3A_274 = tpu.memref_slice %arg2[%add3A_223] : memref<8388608xf32, #tpu.memory_space<hbm>> -> memref<16384xf32, #tpu.memory_space<hbm>>
    %dma_wait3A_275 = tpu.memref_slice %arg2[%add3A_223] : memref<8388608xf32, #tpu.memory_space<hbm>> -> memref<16384xf32, #tpu.memory_space<hbm>>
    tpu.wait_dma2 semaphore(%arg11 : memref<!tpu.dma_semaphore, #tpu.memory_space<semaphore_mem>>) src(%dma_wait3A_275 : memref<16384xf32, #tpu.memory_space<hbm>>) dst(%arg5 : memref<16384xf32, #tpu.memory_space<vmem>>)
    %parallel_loop3A_276 = arith.constant 0 : i32
    %parallel_loop3A_277 = arith.constant 1024 : i32
    %parallel_loop3A_278 = arith.constant 1 : i32
    scf.for %parallel_loop3A_338 = %parallel_loop3A_276 to %parallel_loop3A_277 step %parallel_loop3A_278  : i32 {
      %parallel_loop3A_339 = arith.constant 16 : i32
      %parallel_loop3A_340 = arith.muli %parallel_loop3A_338, %parallel_loop3A_339 : i32
      %parallel_loop3A_341 = arith.index_cast %parallel_loop3A_340 : i32 to index
      %parallel_loop3A_342 = tpu.vector_load %arg9[%parallel_loop3A_341] {strides = array<i32>} : memref<16384xf32, #tpu.memory_space<vmem>>, vector<16xf32>,
      %parallel_loop3A_343 = vector.shape_cast %parallel_loop3A_342 : vector<16xf32> to vector<16xf32>
      %parallel_loop3A_344 = arith.index_cast %parallel_loop3A_340 : i32 to index
      %parallel_loop3A_345 = tpu.vector_load %arg5[%parallel_loop3A_344] {strides = array<i32>} : memref<16384xf32, #tpu.memory_space<vmem>>, vector<16xf32>,
      %parallel_loop3A_346 = vector.shape_cast %parallel_loop3A_345 : vector<16xf32> to vector<16xf32>
      %parallel_loop3A_347 = vector.shape_cast %parallel_loop3A_343 : vector<16xf32> to vector<16xf32>
      tpu.vector_store %arg5[%parallel_loop3A_344], %parallel_loop3A_347 {add = true, strides = array<i32>} : memref<16384xf32, #tpu.memory_space<vmem>>, vector<16xf32>,
    } {sc.loop_unroll_factor = 16 : i64, sc.parallel_access}
    %add3A_279 = arith.constant 196608 : i32
    %add3A_280 = arith.addi %mul3A_4, %add3A_279 : i32
    %dma_start3A_281 = tpu.memref_slice %arg4[%add3A_280] : memref<8388608xf32, #tpu.memory_space<hbm>> -> memref<16384xf32, #tpu.memory_space<hbm>>
    %dma_start3A_282 = tpu.memref_slice %arg4[%add3A_280] : memref<8388608xf32, #tpu.memory_space<hbm>> -> memref<16384xf32, #tpu.memory_space<hbm>>
    tpu.enqueue_dma source(%arg5 : memref<16384xf32, #tpu.memory_space<vmem>>) target(%dma_start3A_282 : memref<16384xf32, #tpu.memory_space<hbm>>) target_semaphore(%arg15 : memref<!tpu.dma_semaphore, #tpu.memory_space<semaphore_mem>>)
    %dma_wait3A_283 = tpu.memref_slice %arg4[%add3A_259] : memref<8388608xf32, #tpu.memory_space<hbm>> -> memref<16384xf32, #tpu.memory_space<hbm>>
    %dma_wait3A_284 = tpu.memref_slice %arg4[%add3A_259] : memref<8388608xf32, #tpu.memory_space<hbm>> -> memref<16384xf32, #tpu.memory_space<hbm>>
    tpu.wait_dma2 semaphore(%arg18 : memref<!tpu.dma_semaphore, #tpu.memory_space<semaphore_mem>>) src(%arg8 : memref<16384xf32, #tpu.memory_space<vmem>>) dst(%dma_wait3A_284 : memref<16384xf32, #tpu.memory_space<hbm>>)
    %add3A_285 = arith.constant 245760 : i32
    %add3A_286 = arith.addi %mul3A_4, %add3A_285 : i32
    %dma_start3A_287 = tpu.memref_slice %arg2[%add3A_286] : memref<8388608xf32, #tpu.memory_space<hbm>> -> memref<16384xf32, #tpu.memory_space<hbm>>
    %dma_start3A_288 = tpu.memref_slice %arg2[%add3A_286] : memref<8388608xf32, #tpu.memory_space<hbm>> -> memref<16384xf32, #tpu.memory_space<hbm>>
    tpu.enqueue_dma source(%dma_start3A_288 : memref<16384xf32, #tpu.memory_space<hbm>>) target(%arg8 : memref<16384xf32, #tpu.memory_space<vmem>>) target_semaphore(%arg14 : memref<!tpu.dma_semaphore, #tpu.memory_space<semaphore_mem>>)
    %dma_wait3A_289 = tpu.memref_slice %arg3[%add3A_271] : memref<16777216xf32, #tpu.memory_space<hbm>> -> memref<16384xf32, #tpu.memory_space<hbm>>
    %dma_wait3A_290 = tpu.memref_slice %arg3[%add3A_271] : memref<16777216xf32, #tpu.memory_space<hbm>> -> memref<16384xf32, #tpu.memory_space<hbm>>
    tpu.wait_dma2 semaphore(%arg20 : memref<!tpu.dma_semaphore, #tpu.memory_space<semaphore_mem>>) src(%dma_wait3A_290 : memref<16384xf32, #tpu.memory_space<hbm>>) dst(%arg10 : memref<16384xf32, #tpu.memory_space<vmem>>)
    %add3A_291 = arith.constant 229376 : i32
    %add3A_292 = arith.addi %mul3A_4, %add3A_291 : i32
    %dma_start3A_293 = tpu.memref_slice %arg3[%add3A_292] : memref<16777216xf32, #tpu.memory_space<hbm>> -> memref<16384xf32, #tpu.memory_space<hbm>>
    %dma_start3A_294 = tpu.memref_slice %arg3[%add3A_292] : memref<16777216xf32, #tpu.memory_space<hbm>> -> memref<16384xf32, #tpu.memory_space<hbm>>
    tpu.enqueue_dma source(%dma_start3A_294 : memref<16384xf32, #tpu.memory_space<hbm>>) target(%arg9 : memref<16384xf32, #tpu.memory_space<vmem>>) target_semaphore(%arg19 : memref<!tpu.dma_semaphore, #tpu.memory_space<semaphore_mem>>)
    %dma_wait3A_295 = tpu.memref_slice %arg2[%add3A_244] : memref<8388608xf32, #tpu.memory_space<hbm>> -> memref<16384xf32, #tpu.memory_space<hbm>>
    %dma_wait3A_296 = tpu.memref_slice %arg2[%add3A_244] : memref<8388608xf32, #tpu.memory_space<hbm>> -> memref<16384xf32, #tpu.memory_space<hbm>>
    tpu.wait_dma2 semaphore(%arg12 : memref<!tpu.dma_semaphore, #tpu.memory_space<semaphore_mem>>) src(%dma_wait3A_296 : memref<16384xf32, #tpu.memory_space<hbm>>) dst(%arg6 : memref<16384xf32, #tpu.memory_space<vmem>>)
    %parallel_loop3A_297 = arith.constant 0 : i32
    %parallel_loop3A_298 = arith.constant 1024 : i32
    %parallel_loop3A_299 = arith.constant 1 : i32
    scf.for %parallel_loop3A_338 = %parallel_loop3A_297 to %parallel_loop3A_298 step %parallel_loop3A_299  : i32 {
      %parallel_loop3A_339 = arith.constant 16 : i32
      %parallel_loop3A_340 = arith.muli %parallel_loop3A_338, %parallel_loop3A_339 : i32
      %parallel_loop3A_341 = arith.index_cast %parallel_loop3A_340 : i32 to index
      %parallel_loop3A_342 = tpu.vector_load %arg10[%parallel_loop3A_341] {strides = array<i32>} : memref<16384xf32, #tpu.memory_space<vmem>>, vector<16xf32>,
      %parallel_loop3A_343 = vector.shape_cast %parallel_loop3A_342 : vector<16xf32> to vector<16xf32>
      %parallel_loop3A_344 = arith.index_cast %parallel_loop3A_340 : i32 to index
      %parallel_loop3A_345 = tpu.vector_load %arg6[%parallel_loop3A_344] {strides = array<i32>} : memref<16384xf32, #tpu.memory_space<vmem>>, vector<16xf32>,
      %parallel_loop3A_346 = vector.shape_cast %parallel_loop3A_345 : vector<16xf32> to vector<16xf32>
      %parallel_loop3A_347 = vector.shape_cast %parallel_loop3A_343 : vector<16xf32> to vector<16xf32>
      tpu.vector_store %arg6[%parallel_loop3A_344], %parallel_loop3A_347 {add = true, strides = array<i32>} : memref<16384xf32, #tpu.memory_space<vmem>>, vector<16xf32>,
    } {sc.loop_unroll_factor = 16 : i64, sc.parallel_access}
    %add3A_300 = arith.constant 212992 : i32
    %add3A_301 = arith.addi %mul3A_4, %add3A_300 : i32
    %dma_start3A_302 = tpu.memref_slice %arg4[%add3A_301] : memref<8388608xf32, #tpu.memory_space<hbm>> -> memref<16384xf32, #tpu.memory_space<hbm>>
    %dma_start3A_303 = tpu.memref_slice %arg4[%add3A_301] : memref<8388608xf32, #tpu.memory_space<hbm>> -> memref<16384xf32, #tpu.memory_space<hbm>>
    tpu.enqueue_dma source(%arg6 : memref<16384xf32, #tpu.memory_space<vmem>>) target(%dma_start3A_303 : memref<16384xf32, #tpu.memory_space<hbm>>) target_semaphore(%arg16 : memref<!tpu.dma_semaphore, #tpu.memory_space<semaphore_mem>>)
    %dma_wait3A_304 = tpu.memref_slice %arg3[%add3A_292] : memref<16777216xf32, #tpu.memory_space<hbm>> -> memref<16384xf32, #tpu.memory_space<hbm>>
    %dma_wait3A_305 = tpu.memref_slice %arg3[%add3A_292] : memref<16777216xf32, #tpu.memory_space<hbm>> -> memref<16384xf32, #tpu.memory_space<hbm>>
    tpu.wait_dma2 semaphore(%arg19 : memref<!tpu.dma_semaphore, #tpu.memory_space<semaphore_mem>>) src(%dma_wait3A_305 : memref<16384xf32, #tpu.memory_space<hbm>>) dst(%arg9 : memref<16384xf32, #tpu.memory_space<vmem>>)
    %add3A_306 = arith.constant 245760 : i32
    %add3A_307 = arith.addi %mul3A_4, %add3A_306 : i32
    %dma_start3A_308 = tpu.memref_slice %arg3[%add3A_307] : memref<16777216xf32, #tpu.memory_space<hbm>> -> memref<16384xf32, #tpu.memory_space<hbm>>
    %dma_start3A_309 = tpu.memref_slice %arg3[%add3A_307] : memref<16777216xf32, #tpu.memory_space<hbm>> -> memref<16384xf32, #tpu.memory_space<hbm>>
    tpu.enqueue_dma source(%dma_start3A_309 : memref<16384xf32, #tpu.memory_space<hbm>>) target(%arg10 : memref<16384xf32, #tpu.memory_space<vmem>>) target_semaphore(%arg20 : memref<!tpu.dma_semaphore, #tpu.memory_space<semaphore_mem>>)
    %dma_wait3A_310 = tpu.memref_slice %arg2[%add3A_265] : memref<8388608xf32, #tpu.memory_space<hbm>> -> memref<16384xf32, #tpu.memory_space<hbm>>
    %dma_wait3A_311 = tpu.memref_slice %arg2[%add3A_265] : memref<8388608xf32, #tpu.memory_space<hbm>> -> memref<16384xf32, #tpu.memory_space<hbm>>
    tpu.wait_dma2 semaphore(%arg13 : memref<!tpu.dma_semaphore, #tpu.memory_space<semaphore_mem>>) src(%dma_wait3A_311 : memref<16384xf32, #tpu.memory_space<hbm>>) dst(%arg7 : memref<16384xf32, #tpu.memory_space<vmem>>)
    %parallel_loop3A_312 = arith.constant 0 : i32
    %parallel_loop3A_313 = arith.constant 1024 : i32
    %parallel_loop3A_314 = arith.constant 1 : i32
    scf.for %parallel_loop3A_338 = %parallel_loop3A_312 to %parallel_loop3A_313 step %parallel_loop3A_314  : i32 {
      %parallel_loop3A_339 = arith.constant 16 : i32
      %parallel_loop3A_340 = arith.muli %parallel_loop3A_338, %parallel_loop3A_339 : i32
      %parallel_loop3A_341 = arith.index_cast %parallel_loop3A_340 : i32 to index
      %parallel_loop3A_342 = tpu.vector_load %arg9[%parallel_loop3A_341] {strides = array<i32>} : memref<16384xf32, #tpu.memory_space<vmem>>, vector<16xf32>,
      %parallel_loop3A_343 = vector.shape_cast %parallel_loop3A_342 : vector<16xf32> to vector<16xf32>
      %parallel_loop3A_344 = arith.index_cast %parallel_loop3A_340 : i32 to index
      %parallel_loop3A_345 = tpu.vector_load %arg7[%parallel_loop3A_344] {strides = array<i32>} : memref<16384xf32, #tpu.memory_space<vmem>>, vector<16xf32>,
      %parallel_loop3A_346 = vector.shape_cast %parallel_loop3A_345 : vector<16xf32> to vector<16xf32>
      %parallel_loop3A_347 = vector.shape_cast %parallel_loop3A_343 : vector<16xf32> to vector<16xf32>
      tpu.vector_store %arg7[%parallel_loop3A_344], %parallel_loop3A_347 {add = true, strides = array<i32>} : memref<16384xf32, #tpu.memory_space<vmem>>, vector<16xf32>,
    } {sc.loop_unroll_factor = 16 : i64, sc.parallel_access}
    %add3A_315 = arith.constant 229376 : i32
    %add3A_316 = arith.addi %mul3A_4, %add3A_315 : i32
    %dma_start3A_317 = tpu.memref_slice %arg4[%add3A_316] : memref<8388608xf32, #tpu.memory_space<hbm>> -> memref<16384xf32, #tpu.memory_space<hbm>>
    %dma_start3A_318 = tpu.memref_slice %arg4[%add3A_316] : memref<8388608xf32, #tpu.memory_space<hbm>> -> memref<16384xf32, #tpu.memory_space<hbm>>
    tpu.enqueue_dma source(%arg7 : memref<16384xf32, #tpu.memory_space<vmem>>) target(%dma_start3A_318 : memref<16384xf32, #tpu.memory_space<hbm>>) target_semaphore(%arg17 : memref<!tpu.dma_semaphore, #tpu.memory_space<semaphore_mem>>)
    %dma_wait3A_319 = tpu.memref_slice %arg3[%add3A_307] : memref<16777216xf32, #tpu.memory_space<hbm>> -> memref<16384xf32, #tpu.memory_space<hbm>>
    %dma_wait3A_320 = tpu.memref_slice %arg3[%add3A_307] : memref<16777216xf32, #tpu.memory_space<hbm>> -> memref<16384xf32, #tpu.memory_space<hbm>>
    tpu.wait_dma2 semaphore(%arg20 : memref<!tpu.dma_semaphore, #tpu.memory_space<semaphore_mem>>) src(%dma_wait3A_320 : memref<16384xf32, #tpu.memory_space<hbm>>) dst(%arg10 : memref<16384xf32, #tpu.memory_space<vmem>>)
    %dma_wait3A_321 = tpu.memref_slice %arg2[%add3A_286] : memref<8388608xf32, #tpu.memory_space<hbm>> -> memref<16384xf32, #tpu.memory_space<hbm>>
    %dma_wait3A_322 = tpu.memref_slice %arg2[%add3A_286] : memref<8388608xf32, #tpu.memory_space<hbm>> -> memref<16384xf32, #tpu.memory_space<hbm>>
    tpu.wait_dma2 semaphore(%arg14 : memref<!tpu.dma_semaphore, #tpu.memory_space<semaphore_mem>>) src(%dma_wait3A_322 : memref<16384xf32, #tpu.memory_space<hbm>>) dst(%arg8 : memref<16384xf32, #tpu.memory_space<vmem>>)
    %parallel_loop3A_323 = arith.constant 0 : i32
    %parallel_loop3A_324 = arith.constant 1024 : i32
    %parallel_loop3A_325 = arith.constant 1 : i32
    scf.for %parallel_loop3A_338 = %parallel_loop3A_323 to %parallel_loop3A_324 step %parallel_loop3A_325  : i32 {
      %parallel_loop3A_339 = arith.constant 16 : i32
      %parallel_loop3A_340 = arith.muli %parallel_loop3A_338, %parallel_loop3A_339 : i32
      %parallel_loop3A_341 = arith.index_cast %parallel_loop3A_340 : i32 to index
      %parallel_loop3A_342 = tpu.vector_load %arg10[%parallel_loop3A_341] {strides = array<i32>} : memref<16384xf32, #tpu.memory_space<vmem>>, vector<16xf32>,
      %parallel_loop3A_343 = vector.shape_cast %parallel_loop3A_342 : vector<16xf32> to vector<16xf32>
      %parallel_loop3A_344 = arith.index_cast %parallel_loop3A_340 : i32 to index
      %parallel_loop3A_345 = tpu.vector_load %arg8[%parallel_loop3A_344] {strides = array<i32>} : memref<16384xf32, #tpu.memory_space<vmem>>, vector<16xf32>,
      %parallel_loop3A_346 = vector.shape_cast %parallel_loop3A_345 : vector<16xf32> to vector<16xf32>
      %parallel_loop3A_347 = vector.shape_cast %parallel_loop3A_343 : vector<16xf32> to vector<16xf32>
      tpu.vector_store %arg8[%parallel_loop3A_344], %parallel_loop3A_347 {add = true, strides = array<i32>} : memref<16384xf32, #tpu.memory_space<vmem>>, vector<16xf32>,
    } {sc.loop_unroll_factor = 16 : i64, sc.parallel_access}
    %add3A_326 = arith.constant 245760 : i32
    %add3A_327 = arith.addi %mul3A_4, %add3A_326 : i32
    %dma_start3A_328 = tpu.memref_slice %arg4[%add3A_327] : memref<8388608xf32, #tpu.memory_space<hbm>> -> memref<16384xf32, #tpu.memory_space<hbm>>
    %dma_start3A_329 = tpu.memref_slice %arg4[%add3A_327] : memref<8388608xf32, #tpu.memory_space<hbm>> -> memref<16384xf32, #tpu.memory_space<hbm>>
    tpu.enqueue_dma source(%arg8 : memref<16384xf32, #tpu.memory_space<vmem>>) target(%dma_start3A_329 : memref<16384xf32, #tpu.memory_space<hbm>>) target_semaphore(%arg18 : memref<!tpu.dma_semaphore, #tpu.memory_space<semaphore_mem>>)
    %dma_wait3A_330 = tpu.memref_slice %arg4[%add3A_280] : memref<8388608xf32, #tpu.memory_space<hbm>> -> memref<16384xf32, #tpu.memory_space<hbm>>
    %dma_wait3A_331 = tpu.memref_slice %arg4[%add3A_280] : memref<8388608xf32, #tpu.memory_space<hbm>> -> memref<16384xf32, #tpu.memory_space<hbm>>
    tpu.wait_dma2 semaphore(%arg15 : memref<!tpu.dma_semaphore, #tpu.memory_space<semaphore_mem>>) src(%arg5 : memref<16384xf32, #tpu.memory_space<vmem>>) dst(%dma_wait3A_331 : memref<16384xf32, #tpu.memory_space<hbm>>)
    %dma_wait3A_332 = tpu.memref_slice %arg4[%add3A_301] : memref<8388608xf32, #tpu.memory_space<hbm>> -> memref<16384xf32, #tpu.memory_space<hbm>>
    %dma_wait3A_333 = tpu.memref_slice %arg4[%add3A_301] : memref<8388608xf32, #tpu.memory_space<hbm>> -> memref<16384xf32, #tpu.memory_space<hbm>>
    tpu.wait_dma2 semaphore(%arg16 : memref<!tpu.dma_semaphore, #tpu.memory_space<semaphore_mem>>) src(%arg6 : memref<16384xf32, #tpu.memory_space<vmem>>) dst(%dma_wait3A_333 : memref<16384xf32, #tpu.memory_space<hbm>>)
    %dma_wait3A_334 = tpu.memref_slice %arg4[%add3A_316] : memref<8388608xf32, #tpu.memory_space<hbm>> -> memref<16384xf32, #tpu.memory_space<hbm>>
    %dma_wait3A_335 = tpu.memref_slice %arg4[%add3A_316] : memref<8388608xf32, #tpu.memory_space<hbm>> -> memref<16384xf32, #tpu.memory_space<hbm>>
    tpu.wait_dma2 semaphore(%arg17 : memref<!tpu.dma_semaphore, #tpu.memory_space<semaphore_mem>>) src(%arg7 : memref<16384xf32, #tpu.memory_space<vmem>>) dst(%dma_wait3A_335 : memref<16384xf32, #tpu.memory_space<hbm>>)
    %dma_wait3A_336 = tpu.memref_slice %arg4[%add3A_327] : memref<8388608xf32, #tpu.memory_space<hbm>> -> memref<16384xf32, #tpu.memory_space<hbm>>
    %dma_wait3A_337 = tpu.memref_slice %arg4[%add3A_327] : memref<8388608xf32, #tpu.memory_space<hbm>> -> memref<16384xf32, #tpu.memory_space<hbm>>
    tpu.wait_dma2 semaphore(%arg18 : memref<!tpu.dma_semaphore, #tpu.memory_space<semaphore_mem>>) src(%arg8 : memref<16384xf32, #tpu.memory_space<vmem>>) dst(%dma_wait3A_337 : memref<16384xf32, #tpu.memory_space<hbm>>)
    return
  }
}

module attributes {stable_mosaic.version = 14 : i64} {
  func.func @tc_body(%arg0: i32, %arg1: i32, %arg2: memref<1x512x2048xf32, #tpu.memory_space<vmem>>, %arg3: memref<512x2048xf32, #tpu.memory_space<vmem>>, %arg4: memref<1x512x2048xf32, #tpu.memory_space<vmem>>) attributes {dimension_semantics = [#tpu.dimension_semantics<arbitrary>, #tpu.dimension_semantics<arbitrary>], iteration_bounds = array<i64: 8, 3>, scalar_prefetch = 0 : i64, scratch_operands = 0 : i64, tpu.core_type = #tpu.core_type<tc>, window_params = [{transform_indices = @transform_0, window_bounds = array<i64: 1, 512, 2048>}, {transform_indices = @transform_1, window_bounds = array<i64: 512, 2048>}, {transform_indices = @transform_2, window_bounds = array<i64: 1, 512, 2048>}]} {
    %get3A = arith.constant 0 : index
    %get3A_0 = arith.constant 0 : index
    %get3A_1 = arith.constant 0 : index
    %get3A_2 = vector.load %arg2[%get3A, %get3A_0, %get3A_1] : memref<1x512x2048xf32, #tpu.memory_space<vmem>>, vector<1x512x2048xf32>
    %get3A_3 = arith.constant 0 : index
    %get3A_4 = arith.constant 0 : index
    %get3A_5 = vector.load %arg3[%get3A_3, %get3A_4] : memref<512x2048xf32, #tpu.memory_space<vmem>>, vector<512x2048xf32>
    %broadcast_in_dim3A = vector.shape_cast %get3A_5 : vector<512x2048xf32> to vector<1x512x2048xf32>
    %add3A = arith.addf %get3A_2, %broadcast_in_dim3A : vector<1x512x2048xf32>
    %swap3A = arith.constant 0 : index
    %swap3A_6 = arith.constant 0 : index
    %swap3A_7 = arith.constant 0 : index
    %swap3A_8 = vector.load %arg4[%swap3A, %swap3A_6, %swap3A_7] : memref<1x512x2048xf32, #tpu.memory_space<vmem>>, vector<1x512x2048xf32>
    tpu.vector_store %arg4[%swap3A, %swap3A_6, %swap3A_7], %add3A {strides = array<i32>} : memref<1x512x2048xf32, #tpu.memory_space<vmem>>, vector<1x512x2048xf32>,
    return
  }
  func.func @transform_0(%arg0: i32, %arg1: i32) -> (i32, i32, i32) {
    %add3A = arith.constant 1 : i32
    %add3A_0 = arith.addi %arg1, %add3A : i32
    %c0_i32 = arith.constant 0 : i32
    %c0_i32_1 = arith.constant 0 : i32
    return %add3A_0, %arg0, %c0_i32 : i32, i32, i32
  }
  func.func @transform_1(%arg0: i32, %arg1: i32) -> (i32, i32) {
    %c0_i32 = arith.constant 0 : i32
    %c0_i32_0 = arith.constant 0 : i32
    return %arg0, %c0_i32 : i32, i32
  }
  func.func @transform_2(%arg0: i32, %arg1: i32) -> (i32, i32, i32) {
    %add3A = arith.constant 1 : i32
    %add3A_0 = arith.addi %arg1, %add3A : i32
    %c0_i32 = arith.constant 0 : i32
    %c0_i32_1 = arith.constant 0 : i32
    return %add3A_0, %arg0, %c0_i32 : i32, i32, i32
  }
}

</mosaic_0001>

<sc_bundles>
// kernel: _hybrid.4.cloned.1.call-start
scs
__scs_entry_jumppad:
0x0: {  	(pc) =	sbr.rel $0x88, $3  }
0x1: {  	(tag) =	ssettag $0x0;
	lr =	simm.s32 $0x1  }
0x2: {  	[smem:$0x3F9F] =	sst lr;
	_ =	strace $0xD0000000  }
0x3: {  	_ = 	snop  }
0x4: {  	_ = 	snop  }
0x5: {  	_ = 	snop  }
0x6: {  	_ = 	snop  }
0x7: {  	_ = 	snop  }
__scs_overlays_trampoline_lowered:
0x8: {  	[smem:$0x3FAE] =	sst s0  }
0x9: {  	[smem:$0x3FAF] =	sst s1  }
0xa: {  	[smem:$0x3FB0] =	sst s2  }
0xb: {  	[smem:$0x3FB1] =	sst s3  }
0xc: {  	[smem:$0x3FB2] =	sst s4  }
0xd: {  	[smem:$0x3FB3] =	sst s5  }
0xe: {  	[smem:$0x3FB4] =	sst s6  }
0xf: {  	[smem:$0x3FB5] =	sst s7  }
0x10: {  	[smem:$0x3FB6] =	sst s8  }
0x11: {  	[smem:$0x3FB7] =	sst s9;
	s0 =	simm.s32 @!p0 $0x0  }
0x12: {  	s1 =	sld [smem:$0x3F9D];
	s0 =	simm.s32 @p0 $0x1  }
0x13: {  	[smem:$0x3FB8] =	sst s0;
	s0 =	simm.s32 @!p1 $0x0  }
0x14: {  	s2 =	sld [smem:$0x3F9C];
	s0 =	simm.s32 @p1 $0x1  }
0x15: {  	[smem:$0x3FB9] =	sst s0;
	s0 =	simm.s32 @!p2 $0x0  }
0x16: {  	s3 =	sld [smem:$0x3FDB];
	s0 =	simm.s32 @p2 $0x1  }
0x17: {  	s4 =	simm.s32 $0x1BF5;
	[smem:$0x3FBB] =	sst s0  }
0x18: {  	s0 =	sld [smem:$0x3F9E];
	_ =	swait.ge [sflag:s4], $0x0  }
0x19: {  	s7 =	sld [smem:$0x3F9F]  }
0x1a: {  	s8 =	sadd.s32 $0xFFFFE003, lr  }
0x1b: {  	s9 =	sadd.s32 $0xFFFFFEF7, lr;
	s5 =	simm.s32 $0xFFFFFFFF;
	p2 =	slt.u32 s8, $0xFFFFF086  }
0x1c: {  	p1 =	slt.u32 s9, $0xF7A;
	s5 =	simm.s32 @!p2 $0x0  }
0x1d: {  	s5 =	simm.s32 @p1 $0x1;
	p0 =	seq.s32 s7, s2  }
0x1e: {  	s7 =	smul.u32 @!p0 $0xF7A, s2;
	p2 =	seq.s32 @!p0 s5, $0x0  }
0x1f: {  	s9 =	smul.u32 $0xF7A, s1;
	s8 =	simm.s32 @!p0 $0x1BF5;
	p2 =	por !p2, p0  }
0x20: {  	[sflag:s8] =	ssyncset.s32 @!p0 $0xFFFFF086;
	s6 =	sadd.s32 @!p0 s3, s7;
	s7 =	simm.s32 @!p0 $0x108  }
0x21: {  	s3 =	sadd.s32 s3, s9;
	s6 =	sadd.s32 @!p0 $0x88, s6;
	s7 =	simm.s32 @p2 $0x1082  }
0x22: {  	[simem:s7], [sflag:s8] =	dma.local @!p0 [hbm:s6], $0xF7A  }
0x23: {  	s9 =	sor.u32 $0xD0000000, s2;
	s6 =	simm.s32 $0x108;
	_ =	swait.ge @!p0 [sflag:s8], $0x0  }
0x24: {  	s3 =	sadd.s32 $0x88, s3;
	s6 =	simm.s32 @!p1 $0x1082;
	[sflag:s4] =	ssyncset.s32 $0xFFFFF086  }
0x25: {  	[simem:s6], [sflag:s4] =	dma.local [hbm:s3], $0xF7A  }
0x26: {  	[smem:$0x3F9F] =	sst s1;
	(tag) =	ssettag s2;
	_ =	strace s9  }
0x27: {  	s1 =	sld [smem:$0x3FAF]  }
0x28: {  	s2 =	sld [smem:$0x3FB0]  }
0x29: {  	s4 =	sld [smem:$0x3FB2]  }
0x2a: {  	p0 =	seq.s32 s5, $0x0;
	s5 =	sld [smem:$0x3FB3]  }
0x2b: {  	s6 =	sld [smem:$0x3FB4]  }
0x2c: {  	s7 =	sld [smem:$0x3FB5]  }
0x2d: {  	s3 =	simm.s32 $0x108;
	s8 =	sld [smem:$0x3FB6]  }
0x2e: {  	s3 =	simm.s32 @!p0 $0x1082;
	s9 =	sld [smem:$0x3FB7]  }
0x2f: {  	lr =	sadd.s32 s0, s3;
	s0 =	sld [smem:$0x3FAE]  }
0x30: {  	s3 =	sld [smem:$0x3FB1]  }
0x31: {  	[smem:$0x3FBA] =	sst s10  }
0x32: {  	s10 =	sld [smem:$0x3FB8];
	_ =	sdelay $0x3  }
0x33: {  	p0 =	seq.s32 s10, $0x1;
	s10 =	sld [smem:$0x3FBA];
	_ =	sdelay $0x3  }
0x34: {  	[smem:$0x3FBA] =	sst s10  }
0x35: {  	s10 =	sld [smem:$0x3FB9];
	_ =	sdelay $0x3  }
0x36: {  	p1 =	seq.s32 s10, $0x1;
	s10 =	sld [smem:$0x3FBA];
	_ =	sdelay $0x3  }
0x37: {  	[smem:$0x3FBA] =	sst s10  }
0x38: {  	s10 =	sld [smem:$0x3FBB]  }
0x39: {  	_ = 	snop;
	(pc) =	sbr.ind lr, $3  }
0x3a: {  	_ = 	snop  }
0x3b: {  	_ = 	snop  }
0x3c: {  	p2 =	seq.s32 s10, $0x1;
	s10 =	sld [smem:$0x3FBA]  }
0x3d: {  	_ =	shalt  }
0x3e: {  	_ =	shalt  }
0x3f: {  	_ =	shalt  }
0x40: {  	_ =	shalt  }
0x41: {  	_ =	shalt  }
0x42: {  	_ =	shalt  }
0x43: {  	_ =	shalt  }
0x44: {  	_ =	shalt  }
0x45: {  	_ =	shalt  }
0x46: {  	_ =	shalt  }
0x47: {  	_ =	shalt  }
0x48: {  	_ =	shalt  }
0x49: {  	_ =	shalt  }
0x4a: {  	_ =	shalt  }
0x4b: {  	_ =	shalt  }
0x4c: {  	_ =	shalt  }
0x4d: {  	_ =	shalt  }
0x4e: {  	_ =	shalt  }
0x4f: {  	_ =	shalt  }
0x50: {  	_ =	shalt  }
0x51: {  	_ =	shalt  }
0x52: {  	_ =	shalt  }
0x53: {  	_ =	shalt  }
0x54: {  	_ =	shalt  }
0x55: {  	_ =	shalt  }
0x56: {  	_ =	shalt  }
0x57: {  	_ =	shalt  }
0x58: {  	_ =	shalt  }
0x59: {  	_ =	shalt  }
0x5a: {  	_ =	shalt  }
0x5b: {  	_ =	shalt  }
0x5c: {  	_ =	shalt  }
0x5d: {  	_ =	shalt  }
0x5e: {  	_ =	shalt  }
0x5f: {  	_ =	shalt  }
0x60: {  	_ =	shalt  }
0x61: {  	_ =	shalt  }
0x62: {  	_ =	shalt  }
0x63: {  	_ =	shalt  }
0x64: {  	_ =	shalt  }
0x65: {  	_ =	shalt  }
0x66: {  	_ =	shalt  }
0x67: {  	_ =	shalt  }
0x68: {  	_ =	shalt  }
0x69: {  	_ =	shalt  }
0x6a: {  	_ =	shalt  }
0x6b: {  	_ =	shalt  }
0x6c: {  	_ =	shalt  }
0x6d: {  	_ =	shalt  }
0x6e: {  	_ =	shalt  }
0x6f: {  	_ =	shalt  }
0x70: {  	_ =	shalt  }
0x71: {  	_ =	shalt  }
0x72: {  	_ =	shalt  }
0x73: {  	_ =	shalt  }
0x74: {  	_ =	shalt  }
0x75: {  	_ =	shalt  }
0x76: {  	_ =	shalt  }
0x77: {  	_ =	shalt  }
0x78: {  	_ =	shalt  }
0x79: {  	_ =	shalt  }
0x7a: {  	_ =	shalt  }
0x7b: {  	_ =	shalt  }
0x7c: {  	_ =	shalt  }
0x7d: {  	_ =	shalt  }
0x7e: {  	_ =	shalt  }
0x7f: {  	_ =	shalt  }
0x80: {  	_ =	shalt  }
0x81: {  	_ =	shalt  }
0x82: {  	_ =	shalt  }
0x83: {  	_ =	shalt  }
0x84: {  	_ =	shalt  }
0x85: {  	_ =	shalt  }
0x86: {  	_ =	shalt  }
0x87: {  	_ =	shalt  }
.Lfunc_end0:
.L_simem_size_0:
called_computation.2_lowered:
.L_overlay_start_0:
0x88: {  	s2 =	sld [smem:$0x3FD9]  }
0x89: {  	s3 =	sld [smem:$0x3FFE];
	_ =	sdelay $0x1  }
0x8a: {  	s1 =	srdreg.scid  }
0x8b: {  	s0 =	sand.u32 $0x1, s1  }
0x8c: {  	s16 =	sshll.u32 s0, $0xA;
	s2 =	sadd.s32 s3, s2  }
0x8d: {  	s2 =	sadd.s32 s2, s16  }
0x8e: {  	[smem:$0x3FC6] =	sst s2  }
0x8f: {  	_ = 	snop  }
0x90: {  	(tm) =	ssettm $0x1  }
0x91: {  	s17 =	sld [smem:$0x3FFB];
	_ =	sdelay $0x3  }
0x92: {  	_ =	strace s17  }
0x93: {  	s2 =	sld [smem:$0x3FFC];
	_ =	sdelay $0x3  }
0x94: {  	_ =	strace s2  }
0x95: {  	s2 =	sld [smem:$0x3FFD];
	_ =	sdelay $0x3  }
0x96: {  	_ =	strace s2  }
0x97: {  	_ =	strace $0x8FFFFFFF  }
0x98: {  	s18 =	sld [smem:$0x3FDB];
	_ =	sdelay $0x1  }
0x99: {  	s19 =	simm.s32 $_scs_section_size  }
0x9a: {  	s4 =	simm.s32 $_size__tile_overlayer_lowered;
	s5 =	simm.s32 $_tile_overlayer_lowered  }
0x9b: {  	s22 =	simm.s32 $0x1BFF;
	s21 =	sshll.u32 s5, $0x1;
	s2 =	sadd.s32 s19, s18  }
0x9c: {  	s6 =	simm.s32 $0x0;
	s20 =	sshll.u32 s4, $0x1;
	s4 =	sadd.s32 s21, s2  }
0x9d: {  	[timem:s6], [sflag:s22] =	dma.local [hbm:s4], s20  }
0x9e: {  	_ =	swait.ge [sflag:s22], s20  }
0x9f: {  	s3 =	ssub.s32 $0x0, s20;
	[sflag:s22] =	ssyncset.done $0x0  }
0xa0: {  	[sflag:s22] =	ssyncadd.s32 s3;
	_ =	sdelay $0x1  }
0xa1: {  	s23 =	simm.s32 $0x1B8B  }
0xa2: {  	_ =	swait.ge [sflag:s23], $0x1  }
0xa3: {  	[sflag:s23] =	ssyncset.done $0x0  }
0xa4: {  	s25 =	simm.s32 $0x1B8E;
	s24 =	sld [smem:$0x3FFE];
	[sflag:s23] =	ssyncadd.s32 $0xFFFFFFFF  }
0xa5: {  	s26 =	simm.s32 $execute0_lowered;
	[smem:$0x3FD2] =	sst s25  }
0xa6: {  	s4 =	sshll.u32 s26, $0x1;
	_ =	strace $0x8000004C;
	[dreg:$0x1] =	wrdreg $0xFFFFFFFF  }
0xa7: {  	s28 =	simm.s32 $_size_execute0_lowered;
	s2 =	sadd.s32 s2, s4;
	[dreg:$0x0] =	wrdreg $0x0  }
0xa8: {  	s4 =	sshll.u32 s28, $0x1;
	[dreg:$0x2] =	wrdreg s2  }
0xa9: {  	[dreg:$0x3] =	wrdreg s4  }
0xaa: {  	[dreg:$0x4] =	wrdreg $0xC0  }
0xab: {  	_ =	task [dreg:s6], $0x5FFFF  }
0xac: {  	[dreg:$0x1] =	wrdreg $0xFFFFFFFF  }
0xad: {  	[dreg:$0x0] =	wrdreg $0x60  }
0xae: {  	[dreg:$0x2] =	wrdreg s24  }
0xaf: {  	[dreg:$0x3] =	wrdreg $0x9  }
0xb0: {  	_ =	task.clear_ibuf [dreg:s6], $0x4FFFF;
	_ =	strace $0x9000004C  }
0xb1: {  	s29 =	simm.s32 $0x9;
	_ =	strace $0x8000004E  }
0xb2: {  	_ =	swait.ge [sflag:s29], $0x1  }
0xb3: {  	[sflag:s29] =	ssyncadd.s32 $0xFFFFFFFF  }
0xb4: {  	_ =	strace $0x9000004E  }
0xb5: {  	_ =	sfence  }
0xb6: {  	s30 =	sld [smem:$0x0];
	_ =	sdelay $0x2  }
0xb7: {  	s31 =	sshll.u32 s1, $0xD;
	s1 =	sshrl.u32 s1, $0x2  }
0xb8: {  	s3 =	sand.u32 $0x4000, s31;
	s1 =	sadd.s32 s1, s30  }
0xb9: {  	s0 =	sor.u32 s3, s0;
	s1 =	sshll.u32 s1, $0x11  }
0xba: {  	s0 =	sor.u32 s1, s0  }
0xbb: {  	s0 =	sadd.s32 $0x8F2B, s0  }
0xbc: {  	[sflag:s0] =	ssyncadd.remote.s32 $0x1  }
0xbd: {  	_ =	sfence.sel $0xFFFF  }
0xbe: {  	[dreg:$0x0] =	wrdreg $0xFFFFFFFF;
	(pc) =	sbr.abs _section_cstart, $3  }
0xbf: {  	[dreg:$0x1] =	wrdreg $0xFFFFFFFF  }
0xc0: {  	_ =	task.clear_ibuf [dreg:s6], $0x2FFFF;
	_ =	strace $0x9FFFFFFF  }
0xc1: {  	(tm) =	ssettm $0x7FFFFFFF  }
tec
execute0_lowered:
.L_overlay_start_1:
0x0: {  	(tag) =	ssettag $0x1  }
0x1: {  	s3 =	srdreg.scid  }
0x2: {  	s2 =	rddreg [dreg:$0x0];
	s4 =	stileid.u32;
	s3 =	sand.u32 $0x1, s3  }
0x3: {  	s1 =	simm.s32 $0x0;
	s4 =	sshll.u32 s4, $0x10;
	s6 =	sshll.u32 s3, $0xF  }
0x4: {  	[smem:$0x7FF] =	sst s1;
	s6 =	sor.u32 s6, s4  }
0x5: {  	s0 =	sadd.s32 $0xC00, s2;
	s5 =	ssub.s32 $0x2, s3;
	s24 =	sor.u32 $0x800, s6  }
0x6: {  	s3 =	sadd.s32 $0x100C00, s2;
	s26 =	sor.u32 $0x1000, s6;
	s25 =	sadd.s32 s0, s24  }
0x7: {  	s7 =	sshrl.u32 s5, $0x1;
	s9 =	sadd.s32 s0, s26;
	[dreg:$0x2] =	wrdreg s25  }
0x8: {  	s8 =	sor.u32 $0x1800, s6;
	s10 =	sadd.s32 s3, s24;
	[dreg:$0x3] =	wrdreg s9  }
0x9: {  	s4 =	sadd.s32 $0x300C00, s2;
	s11 =	sadd.s32 s0, s8;
	[dreg:$0x4] =	wrdreg s10  }
0xa: {  	s2 =	ssub.s32 s5, s7;
	s12 =	sadd.s32 s3, s26;
	[dreg:$0x5] =	wrdreg s11  }
0xb: {  	s13 =	sor.u32 $0x2000, s6;
	s5 =	sadd.s32 s4, s24;
	[dreg:$0x6] =	wrdreg s12  }
0xc: {  	s14 =	sadd.s32 s0, s13;
	[dreg:$0x7] =	wrdreg s5  }
0xd: {  	s15 =	sadd.s32 s3, s8;
	[dreg:$0x8] =	wrdreg s14  }
0xe: {  	s16 =	sor.u32 $0x2800, s6;
	s7 =	sadd.s32 s4, s26;
	[dreg:$0x9] =	wrdreg s15  }
0xf: {  	s17 =	sadd.s32 s0, s16;
	[dreg:$0xa] =	wrdreg s7  }
0x10: {  	s18 =	sor.u32 $0x3000, s6;
	s8 =	sadd.s32 s4, s8;
	[dreg:$0xb] =	wrdreg s17  }
0x11: {  	s19 =	sadd.s32 s0, s18;
	[dreg:$0xd] =	wrdreg s8  }
0x12: {  	s28 =	simm.s32 $0xC000;
	s20 =	sadd.s32 s3, s16;
	[dreg:$0xe] =	wrdreg s19  }
0x13: {  	s29 =	simm.s32 $0xA;
	s22 =	sadd.s32 s3, s18;
	[dreg:$0xf] =	wrdreg s20  }
0x14: {  	s21 =	sor.u32 $0x3800, s6;
	s23 =	sadd.s32 s4, s16;
	[dreg:$0x11] =	wrdreg s22  }
0x15: {  	s30 =	simm.s32 $0x2;
	s24 =	sadd.s32 s0, s21;
	[dreg:$0x12] =	wrdreg s23  }
0x16: {  	s31 =	simm.s32 $0x5;
	s26 =	sadd.s32 s3, s21;
	[dreg:$0x14] =	wrdreg s24  }
0x17: {  	s16 =	sor.u32 $0x5800, s6;
	s10 =	sadd.s32 s3, s13;
	[dreg:$0x15] =	wrdreg s26  }
0x18: {  	s5 =	sadd.s32 s4, s13;
	s7 =	sadd.s32 s4, s18;
	[dreg:$0xc] =	wrdreg s10  }
0x19: {  	s25 =	sor.u32 $0x4000, s6;
	s14 =	sor.u32 $0x5000, s6;
	[dreg:$0x10] =	wrdreg s5  }
0x1a: {  	s18 =	sadd.s32 s0, s16;
	s19 =	sor.u32 $0x6000, s6;
	[dreg:$0x13] =	wrdreg s7  }
0x1b: {  	s20 =	sadd.s32 s3, s16;
	s23 =	sadd.s32 s0, s6;
	[smem:$0x7F6] =	sst s18  }
0x1c: {  	s24 =	sadd.s32 s3, s6;
	s26 =	sor.u32 $0x7000, s6;
	[smem:$0x7F7] =	sst s20  }
0x1d: {  	s5 =	sadd.s32 s4, s21;
	s9 =	sadd.s32 s0, s25;
	[smem:$0x7FC] =	sst s23  }
0x1e: {  	s10 =	sor.u32 $0x4800, s6;
	s11 =	sadd.s32 s3, s25;
	[smem:$0x7FD] =	sst s24  }
0x1f: {  	s7 =	sadd.s32 s4, s25;
	s15 =	sadd.s32 s0, s14;
	[dreg:$0x16] =	wrdreg s5  }
0x20: {  	s17 =	sadd.s32 s3, s14;
	s21 =	sadd.s32 s0, s19;
	[dreg:$0x17] =	wrdreg s9  }
0x21: {  	s22 =	sadd.s32 s3, s19;
	s25 =	sor.u32 $0x6800, s6;
	[dreg:$0x18] =	wrdreg s11  }
0x22: {  	s18 =	sadd.s32 s4, s26;
	s20 =	smax.u32 s2, $0x1;
	[dreg:$0x19] =	wrdreg s7  }
0x23: {  	s23 =	simm.s32 $0x8000;
	s24 =	simm.s32 $0x9;
	[dreg:$0x1d] =	wrdreg s15  }
0x24: {  	s2 =	simm.s32 $0x6;
	s12 =	sadd.s32 s0, s10;
	[dreg:$0x1e] =	wrdreg s17  }
0x25: {  	s13 =	sadd.s32 s3, s10;
	s5 =	sadd.s32 s4, s10;
	[smem:$0x7F9] =	sst s21  }
0x26: {  	s7 =	sadd.s32 s4, s16;
	[smem:$0x7FA] =	sst s22;
	s10 =	sadd.s32 s4, s6  }
0x27: {  	s6 =	sor.u32 $0x7800, s6;
	s11 =	sadd.s32 s0, s25;
	[dreg:$0x1a] =	wrdreg s12  }
0x28: {  	s15 =	sadd.s32 s4, s25;
	s16 =	sadd.s32 s3, s26;
	[dreg:$0x1b] =	wrdreg s13  }
0x29: {  	s21 =	simm.s32 $0x4000;
	s22 =	simm.s32 $0x10000;
	[dreg:$0x1c] =	wrdreg s5  }
0x2a: {  	s5 =	sadd.s32 s4, s14;
	[smem:$0x7F8] =	sst s7;
	s12 =	sadd.s32 s0, s26  }
0x2b: {  	s13 =	sadd.s32 s0, s6;
	s14 =	sadd.s32 s3, s25;
	s17 =	sadd.s32 s3, s6  }
0x2c: {  	s25 =	simm.s32 $0x14000;
	s26 =	simm.s32 $0x1;
	s0 =	simm.s32 $0x3  }
0x2d: {  	s3 =	simm.s32 $0x4;
	[dreg:$0x1f] =	wrdreg s5;
	s5 =	sadd.s32 s4, s19  }
0x2e: {  	s19 =	sadd.s32 s4, s6;
	s4 =	simm.s32 $0x7;
	[smem:$0x7FB] =	sst s5  }
0x2f: {  	s6 =	simm.s32 $0x0;
	s5 =	simm.s32 $0x8;
	_ =	strace $0x8000004D  }
.LBB2_1:
0x30: {  	s7 =	sld [smem:$0x7FC];
	_ =	sdelay $0x1  }
0x31: {  	s8 =	rddreg [dreg:$0x2]  }
0x32: {  	[tilespmem:s1], [sflag:$0x1] =	stream.linear.gather [hbm4b:s7+s1], $0x4000, $0x38;
	[tilespmem:$0x18000] =	vst v63  }
0x33: {  	s9 =	sld [smem:$0x7FD]  }
0x34: {  	[tilespmem:s21], [sflag:$0x2] =	stream.linear.gather [hbm4b:s8+s1], $0x4000, $0x38;
	[tilespmem:$0x18000] =	vst v63  }
0x35: {  	_ = 	snop  }
0x36: {  	[tilespmem:s22], [sflag:$0x9] =	stream.linear.gather [hbm4b:s9+s1], $0x4000, $0x38;
	[tilespmem:$0x18000] =	vst v63  }
0x37: {  	s8 =	rddreg [dreg:$0x3]  }
0x38: {  	[tilespmem:s23], [sflag:$0x3] =	stream.linear.gather [hbm4b:s8+s1], $0x4000, $0x38;
	[tilespmem:$0x18000] =	vst v63  }
0x39: {  	_ =	swait.ge [sflag:s24], $0x4000  }
0x3a: {  	[sflag:s24] =	ssyncset.done $0x0  }
0x3b: {  	s9 =	rddreg [dreg:$0x4];
	[sflag:s24] =	ssyncadd.s32 $0xFFFFC000  }
0x3c: {  	[tilespmem:s25], [sflag:$0xA] =	stream.linear.gather [hbm4b:s9+s1], $0x4000, $0x38;
	[tilespmem:$0x18000] =	vst v63  }
0x3d: {  	_ =	swait.ge [sflag:s26], $0x4000  }
0x3e: {  	[sflag:s26] =	ssyncset.done $0x0  }
0x3f: {  	s7 =	simm.s32 $0x0;
	[sflag:s26] =	ssyncadd.s32 $0xFFFFC000  }
0x40: {  	v0 =	vld [tilespmem:s7+$0x100F0]  }
0x41: {  	v1 =	vld [tilespmem:s7+$0x10000]  }
0x42: {  	v2 =	vld [tilespmem:s7+$0x10010]  }
0x43: {  	v3 =	vld [tilespmem:s7+$0x10020]  }
0x44: {  	v4 =	vld [tilespmem:s7+$0x10030]  }
0x45: {  	v5 =	vld [tilespmem:s7+$0x10040]  }
0x46: {  	v6 =	vld [tilespmem:s7+$0x10050]  }
0x47: {  	v7 =	vld [tilespmem:s7+$0x10060]  }
0x48: {  	v8 =	vld [tilespmem:s7+$0x10070]  }
0x49: {  	v9 =	vld [tilespmem:s7+$0x10080]  }
0x4a: {  	v10 =	vld [tilespmem:s7+$0x10090]  }
0x4b: {  	v11 =	vld [tilespmem:s7+$0x100A0]  }
0x4c: {  	v12 =	vld [tilespmem:s7+$0x100B0]  }
0x4d: {  	v13 =	vld [tilespmem:s7+$0x100C0]  }
0x4e: {  	v14 =	vld [tilespmem:s7+$0x100D0]  }
0x4f: {  	[tilespmem:s7+$0xF0] =	vst.add.f32.msk $0xffff, v0  }
0x50: {  	v0 =	vld [tilespmem:s7+$0x100E0]  }
0x51: {  	[tilespmem:s7+$0x0] =	vst.add.f32.msk $0xffff, v1  }
0x52: {  	[tilespmem:s7+$0x10] =	vst.add.f32.msk $0xffff, v2  }
0x53: {  	[tilespmem:s7+$0x20] =	vst.add.f32.msk $0xffff, v3  }
0x54: {  	[tilespmem:s7+$0x30] =	vst.add.f32.msk $0xffff, v4  }
0x55: {  	[tilespmem:s7+$0x40] =	vst.add.f32.msk $0xffff, v5  }
0x56: {  	[tilespmem:s7+$0x50] =	vst.add.f32.msk $0xffff, v6  }
0x57: {  	[tilespmem:s7+$0x60] =	vst.add.f32.msk $0xffff, v7  }
0x58: {  	[tilespmem:s7+$0x70] =	vst.add.f32.msk $0xffff, v8  }
0x59: {  	[tilespmem:s7+$0x80] =	vst.add.f32.msk $0xffff, v9  }
0x5a: {  	[tilespmem:s7+$0x90] =	vst.add.f32.msk $0xffff, v10  }
0x5b: {  	[tilespmem:s7+$0xA0] =	vst.add.f32.msk $0xffff, v11  }
0x5c: {  	[tilespmem:s7+$0xB0] =	vst.add.f32.msk $0xffff, v12  }
0x5d: {  	[tilespmem:s7+$0xC0] =	vst.add.f32.msk $0xffff, v13  }
0x5e: {  	s8 =	simm.s32 $0x0;
	s9 =	simm.s32 $0x400;
	[tilespmem:s7+$0xD0] =	vst.add.f32.msk $0xffff, v14  }
.LBB2_2:
0x5f: {  	s8 =	sadd.s32 $0x10, s8;
	[tilespmem:s7+$0xE0] =	vst.add.f32.msk $0xffff, v0;
	s7 =	sshra.s32 s9, $0x2  }
0x60: {  	v0 =	vld [tilespmem:s7+$0x100F0];
	p0 =	slt.u32 s8, $0x3F0  }
0x61: {  	v1 =	vld [tilespmem:s7+$0x10000]  }
0x62: {  	v2 =	vld [tilespmem:s7+$0x10010]  }
0x63: {  	v3 =	vld [tilespmem:s7+$0x10020]  }
0x64: {  	v4 =	vld [tilespmem:s7+$0x10030]  }
0x65: {  	[tilespmem:s7+$0xF0] =	vst.add.f32.msk $0xffff, v0  }
0x66: {  	v5 =	vld [tilespmem:s7+$0x10040]  }
0x67: {  	v6 =	vld [tilespmem:s7+$0x10050]  }
0x68: {  	v7 =	vld [tilespmem:s7+$0x10060]  }
0x69: {  	v8 =	vld [tilespmem:s7+$0x10070]  }
0x6a: {  	v9 =	vld [tilespmem:s7+$0x10080]  }
0x6b: {  	v10 =	vld [tilespmem:s7+$0x10090]  }
0x6c: {  	v11 =	vld [tilespmem:s7+$0x100A0]  }
0x6d: {  	v12 =	vld [tilespmem:s7+$0x100B0]  }
0x6e: {  	v13 =	vld [tilespmem:s7+$0x100C0]  }
0x6f: {  	v14 =	vld [tilespmem:s7+$0x100D0]  }
0x70: {  	v0 =	vld [tilespmem:s7+$0x100E0]  }
0x71: {  	[tilespmem:s7+$0x0] =	vst.add.f32.msk $0xffff, v1  }
0x72: {  	[tilespmem:s7+$0x10] =	vst.add.f32.msk $0xffff, v2  }
0x73: {  	[tilespmem:s7+$0x20] =	vst.add.f32.msk $0xffff, v3  }
0x74: {  	[tilespmem:s7+$0x30] =	vst.add.f32.msk $0xffff, v4  }
0x75: {  	[tilespmem:s7+$0x40] =	vst.add.f32.msk $0xffff, v5  }
0x76: {  	[tilespmem:s7+$0x50] =	vst.add.f32.msk $0xffff, v6  }
0x77: {  	[tilespmem:s7+$0x60] =	vst.add.f32.msk $0xffff, v7  }
0x78: {  	[tilespmem:s7+$0x70] =	vst.add.f32.msk $0xffff, v8  }
0x79: {  	[tilespmem:s7+$0x80] =	vst.add.f32.msk $0xffff, v9  }
.Ltmp0:
0x7a: {  	[tilespmem:s7+$0x90] =	vst.add.f32.msk $0xffff, v10;
	(pc) =	sbr.rel @p0 .LBB2_2-.Ltmp0, $4  }
0x7b: {  	[tilespmem:s7+$0xA0] =	vst.add.f32.msk $0xffff, v11  }
0x7c: {  	[tilespmem:s7+$0xB0] =	vst.add.f32.msk $0xffff, v12  }
0x7d: {  	[tilespmem:s7+$0xC0] =	vst.add.f32.msk $0xffff, v13  }
0x7e: {  	s9 =	sadd.s32 $0x400, s9;
	[tilespmem:s7+$0xD0] =	vst.add.f32.msk $0xffff, v14  }
0x7f: {  	[tilespmem:s7+$0xE0] =	vst.add.f32.msk $0xffff, v0;
	s7 =	simm.s32 $0x0  }
0x80: {  	[hbm4b:s10+s7] =	stream.linear.scatter [tilespmem:s7], [sflag:$0x5], $0x4000, $0x38;
	[tilespmem:$0x18000] =	vst v63  }
0x81: {  	s8 =	rddreg [dreg:$0x5]  }
0x82: {  	[tilespmem:s28], [sflag:$0x4] =	stream.linear.gather [hbm4b:s8+s7], $0x4000, $0x38;
	[tilespmem:$0x18000] =	vst v63  }
0x83: {  	_ =	swait.ge [sflag:s29], $0x4000  }
0x84: {  	[sflag:s29] =	ssyncset.done $0x0  }
0x85: {  	s9 =	rddreg [dreg:$0x6];
	[sflag:s29] =	ssyncadd.s32 $0xFFFFC000  }
0x86: {  	[tilespmem:s22], [sflag:$0x9] =	stream.linear.gather [hbm4b:s9+s7], $0x4000, $0x38;
	[tilespmem:$0x18000] =	vst v63  }
0x87: {  	_ =	swait.ge [sflag:s30], $0x4000  }
0x88: {  	[sflag:s30] =	ssyncset.done $0x0  }
0x89: {  	s7 =	simm.s32 $0x0;
	[sflag:s30] =	ssyncadd.s32 $0xFFFFC000  }
0x8a: {  	v0 =	vld [tilespmem:s7+$0x140F0]  }
0x8b: {  	v1 =	vld [tilespmem:s7+$0x14000]  }
0x8c: {  	v2 =	vld [tilespmem:s7+$0x14010]  }
0x8d: {  	v3 =	vld [tilespmem:s7+$0x14020]  }
0x8e: {  	v4 =	vld [tilespmem:s7+$0x14030]  }
0x8f: {  	v5 =	vld [tilespmem:s7+$0x14040]  }
0x90: {  	v6 =	vld [tilespmem:s7+$0x14050]  }
0x91: {  	v7 =	vld [tilespmem:s7+$0x14060]  }
0x92: {  	v8 =	vld [tilespmem:s7+$0x14070]  }
0x93: {  	v9 =	vld [tilespmem:s7+$0x14080]  }
0x94: {  	v10 =	vld [tilespmem:s7+$0x14090]  }
0x95: {  	v11 =	vld [tilespmem:s7+$0x140A0]  }
0x96: {  	v12 =	vld [tilespmem:s7+$0x140B0]  }
0x97: {  	v13 =	vld [tilespmem:s7+$0x140C0]  }
0x98: {  	v14 =	vld [tilespmem:s7+$0x140D0]  }
0x99: {  	[tilespmem:s7+$0x40F0] =	vst.add.f32.msk $0xffff, v0  }
0x9a: {  	v0 =	vld [tilespmem:s7+$0x140E0]  }
0x9b: {  	[tilespmem:s7+$0x4000] =	vst.add.f32.msk $0xffff, v1  }
0x9c: {  	[tilespmem:s7+$0x4010] =	vst.add.f32.msk $0xffff, v2  }
0x9d: {  	[tilespmem:s7+$0x4020] =	vst.add.f32.msk $0xffff, v3  }
0x9e: {  	[tilespmem:s7+$0x4030] =	vst.add.f32.msk $0xffff, v4  }
0x9f: {  	[tilespmem:s7+$0x4040] =	vst.add.f32.msk $0xffff, v5  }
0xa0: {  	[tilespmem:s7+$0x4050] =	vst.add.f32.msk $0xffff, v6  }
0xa1: {  	[tilespmem:s7+$0x4060] =	vst.add.f32.msk $0xffff, v7  }
0xa2: {  	[tilespmem:s7+$0x4070] =	vst.add.f32.msk $0xffff, v8  }
0xa3: {  	[tilespmem:s7+$0x4080] =	vst.add.f32.msk $0xffff, v9  }
0xa4: {  	[tilespmem:s7+$0x4090] =	vst.add.f32.msk $0xffff, v10  }
0xa5: {  	[tilespmem:s7+$0x40A0] =	vst.add.f32.msk $0xffff, v11  }
0xa6: {  	[tilespmem:s7+$0x40B0] =	vst.add.f32.msk $0xffff, v12  }
0xa7: {  	[tilespmem:s7+$0x40C0] =	vst.add.f32.msk $0xffff, v13  }
0xa8: {  	s8 =	simm.s32 $0x0;
	s9 =	simm.s32 $0x400;
	[tilespmem:s7+$0x40D0] =	vst.add.f32.msk $0xffff, v14  }
.LBB2_4:
0xa9: {  	s8 =	sadd.s32 $0x10, s8;
	[tilespmem:s7+$0x40E0] =	vst.add.f32.msk $0xffff, v0;
	s7 =	sshra.s32 s9, $0x2  }
0xaa: {  	v0 =	vld [tilespmem:s7+$0x140F0];
	p0 =	slt.u32 s8, $0x3F0  }
0xab: {  	v1 =	vld [tilespmem:s7+$0x14000]  }
0xac: {  	v2 =	vld [tilespmem:s7+$0x14010]  }
0xad: {  	v3 =	vld [tilespmem:s7+$0x14020]  }
0xae: {  	v4 =	vld [tilespmem:s7+$0x14030]  }
0xaf: {  	[tilespmem:s7+$0x40F0] =	vst.add.f32.msk $0xffff, v0  }
0xb0: {  	v5 =	vld [tilespmem:s7+$0x14040]  }
0xb1: {  	v6 =	vld [tilespmem:s7+$0x14050]  }
0xb2: {  	v7 =	vld [tilespmem:s7+$0x14060]  }
0xb3: {  	v8 =	vld [tilespmem:s7+$0x14070]  }
0xb4: {  	v9 =	vld [tilespmem:s7+$0x14080]  }
0xb5: {  	v10 =	vld [tilespmem:s7+$0x14090]  }
0xb6: {  	v11 =	vld [tilespmem:s7+$0x140A0]  }
0xb7: {  	v12 =	vld [tilespmem:s7+$0x140B0]  }
0xb8: {  	v13 =	vld [tilespmem:s7+$0x140C0]  }
0xb9: {  	v14 =	vld [tilespmem:s7+$0x140D0]  }
0xba: {  	v0 =	vld [tilespmem:s7+$0x140E0]  }
0xbb: {  	[tilespmem:s7+$0x4000] =	vst.add.f32.msk $0xffff, v1  }
0xbc: {  	[tilespmem:s7+$0x4010] =	vst.add.f32.msk $0xffff, v2  }
0xbd: {  	[tilespmem:s7+$0x4020] =	vst.add.f32.msk $0xffff, v3  }
0xbe: {  	[tilespmem:s7+$0x4030] =	vst.add.f32.msk $0xffff, v4  }
0xbf: {  	[tilespmem:s7+$0x4040] =	vst.add.f32.msk $0xffff, v5  }
0xc0: {  	[tilespmem:s7+$0x4050] =	vst.add.f32.msk $0xffff, v6  }
0xc1: {  	[tilespmem:s7+$0x4060] =	vst.add.f32.msk $0xffff, v7  }
0xc2: {  	[tilespmem:s7+$0x4070] =	vst.add.f32.msk $0xffff, v8  }
0xc3: {  	[tilespmem:s7+$0x4080] =	vst.add.f32.msk $0xffff, v9  }
.Ltmp1:
0xc4: {  	[tilespmem:s7+$0x4090] =	vst.add.f32.msk $0xffff, v10;
	(pc) =	sbr.rel @p0 .LBB2_4-.Ltmp1, $4  }
0xc5: {  	[tilespmem:s7+$0x40A0] =	vst.add.f32.msk $0xffff, v11  }
0xc6: {  	[tilespmem:s7+$0x40B0] =	vst.add.f32.msk $0xffff, v12  }
0xc7: {  	[tilespmem:s7+$0x40C0] =	vst.add.f32.msk $0xffff, v13  }
0xc8: {  	s9 =	sadd.s32 $0x400, s9;
	[tilespmem:s7+$0x40D0] =	vst.add.f32.msk $0xffff, v14  }
0xc9: {  	[tilespmem:s7+$0x40E0] =	vst.add.f32.msk $0xffff, v0  }
0xca: {  	s7 =	simm.s32 $0x0;
	s8 =	rddreg [dreg:$0x7]  }
0xcb: {  	[hbm4b:s8+s7] =	stream.linear.scatter [tilespmem:s21], [sflag:$0x6], $0x4000, $0x38;
	[tilespmem:$0x18000] =	vst v63  }
0xcc: {  	_ =	swait.ge [sflag:s31], $0x4000  }
0xcd: {  	[sflag:s31] =	ssyncset.done $0x0  }
0xce: {  	s9 =	rddreg [dreg:$0x8];
	[sflag:s31] =	ssyncadd.s32 $0xFFFFC000  }
0xcf: {  	[tilespmem:s7], [sflag:$0x1] =	stream.linear.gather [hbm4b:s9+s7], $0x4000, $0x38;
	[tilespmem:$0x18000] =	vst v63  }
0xd0: {  	_ =	swait.ge [sflag:s24], $0x4000  }
0xd1: {  	[sflag:s24] =	ssyncset.done $0x0  }
0xd2: {  	s9 =	rddreg [dreg:$0x9];
	[sflag:s24] =	ssyncadd.s32 $0xFFFFC000  }
0xd3: {  	[tilespmem:s25], [sflag:$0xA] =	stream.linear.gather [hbm4b:s9+s7], $0x4000, $0x38;
	[tilespmem:$0x18000] =	vst v63  }
0xd4: {  	_ =	swait.ge [sflag:s0], $0x4000  }
0xd5: {  	[sflag:s0] =	ssyncset.done $0x0  }
0xd6: {  	s7 =	simm.s32 $0x0;
	[sflag:s0] =	ssyncadd.s32 $0xFFFFC000  }
0xd7: {  	v0 =	vld [tilespmem:s7+$0x100F0]  }
0xd8: {  	v1 =	vld [tilespmem:s7+$0x10000]  }
0xd9: {  	v2 =	vld [tilespmem:s7+$0x10010]  }
0xda: {  	v3 =	vld [tilespmem:s7+$0x10020]  }
0xdb: {  	v4 =	vld [tilespmem:s7+$0x10030]  }
0xdc: {  	v5 =	vld [tilespmem:s7+$0x10040]  }
0xdd: {  	v6 =	vld [tilespmem:s7+$0x10050]  }
0xde: {  	v7 =	vld [tilespmem:s7+$0x10060]  }
0xdf: {  	v8 =	vld [tilespmem:s7+$0x10070]  }
0xe0: {  	v9 =	vld [tilespmem:s7+$0x10080]  }
0xe1: {  	v10 =	vld [tilespmem:s7+$0x10090]  }
0xe2: {  	v11 =	vld [tilespmem:s7+$0x100A0]  }
0xe3: {  	v12 =	vld [tilespmem:s7+$0x100B0]  }
0xe4: {  	v13 =	vld [tilespmem:s7+$0x100C0]  }
0xe5: {  	v14 =	vld [tilespmem:s7+$0x100D0]  }
0xe6: {  	[tilespmem:s7+$0x80F0] =	vst.add.f32.msk $0xffff, v0  }
0xe7: {  	v0 =	vld [tilespmem:s7+$0x100E0]  }
0xe8: {  	[tilespmem:s7+$0x8000] =	vst.add.f32.msk $0xffff, v1  }
0xe9: {  	[tilespmem:s7+$0x8010] =	vst.add.f32.msk $0xffff, v2  }
0xea: {  	[tilespmem:s7+$0x8020] =	vst.add.f32.msk $0xffff, v3  }
0xeb: {  	[tilespmem:s7+$0x8030] =	vst.add.f32.msk $0xffff, v4  }
0xec: {  	[tilespmem:s7+$0x8040] =	vst.add.f32.msk $0xffff, v5  }
0xed: {  	[tilespmem:s7+$0x8050] =	vst.add.f32.msk $0xffff, v6  }
0xee: {  	[tilespmem:s7+$0x8060] =	vst.add.f32.msk $0xffff, v7  }
0xef: {  	[tilespmem:s7+$0x8070] =	vst.add.f32.msk $0xffff, v8  }
0xf0: {  	[tilespmem:s7+$0x8080] =	vst.add.f32.msk $0xffff, v9  }
0xf1: {  	[tilespmem:s7+$0x8090] =	vst.add.f32.msk $0xffff, v10  }
0xf2: {  	[tilespmem:s7+$0x80A0] =	vst.add.f32.msk $0xffff, v11  }
0xf3: {  	[tilespmem:s7+$0x80B0] =	vst.add.f32.msk $0xffff, v12  }
0xf4: {  	[tilespmem:s7+$0x80C0] =	vst.add.f32.msk $0xffff, v13  }
0xf5: {  	s8 =	simm.s32 $0x0;
	s9 =	simm.s32 $0x400;
	[tilespmem:s7+$0x80D0] =	vst.add.f32.msk $0xffff, v14  }
.LBB2_6:
0xf6: {  	s8 =	sadd.s32 $0x10, s8;
	[tilespmem:s7+$0x80E0] =	vst.add.f32.msk $0xffff, v0;
	s7 =	sshra.s32 s9, $0x2  }
0xf7: {  	v0 =	vld [tilespmem:s7+$0x100F0];
	p0 =	slt.u32 s8, $0x3F0  }
0xf8: {  	v1 =	vld [tilespmem:s7+$0x10000]  }
0xf9: {  	v2 =	vld [tilespmem:s7+$0x10010]  }
0xfa: {  	v3 =	vld [tilespmem:s7+$0x10020]  }
0xfb: {  	v4 =	vld [tilespmem:s7+$0x10030]  }
0xfc: {  	[tilespmem:s7+$0x80F0] =	vst.add.f32.msk $0xffff, v0  }
0xfd: {  	v5 =	vld [tilespmem:s7+$0x10040]  }
0xfe: {  	v6 =	vld [tilespmem:s7+$0x10050]  }
0xff: {  	v7 =	vld [tilespmem:s7+$0x10060]  }
0x100: {  	v8 =	vld [tilespmem:s7+$0x10070]  }
0x101: {  	v9 =	vld [tilespmem:s7+$0x10080]  }
0x102: {  	v10 =	vld [tilespmem:s7+$0x10090]  }
0x103: {  	v11 =	vld [tilespmem:s7+$0x100A0]  }
0x104: {  	v12 =	vld [tilespmem:s7+$0x100B0]  }
0x105: {  	v13 =	vld [tilespmem:s7+$0x100C0]  }
0x106: {  	v14 =	vld [tilespmem:s7+$0x100D0]  }
0x107: {  	v0 =	vld [tilespmem:s7+$0x100E0]  }
0x108: {  	[tilespmem:s7+$0x8000] =	vst.add.f32.msk $0xffff, v1  }
0x109: {  	[tilespmem:s7+$0x8010] =	vst.add.f32.msk $0xffff, v2  }
0x10a: {  	[tilespmem:s7+$0x8020] =	vst.add.f32.msk $0xffff, v3  }
0x10b: {  	[tilespmem:s7+$0x8030] =	vst.add.f32.msk $0xffff, v4  }
0x10c: {  	[tilespmem:s7+$0x8040] =	vst.add.f32.msk $0xffff, v5  }
0x10d: {  	[tilespmem:s7+$0x8050] =	vst.add.f32.msk $0xffff, v6  }
0x10e: {  	[tilespmem:s7+$0x8060] =	vst.add.f32.msk $0xffff, v7  }
0x10f: {  	[tilespmem:s7+$0x8070] =	vst.add.f32.msk $0xffff, v8  }
0x110: {  	[tilespmem:s7+$0x8080] =	vst.add.f32.msk $0xffff, v9  }
.Ltmp2:
0x111: {  	[tilespmem:s7+$0x8090] =	vst.add.f32.msk $0xffff, v10;
	(pc) =	sbr.rel @p0 .LBB2_6-.Ltmp2, $4  }
0x112: {  	[tilespmem:s7+$0x80A0] =	vst.add.f32.msk $0xffff, v11  }
0x113: {  	[tilespmem:s7+$0x80B0] =	vst.add.f32.msk $0xffff, v12  }
0x114: {  	[tilespmem:s7+$0x80C0] =	vst.add.f32.msk $0xffff, v13  }
0x115: {  	s9 =	sadd.s32 $0x400, s9;
	[tilespmem:s7+$0x80D0] =	vst.add.f32.msk $0xffff, v14  }
0x116: {  	[tilespmem:s7+$0x80E0] =	vst.add.f32.msk $0xffff, v0  }
0x117: {  	s7 =	simm.s32 $0x0;
	s8 =	rddreg [dreg:$0xa]  }
0x118: {  	[hbm4b:s8+s7] =	stream.linear.scatter [tilespmem:s23], [sflag:$0x7], $0x4000, $0x38;
	[tilespmem:$0x18000] =	vst v63  }
0x119: {  	_ =	swait.ge [sflag:s2], $0x4000  }
0x11a: {  	[sflag:s2] =	ssyncset.done $0x0  }
0x11b: {  	s9 =	rddreg [dreg:$0xb];
	[sflag:s2] =	ssyncadd.s32 $0xFFFFC000  }
0x11c: {  	[tilespmem:s21], [sflag:$0x2] =	stream.linear.gather [hbm4b:s9+s7], $0x4000, $0x38;
	[tilespmem:$0x18000] =	vst v63  }
0x11d: {  	_ =	swait.ge [sflag:s29], $0x4000  }
0x11e: {  	[sflag:s29] =	ssyncset.done $0x0  }
0x11f: {  	s9 =	rddreg [dreg:$0xc];
	[sflag:s29] =	ssyncadd.s32 $0xFFFFC000  }
0x120: {  	[tilespmem:s22], [sflag:$0x9] =	stream.linear.gather [hbm4b:s9+s7], $0x4000, $0x38;
	[tilespmem:$0x18000] =	vst v63  }
0x121: {  	_ =	swait.ge [sflag:s3], $0x4000  }
0x122: {  	[sflag:s3] =	ssyncset.done $0x0  }
0x123: {  	s7 =	simm.s32 $0x0;
	[sflag:s3] =	ssyncadd.s32 $0xFFFFC000  }
0x124: {  	v0 =	vld [tilespmem:s7+$0x140F0]  }
0x125: {  	v1 =	vld [tilespmem:s7+$0x14000]  }
0x126: {  	v2 =	vld [tilespmem:s7+$0x14010]  }
0x127: {  	v3 =	vld [tilespmem:s7+$0x14020]  }
0x128: {  	v4 =	vld [tilespmem:s7+$0x14030]  }
0x129: {  	v5 =	vld [tilespmem:s7+$0x14040]  }
0x12a: {  	v6 =	vld [tilespmem:s7+$0x14050]  }
0x12b: {  	v7 =	vld [tilespmem:s7+$0x14060]  }
0x12c: {  	v8 =	vld [tilespmem:s7+$0x14070]  }
0x12d: {  	v9 =	vld [tilespmem:s7+$0x14080]  }
0x12e: {  	v10 =	vld [tilespmem:s7+$0x14090]  }
0x12f: {  	v11 =	vld [tilespmem:s7+$0x140A0]  }
0x130: {  	v12 =	vld [tilespmem:s7+$0x140B0]  }
0x131: {  	v13 =	vld [tilespmem:s7+$0x140C0]  }
0x132: {  	v14 =	vld [tilespmem:s7+$0x140D0]  }
0x133: {  	[tilespmem:s7+$0xC0F0] =	vst.add.f32.msk $0xffff, v0  }
0x134: {  	v0 =	vld [tilespmem:s7+$0x140E0]  }
0x135: {  	[tilespmem:s7+$0xC000] =	vst.add.f32.msk $0xffff, v1  }
0x136: {  	[tilespmem:s7+$0xC010] =	vst.add.f32.msk $0xffff, v2  }
0x137: {  	[tilespmem:s7+$0xC020] =	vst.add.f32.msk $0xffff, v3  }
0x138: {  	[tilespmem:s7+$0xC030] =	vst.add.f32.msk $0xffff, v4  }
0x139: {  	[tilespmem:s7+$0xC040] =	vst.add.f32.msk $0xffff, v5  }
0x13a: {  	[tilespmem:s7+$0xC050] =	vst.add.f32.msk $0xffff, v6  }
0x13b: {  	[tilespmem:s7+$0xC060] =	vst.add.f32.msk $0xffff, v7  }
0x13c: {  	[tilespmem:s7+$0xC070] =	vst.add.f32.msk $0xffff, v8  }
0x13d: {  	[tilespmem:s7+$0xC080] =	vst.add.f32.msk $0xffff, v9  }
0x13e: {  	[tilespmem:s7+$0xC090] =	vst.add.f32.msk $0xffff, v10  }
0x13f: {  	[tilespmem:s7+$0xC0A0] =	vst.add.f32.msk $0xffff, v11  }
0x140: {  	[tilespmem:s7+$0xC0B0] =	vst.add.f32.msk $0xffff, v12  }
0x141: {  	[tilespmem:s7+$0xC0C0] =	vst.add.f32.msk $0xffff, v13  }
0x142: {  	s8 =	simm.s32 $0x0;
	s9 =	simm.s32 $0x400;
	[tilespmem:s7+$0xC0D0] =	vst.add.f32.msk $0xffff, v14  }
.LBB2_8:
0x143: {  	s8 =	sadd.s32 $0x10, s8;
	[tilespmem:s7+$0xC0E0] =	vst.add.f32.msk $0xffff, v0;
	s7 =	sshra.s32 s9, $0x2  }
0x144: {  	v0 =	vld [tilespmem:s7+$0x140F0];
	p0 =	slt.u32 s8, $0x3F0  }
0x145: {  	v1 =	vld [tilespmem:s7+$0x14000]  }
0x146: {  	v2 =	vld [tilespmem:s7+$0x14010]  }
0x147: {  	v3 =	vld [tilespmem:s7+$0x14020]  }
0x148: {  	v4 =	vld [tilespmem:s7+$0x14030]  }
0x149: {  	[tilespmem:s7+$0xC0F0] =	vst.add.f32.msk $0xffff, v0  }
0x14a: {  	v5 =	vld [tilespmem:s7+$0x14040]  }
0x14b: {  	v6 =	vld [tilespmem:s7+$0x14050]  }
0x14c: {  	v7 =	vld [tilespmem:s7+$0x14060]  }
0x14d: {  	v8 =	vld [tilespmem:s7+$0x14070]  }
0x14e: {  	v9 =	vld [tilespmem:s7+$0x14080]  }
0x14f: {  	v10 =	vld [tilespmem:s7+$0x14090]  }
0x150: {  	v11 =	vld [tilespmem:s7+$0x140A0]  }
0x151: {  	v12 =	vld [tilespmem:s7+$0x140B0]  }
0x152: {  	v13 =	vld [tilespmem:s7+$0x140C0]  }
0x153: {  	v14 =	vld [tilespmem:s7+$0x140D0]  }
0x154: {  	v0 =	vld [tilespmem:s7+$0x140E0]  }
0x155: {  	[tilespmem:s7+$0xC000] =	vst.add.f32.msk $0xffff, v1  }
0x156: {  	[tilespmem:s7+$0xC010] =	vst.add.f32.msk $0xffff, v2  }
0x157: {  	[tilespmem:s7+$0xC020] =	vst.add.f32.msk $0xffff, v3  }
0x158: {  	[tilespmem:s7+$0xC030] =	vst.add.f32.msk $0xffff, v4  }
0x159: {  	[tilespmem:s7+$0xC040] =	vst.add.f32.msk $0xffff, v5  }
0x15a: {  	[tilespmem:s7+$0xC050] =	vst.add.f32.msk $0xffff, v6  }
0x15b: {  	[tilespmem:s7+$0xC060] =	vst.add.f32.msk $0xffff, v7  }
0x15c: {  	[tilespmem:s7+$0xC070] =	vst.add.f32.msk $0xffff, v8  }
0x15d: {  	[tilespmem:s7+$0xC080] =	vst.add.f32.msk $0xffff, v9  }
.Ltmp3:
0x15e: {  	[tilespmem:s7+$0xC090] =	vst.add.f32.msk $0xffff, v10;
	(pc) =	sbr.rel @p0 .LBB2_8-.Ltmp3, $4  }
0x15f: {  	[tilespmem:s7+$0xC0A0] =	vst.add.f32.msk $0xffff, v11  }
0x160: {  	[tilespmem:s7+$0xC0B0] =	vst.add.f32.msk $0xffff, v12  }
0x161: {  	[tilespmem:s7+$0xC0C0] =	vst.add.f32.msk $0xffff, v13  }
0x162: {  	s9 =	sadd.s32 $0x400, s9;
	[tilespmem:s7+$0xC0D0] =	vst.add.f32.msk $0xffff, v14  }
0x163: {  	[tilespmem:s7+$0xC0E0] =	vst.add.f32.msk $0xffff, v0  }
0x164: {  	s7 =	simm.s32 $0x0;
	s8 =	rddreg [dreg:$0xd]  }
0x165: {  	[hbm4b:s8+s7] =	stream.linear.scatter [tilespmem:s28], [sflag:$0x8], $0x4000, $0x38;
	[tilespmem:$0x18000] =	vst v63  }
0x166: {  	_ =	swait.ge [sflag:s4], $0x4000  }
0x167: {  	[sflag:s4] =	ssyncset.done $0x0  }
0x168: {  	s9 =	rddreg [dreg:$0xe];
	[sflag:s4] =	ssyncadd.s32 $0xFFFFC000  }
0x169: {  	[tilespmem:s23], [sflag:$0x3] =	stream.linear.gather [hbm4b:s9+s7], $0x4000, $0x38;
	[tilespmem:$0x18000] =	vst v63  }
0x16a: {  	_ =	swait.ge [sflag:s24], $0x4000  }
0x16b: {  	[sflag:s24] =	ssyncset.done $0x0  }
0x16c: {  	s9 =	rddreg [dreg:$0xf];
	[sflag:s24] =	ssyncadd.s32 $0xFFFFC000  }
0x16d: {  	[tilespmem:s25], [sflag:$0xA] =	stream.linear.gather [hbm4b:s9+s7], $0x4000, $0x38;
	[tilespmem:$0x18000] =	vst v63  }
0x16e: {  	_ =	swait.ge [sflag:s26], $0x4000  }
0x16f: {  	[sflag:s26] =	ssyncset.done $0x0  }
0x170: {  	s7 =	simm.s32 $0x0;
	[sflag:s26] =	ssyncadd.s32 $0xFFFFC000  }
0x171: {  	v0 =	vld [tilespmem:s7+$0x100F0]  }
0x172: {  	v1 =	vld [tilespmem:s7+$0x10000]  }
0x173: {  	v2 =	vld [tilespmem:s7+$0x10010]  }
0x174: {  	v3 =	vld [tilespmem:s7+$0x10020]  }
0x175: {  	v4 =	vld [tilespmem:s7+$0x10030]  }
0x176: {  	v5 =	vld [tilespmem:s7+$0x10040]  }
0x177: {  	v6 =	vld [tilespmem:s7+$0x10050]  }
0x178: {  	v7 =	vld [tilespmem:s7+$0x10060]  }
0x179: {  	v8 =	vld [tilespmem:s7+$0x10070]  }
0x17a: {  	v9 =	vld [tilespmem:s7+$0x10080]  }
0x17b: {  	v10 =	vld [tilespmem:s7+$0x10090]  }
0x17c: {  	v11 =	vld [tilespmem:s7+$0x100A0]  }
0x17d: {  	v12 =	vld [tilespmem:s7+$0x100B0]  }
0x17e: {  	v13 =	vld [tilespmem:s7+$0x100C0]  }
0x17f: {  	v14 =	vld [tilespmem:s7+$0x100D0]  }
0x180: {  	[tilespmem:s7+$0xF0] =	vst.add.f32.msk $0xffff, v0  }
0x181: {  	v0 =	vld [tilespmem:s7+$0x100E0]  }
0x182: {  	[tilespmem:s7+$0x0] =	vst.add.f32.msk $0xffff, v1  }
0x183: {  	[tilespmem:s7+$0x10] =	vst.add.f32.msk $0xffff, v2  }
0x184: {  	[tilespmem:s7+$0x20] =	vst.add.f32.msk $0xffff, v3  }
0x185: {  	[tilespmem:s7+$0x30] =	vst.add.f32.msk $0xffff, v4  }
0x186: {  	[tilespmem:s7+$0x40] =	vst.add.f32.msk $0xffff, v5  }
0x187: {  	[tilespmem:s7+$0x50] =	vst.add.f32.msk $0xffff, v6  }
0x188: {  	[tilespmem:s7+$0x60] =	vst.add.f32.msk $0xffff, v7  }
0x189: {  	[tilespmem:s7+$0x70] =	vst.add.f32.msk $0xffff, v8  }
0x18a: {  	[tilespmem:s7+$0x80] =	vst.add.f32.msk $0xffff, v9  }
0x18b: {  	[tilespmem:s7+$0x90] =	vst.add.f32.msk $0xffff, v10  }
0x18c: {  	[tilespmem:s7+$0xA0] =	vst.add.f32.msk $0xffff, v11  }
0x18d: {  	[tilespmem:s7+$0xB0] =	vst.add.f32.msk $0xffff, v12  }
0x18e: {  	[tilespmem:s7+$0xC0] =	vst.add.f32.msk $0xffff, v13  }
0x18f: {  	s8 =	simm.s32 $0x0;
	s9 =	simm.s32 $0x400;
	[tilespmem:s7+$0xD0] =	vst.add.f32.msk $0xffff, v14  }
.LBB2_10:
0x190: {  	s8 =	sadd.s32 $0x10, s8;
	[tilespmem:s7+$0xE0] =	vst.add.f32.msk $0xffff, v0;
	s7 =	sshra.s32 s9, $0x2  }
0x191: {  	v0 =	vld [tilespmem:s7+$0x100F0];
	p0 =	slt.u32 s8, $0x3F0  }
0x192: {  	v1 =	vld [tilespmem:s7+$0x10000]  }
0x193: {  	v2 =	vld [tilespmem:s7+$0x10010]  }
0x194: {  	v3 =	vld [tilespmem:s7+$0x10020]  }
0x195: {  	v4 =	vld [tilespmem:s7+$0x10030]  }
0x196: {  	[tilespmem:s7+$0xF0] =	vst.add.f32.msk $0xffff, v0  }
0x197: {  	v5 =	vld [tilespmem:s7+$0x10040]  }
0x198: {  	v6 =	vld [tilespmem:s7+$0x10050]  }
0x199: {  	v7 =	vld [tilespmem:s7+$0x10060]  }
0x19a: {  	v8 =	vld [tilespmem:s7+$0x10070]  }
0x19b: {  	v9 =	vld [tilespmem:s7+$0x10080]  }
0x19c: {  	v10 =	vld [tilespmem:s7+$0x10090]  }
0x19d: {  	v11 =	vld [tilespmem:s7+$0x100A0]  }
0x19e: {  	v12 =	vld [tilespmem:s7+$0x100B0]  }
0x19f: {  	v13 =	vld [tilespmem:s7+$0x100C0]  }
0x1a0: {  	v14 =	vld [tilespmem:s7+$0x100D0]  }
0x1a1: {  	v0 =	vld [tilespmem:s7+$0x100E0]  }
0x1a2: {  	[tilespmem:s7+$0x0] =	vst.add.f32.msk $0xffff, v1  }
0x1a3: {  	[tilespmem:s7+$0x10] =	vst.add.f32.msk $0xffff, v2  }
0x1a4: {  	[tilespmem:s7+$0x20] =	vst.add.f32.msk $0xffff, v3  }
0x1a5: {  	[tilespmem:s7+$0x30] =	vst.add.f32.msk $0xffff, v4  }
0x1a6: {  	[tilespmem:s7+$0x40] =	vst.add.f32.msk $0xffff, v5  }
0x1a7: {  	[tilespmem:s7+$0x50] =	vst.add.f32.msk $0xffff, v6  }
0x1a8: {  	[tilespmem:s7+$0x60] =	vst.add.f32.msk $0xffff, v7  }
0x1a9: {  	[tilespmem:s7+$0x70] =	vst.add.f32.msk $0xffff, v8  }
0x1aa: {  	[tilespmem:s7+$0x80] =	vst.add.f32.msk $0xffff, v9  }
.Ltmp4:
0x1ab: {  	[tilespmem:s7+$0x90] =	vst.add.f32.msk $0xffff, v10;
	(pc) =	sbr.rel @p0 .LBB2_10-.Ltmp4, $4  }
0x1ac: {  	[tilespmem:s7+$0xA0] =	vst.add.f32.msk $0xffff, v11  }
0x1ad: {  	[tilespmem:s7+$0xB0] =	vst.add.f32.msk $0xffff, v12  }
0x1ae: {  	[tilespmem:s7+$0xC0] =	vst.add.f32.msk $0xffff, v13  }
0x1af: {  	s9 =	sadd.s32 $0x400, s9;
	[tilespmem:s7+$0xD0] =	vst.add.f32.msk $0xffff, v14  }
0x1b0: {  	[tilespmem:s7+$0xE0] =	vst.add.f32.msk $0xffff, v0  }
0x1b1: {  	s7 =	simm.s32 $0x0;
	s8 =	rddreg [dreg:$0x10]  }
0x1b2: {  	[hbm4b:s8+s7] =	stream.linear.scatter [tilespmem:s7], [sflag:$0x5], $0x4000, $0x38;
	[tilespmem:$0x18000] =	vst v63  }
0x1b3: {  	_ =	swait.ge [sflag:s5], $0x4000  }
0x1b4: {  	[sflag:s5] =	ssyncset.done $0x0  }
0x1b5: {  	s9 =	rddreg [dreg:$0x14];
	[sflag:s5] =	ssyncadd.s32 $0xFFFFC000  }
0x1b6: {  	[tilespmem:s28], [sflag:$0x4] =	stream.linear.gather [hbm4b:s9+s7], $0x4000, $0x38;
	[tilespmem:$0x18000] =	vst v63  }
0x1b7: {  	_ =	swait.ge [sflag:s29], $0x4000  }
0x1b8: {  	[sflag:s29] =	ssyncset.done $0x0  }
0x1b9: {  	s9 =	rddreg [dreg:$0x11];
	[sflag:s29] =	ssyncadd.s32 $0xFFFFC000  }
0x1ba: {  	[tilespmem:s22], [sflag:$0x9] =	stream.linear.gather [hbm4b:s9+s7], $0x4000, $0x38;
	[tilespmem:$0x18000] =	vst v63  }
0x1bb: {  	_ =	swait.ge [sflag:s30], $0x4000  }
0x1bc: {  	[sflag:s30] =	ssyncset.done $0x0  }
0x1bd: {  	s7 =	simm.s32 $0x0;
	[sflag:s30] =	ssyncadd.s32 $0xFFFFC000  }
0x1be: {  	v0 =	vld [tilespmem:s7+$0x140F0]  }
0x1bf: {  	v1 =	vld [tilespmem:s7+$0x14000]  }
0x1c0: {  	v2 =	vld [tilespmem:s7+$0x14010]  }
0x1c1: {  	v3 =	vld [tilespmem:s7+$0x14020]  }
0x1c2: {  	v4 =	vld [tilespmem:s7+$0x14030]  }
0x1c3: {  	v5 =	vld [tilespmem:s7+$0x14040]  }
0x1c4: {  	v6 =	vld [tilespmem:s7+$0x14050]  }
0x1c5: {  	v7 =	vld [tilespmem:s7+$0x14060]  }
0x1c6: {  	v8 =	vld [tilespmem:s7+$0x14070]  }
0x1c7: {  	v9 =	vld [tilespmem:s7+$0x14080]  }
0x1c8: {  	v10 =	vld [tilespmem:s7+$0x14090]  }
0x1c9: {  	v11 =	vld [tilespmem:s7+$0x140A0]  }
0x1ca: {  	v12 =	vld [tilespmem:s7+$0x140B0]  }
0x1cb: {  	v13 =	vld [tilespmem:s7+$0x140C0]  }
0x1cc: {  	v14 =	vld [tilespmem:s7+$0x140D0]  }
0x1cd: {  	[tilespmem:s7+$0x40F0] =	vst.add.f32.msk $0xffff, v0  }
0x1ce: {  	v0 =	vld [tilespmem:s7+$0x140E0]  }
0x1cf: {  	[tilespmem:s7+$0x4000] =	vst.add.f32.msk $0xffff, v1  }
0x1d0: {  	[tilespmem:s7+$0x4010] =	vst.add.f32.msk $0xffff, v2  }
0x1d1: {  	[tilespmem:s7+$0x4020] =	vst.add.f32.msk $0xffff, v3  }
0x1d2: {  	[tilespmem:s7+$0x4030] =	vst.add.f32.msk $0xffff, v4  }
0x1d3: {  	[tilespmem:s7+$0x4040] =	vst.add.f32.msk $0xffff, v5  }
0x1d4: {  	[tilespmem:s7+$0x4050] =	vst.add.f32.msk $0xffff, v6  }
0x1d5: {  	[tilespmem:s7+$0x4060] =	vst.add.f32.msk $0xffff, v7  }
0x1d6: {  	[tilespmem:s7+$0x4070] =	vst.add.f32.msk $0xffff, v8  }
0x1d7: {  	[tilespmem:s7+$0x4080] =	vst.add.f32.msk $0xffff, v9  }
0x1d8: {  	[tilespmem:s7+$0x4090] =	vst.add.f32.msk $0xffff, v10  }
0x1d9: {  	[tilespmem:s7+$0x40A0] =	vst.add.f32.msk $0xffff, v11  }
0x1da: {  	[tilespmem:s7+$0x40B0] =	vst.add.f32.msk $0xffff, v12  }
0x1db: {  	[tilespmem:s7+$0x40C0] =	vst.add.f32.msk $0xffff, v13  }
0x1dc: {  	s8 =	simm.s32 $0x0;
	s9 =	simm.s32 $0x400;
	[tilespmem:s7+$0x40D0] =	vst.add.f32.msk $0xffff, v14  }
.LBB2_12:
0x1dd: {  	s8 =	sadd.s32 $0x10, s8;
	[tilespmem:s7+$0x40E0] =	vst.add.f32.msk $0xffff, v0;
	s7 =	sshra.s32 s9, $0x2  }
0x1de: {  	v0 =	vld [tilespmem:s7+$0x140F0];
	p0 =	slt.u32 s8, $0x3F0  }
0x1df: {  	v1 =	vld [tilespmem:s7+$0x14000]  }
0x1e0: {  	v2 =	vld [tilespmem:s7+$0x14010]  }
0x1e1: {  	v3 =	vld [tilespmem:s7+$0x14020]  }
0x1e2: {  	v4 =	vld [tilespmem:s7+$0x14030]  }
0x1e3: {  	[tilespmem:s7+$0x40F0] =	vst.add.f32.msk $0xffff, v0  }
0x1e4: {  	v5 =	vld [tilespmem:s7+$0x14040]  }
0x1e5: {  	v6 =	vld [tilespmem:s7+$0x14050]  }
0x1e6: {  	v7 =	vld [tilespmem:s7+$0x14060]  }
0x1e7: {  	v8 =	vld [tilespmem:s7+$0x14070]  }
0x1e8: {  	v9 =	vld [tilespmem:s7+$0x14080]  }
0x1e9: {  	v10 =	vld [tilespmem:s7+$0x14090]  }
0x1ea: {  	v11 =	vld [tilespmem:s7+$0x140A0]  }
0x1eb: {  	v12 =	vld [tilespmem:s7+$0x140B0]  }
0x1ec: {  	v13 =	vld [tilespmem:s7+$0x140C0]  }
0x1ed: {  	v14 =	vld [tilespmem:s7+$0x140D0]  }
0x1ee: {  	v0 =	vld [tilespmem:s7+$0x140E0]  }
0x1ef: {  	[tilespmem:s7+$0x4000] =	vst.add.f32.msk $0xffff, v1  }
0x1f0: {  	[tilespmem:s7+$0x4010] =	vst.add.f32.msk $0xffff, v2  }
0x1f1: {  	[tilespmem:s7+$0x4020] =	vst.add.f32.msk $0xffff, v3  }
0x1f2: {  	[tilespmem:s7+$0x4030] =	vst.add.f32.msk $0xffff, v4  }
0x1f3: {  	[tilespmem:s7+$0x4040] =	vst.add.f32.msk $0xffff, v5  }
0x1f4: {  	[tilespmem:s7+$0x4050] =	vst.add.f32.msk $0xffff, v6  }
0x1f5: {  	[tilespmem:s7+$0x4060] =	vst.add.f32.msk $0xffff, v7  }
0x1f6: {  	[tilespmem:s7+$0x4070] =	vst.add.f32.msk $0xffff, v8  }
0x1f7: {  	[tilespmem:s7+$0x4080] =	vst.add.f32.msk $0xffff, v9  }
.Ltmp5:
0x1f8: {  	[tilespmem:s7+$0x4090] =	vst.add.f32.msk $0xffff, v10;
	(pc) =	sbr.rel @p0 .LBB2_12-.Ltmp5, $4  }
0x1f9: {  	[tilespmem:s7+$0x40A0] =	vst.add.f32.msk $0xffff, v11  }
0x1fa: {  	[tilespmem:s7+$0x40B0] =	vst.add.f32.msk $0xffff, v12  }
0x1fb: {  	[tilespmem:s7+$0x40C0] =	vst.add.f32.msk $0xffff, v13  }
0x1fc: {  	s9 =	sadd.s32 $0x400, s9;
	[tilespmem:s7+$0x40D0] =	vst.add.f32.msk $0xffff, v14  }
0x1fd: {  	[tilespmem:s7+$0x40E0] =	vst.add.f32.msk $0xffff, v0  }
0x1fe: {  	s7 =	simm.s32 $0x0;
	s8 =	rddreg [dreg:$0x12]  }
0x1ff: {  	[hbm4b:s8+s7] =	stream.linear.scatter [tilespmem:s21], [sflag:$0x6], $0x4000, $0x38;
	[tilespmem:$0x18000] =	vst v63  }
0x200: {  	_ =	swait.ge [sflag:s31], $0x4000  }
0x201: {  	[sflag:s31] =	ssyncset.done $0x0  }
0x202: {  	s9 =	rddreg [dreg:$0x17];
	[sflag:s31] =	ssyncadd.s32 $0xFFFFC000  }
0x203: {  	[tilespmem:s7], [sflag:$0x1] =	stream.linear.gather [hbm4b:s9+s7], $0x4000, $0x38;
	[tilespmem:$0x18000] =	vst v63  }
0x204: {  	_ =	swait.ge [sflag:s24], $0x4000  }
0x205: {  	[sflag:s24] =	ssyncset.done $0x0  }
0x206: {  	s9 =	rddreg [dreg:$0x15];
	[sflag:s24] =	ssyncadd.s32 $0xFFFFC000  }
0x207: {  	[tilespmem:s25], [sflag:$0xA] =	stream.linear.gather [hbm4b:s9+s7], $0x4000, $0x38;
	[tilespmem:$0x18000] =	vst v63  }
0x208: {  	_ =	swait.ge [sflag:s0], $0x4000  }
0x209: {  	[sflag:s0] =	ssyncset.done $0x0  }
0x20a: {  	s7 =	simm.s32 $0x0;
	[sflag:s0] =	ssyncadd.s32 $0xFFFFC000  }
0x20b: {  	v0 =	vld [tilespmem:s7+$0x100F0]  }
0x20c: {  	v1 =	vld [tilespmem:s7+$0x10000]  }
0x20d: {  	v2 =	vld [tilespmem:s7+$0x10010]  }
0x20e: {  	v3 =	vld [tilespmem:s7+$0x10020]  }
0x20f: {  	v4 =	vld [tilespmem:s7+$0x10030]  }
0x210: {  	v5 =	vld [tilespmem:s7+$0x10040]  }
0x211: {  	v6 =	vld [tilespmem:s7+$0x10050]  }
0x212: {  	v7 =	vld [tilespmem:s7+$0x10060]  }
0x213: {  	v8 =	vld [tilespmem:s7+$0x10070]  }
0x214: {  	v9 =	vld [tilespmem:s7+$0x10080]  }
0x215: {  	v10 =	vld [tilespmem:s7+$0x10090]  }
0x216: {  	v11 =	vld [tilespmem:s7+$0x100A0]  }
0x217: {  	v12 =	vld [tilespmem:s7+$0x100B0]  }
0x218: {  	v13 =	vld [tilespmem:s7+$0x100C0]  }
0x219: {  	v14 =	vld [tilespmem:s7+$0x100D0]  }
0x21a: {  	[tilespmem:s7+$0x80F0] =	vst.add.f32.msk $0xffff, v0  }
0x21b: {  	v0 =	vld [tilespmem:s7+$0x100E0]  }
0x21c: {  	[tilespmem:s7+$0x8000] =	vst.add.f32.msk $0xffff, v1  }
0x21d: {  	[tilespmem:s7+$0x8010] =	vst.add.f32.msk $0xffff, v2  }
0x21e: {  	[tilespmem:s7+$0x8020] =	vst.add.f32.msk $0xffff, v3  }
0x21f: {  	[tilespmem:s7+$0x8030] =	vst.add.f32.msk $0xffff, v4  }
0x220: {  	[tilespmem:s7+$0x8040] =	vst.add.f32.msk $0xffff, v5  }
0x221: {  	[tilespmem:s7+$0x8050] =	vst.add.f32.msk $0xffff, v6  }
0x222: {  	[tilespmem:s7+$0x8060] =	vst.add.f32.msk $0xffff, v7  }
0x223: {  	[tilespmem:s7+$0x8070] =	vst.add.f32.msk $0xffff, v8  }
0x224: {  	[tilespmem:s7+$0x8080] =	vst.add.f32.msk $0xffff, v9  }
0x225: {  	[tilespmem:s7+$0x8090] =	vst.add.f32.msk $0xffff, v10  }
0x226: {  	[tilespmem:s7+$0x80A0] =	vst.add.f32.msk $0xffff, v11  }
0x227: {  	[tilespmem:s7+$0x80B0] =	vst.add.f32.msk $0xffff, v12  }
0x228: {  	[tilespmem:s7+$0x80C0] =	vst.add.f32.msk $0xffff, v13  }
0x229: {  	s8 =	simm.s32 $0x0;
	s9 =	simm.s32 $0x400;
	[tilespmem:s7+$0x80D0] =	vst.add.f32.msk $0xffff, v14  }
.LBB2_14:
0x22a: {  	s8 =	sadd.s32 $0x10, s8;
	[tilespmem:s7+$0x80E0] =	vst.add.f32.msk $0xffff, v0;
	s7 =	sshra.s32 s9, $0x2  }
0x22b: {  	v0 =	vld [tilespmem:s7+$0x100F0];
	p0 =	slt.u32 s8, $0x3F0  }
0x22c: {  	v1 =	vld [tilespmem:s7+$0x10000]  }
0x22d: {  	v2 =	vld [tilespmem:s7+$0x10010]  }
0x22e: {  	v3 =	vld [tilespmem:s7+$0x10020]  }
0x22f: {  	v4 =	vld [tilespmem:s7+$0x10030]  }
0x230: {  	[tilespmem:s7+$0x80F0] =	vst.add.f32.msk $0xffff, v0  }
0x231: {  	v5 =	vld [tilespmem:s7+$0x10040]  }
0x232: {  	v6 =	vld [tilespmem:s7+$0x10050]  }
0x233: {  	v7 =	vld [tilespmem:s7+$0x10060]  }
0x234: {  	v8 =	vld [tilespmem:s7+$0x10070]  }
0x235: {  	v9 =	vld [tilespmem:s7+$0x10080]  }
0x236: {  	v10 =	vld [tilespmem:s7+$0x10090]  }
0x237: {  	v11 =	vld [tilespmem:s7+$0x100A0]  }
0x238: {  	v12 =	vld [tilespmem:s7+$0x100B0]  }
0x239: {  	v13 =	vld [tilespmem:s7+$0x100C0]  }
0x23a: {  	v14 =	vld [tilespmem:s7+$0x100D0]  }
0x23b: {  	v0 =	vld [tilespmem:s7+$0x100E0]  }
0x23c: {  	[tilespmem:s7+$0x8000] =	vst.add.f32.msk $0xffff, v1  }
0x23d: {  	[tilespmem:s7+$0x8010] =	vst.add.f32.msk $0xffff, v2  }
0x23e: {  	[tilespmem:s7+$0x8020] =	vst.add.f32.msk $0xffff, v3  }
0x23f: {  	[tilespmem:s7+$0x8030] =	vst.add.f32.msk $0xffff, v4  }
0x240: {  	[tilespmem:s7+$0x8040] =	vst.add.f32.msk $0xffff, v5  }
0x241: {  	[tilespmem:s7+$0x8050] =	vst.add.f32.msk $0xffff, v6  }
0x242: {  	[tilespmem:s7+$0x8060] =	vst.add.f32.msk $0xffff, v7  }
0x243: {  	[tilespmem:s7+$0x8070] =	vst.add.f32.msk $0xffff, v8  }
0x244: {  	[tilespmem:s7+$0x8080] =	vst.add.f32.msk $0xffff, v9  }
.Ltmp6:
0x245: {  	[tilespmem:s7+$0x8090] =	vst.add.f32.msk $0xffff, v10;
	(pc) =	sbr.rel @p0 .LBB2_14-.Ltmp6, $4  }
0x246: {  	[tilespmem:s7+$0x80A0] =	vst.add.f32.msk $0xffff, v11  }
0x247: {  	[tilespmem:s7+$0x80B0] =	vst.add.f32.msk $0xffff, v12  }
0x248: {  	[tilespmem:s7+$0x80C0] =	vst.add.f32.msk $0xffff, v13  }
0x249: {  	s9 =	sadd.s32 $0x400, s9;
	[tilespmem:s7+$0x80D0] =	vst.add.f32.msk $0xffff, v14  }
0x24a: {  	[tilespmem:s7+$0x80E0] =	vst.add.f32.msk $0xffff, v0  }
0x24b: {  	s7 =	simm.s32 $0x0;
	s8 =	rddreg [dreg:$0x13]  }
0x24c: {  	[hbm4b:s8+s7] =	stream.linear.scatter [tilespmem:s23], [sflag:$0x7], $0x4000, $0x38;
	[tilespmem:$0x18000] =	vst v63  }
0x24d: {  	_ =	swait.ge [sflag:s2], $0x4000  }
0x24e: {  	[sflag:s2] =	ssyncset.done $0x0  }
0x24f: {  	s9 =	rddreg [dreg:$0x1a];
	[sflag:s2] =	ssyncadd.s32 $0xFFFFC000  }
0x250: {  	[tilespmem:s21], [sflag:$0x2] =	stream.linear.gather [hbm4b:s9+s7], $0x4000, $0x38;
	[tilespmem:$0x18000] =	vst v63  }
0x251: {  	_ =	swait.ge [sflag:s29], $0x4000  }
0x252: {  	[sflag:s29] =	ssyncset.done $0x0  }
0x253: {  	s9 =	rddreg [dreg:$0x18];
	[sflag:s29] =	ssyncadd.s32 $0xFFFFC000  }
0x254: {  	[tilespmem:s22], [sflag:$0x9] =	stream.linear.gather [hbm4b:s9+s7], $0x4000, $0x38;
	[tilespmem:$0x18000] =	vst v63  }
0x255: {  	_ =	swait.ge [sflag:s3], $0x4000  }
0x256: {  	[sflag:s3] =	ssyncset.done $0x0  }
0x257: {  	s7 =	simm.s32 $0x0;
	[sflag:s3] =	ssyncadd.s32 $0xFFFFC000  }
0x258: {  	v0 =	vld [tilespmem:s7+$0x140F0]  }
0x259: {  	v1 =	vld [tilespmem:s7+$0x14000]  }
0x25a: {  	v2 =	vld [tilespmem:s7+$0x14010]  }
0x25b: {  	v3 =	vld [tilespmem:s7+$0x14020]  }
0x25c: {  	v4 =	vld [tilespmem:s7+$0x14030]  }
0x25d: {  	v5 =	vld [tilespmem:s7+$0x14040]  }
0x25e: {  	v6 =	vld [tilespmem:s7+$0x14050]  }
0x25f: {  	v7 =	vld [tilespmem:s7+$0x14060]  }
0x260: {  	v8 =	vld [tilespmem:s7+$0x14070]  }
0x261: {  	v9 =	vld [tilespmem:s7+$0x14080]  }
0x262: {  	v10 =	vld [tilespmem:s7+$0x14090]  }
0x263: {  	v11 =	vld [tilespmem:s7+$0x140A0]  }
0x264: {  	v12 =	vld [tilespmem:s7+$0x140B0]  }
0x265: {  	v13 =	vld [tilespmem:s7+$0x140C0]  }
0x266: {  	v14 =	vld [tilespmem:s7+$0x140D0]  }
0x267: {  	[tilespmem:s7+$0xC0F0] =	vst.add.f32.msk $0xffff, v0  }
0x268: {  	v0 =	vld [tilespmem:s7+$0x140E0]  }
0x269: {  	[tilespmem:s7+$0xC000] =	vst.add.f32.msk $0xffff, v1  }
0x26a: {  	[tilespmem:s7+$0xC010] =	vst.add.f32.msk $0xffff, v2  }
0x26b: {  	[tilespmem:s7+$0xC020] =	vst.add.f32.msk $0xffff, v3  }
0x26c: {  	[tilespmem:s7+$0xC030] =	vst.add.f32.msk $0xffff, v4  }
0x26d: {  	[tilespmem:s7+$0xC040] =	vst.add.f32.msk $0xffff, v5  }
0x26e: {  	[tilespmem:s7+$0xC050] =	vst.add.f32.msk $0xffff, v6  }
0x26f: {  	[tilespmem:s7+$0xC060] =	vst.add.f32.msk $0xffff, v7  }
0x270: {  	[tilespmem:s7+$0xC070] =	vst.add.f32.msk $0xffff, v8  }
0x271: {  	[tilespmem:s7+$0xC080] =	vst.add.f32.msk $0xffff, v9  }
0x272: {  	[tilespmem:s7+$0xC090] =	vst.add.f32.msk $0xffff, v10  }
0x273: {  	[tilespmem:s7+$0xC0A0] =	vst.add.f32.msk $0xffff, v11  }
0x274: {  	[tilespmem:s7+$0xC0B0] =	vst.add.f32.msk $0xffff, v12  }
0x275: {  	[tilespmem:s7+$0xC0C0] =	vst.add.f32.msk $0xffff, v13  }
0x276: {  	s8 =	simm.s32 $0x0;
	s9 =	simm.s32 $0x400;
	[tilespmem:s7+$0xC0D0] =	vst.add.f32.msk $0xffff, v14  }
.LBB2_16:
0x277: {  	s8 =	sadd.s32 $0x10, s8;
	[tilespmem:s7+$0xC0E0] =	vst.add.f32.msk $0xffff, v0;
	s7 =	sshra.s32 s9, $0x2  }
0x278: {  	v0 =	vld [tilespmem:s7+$0x140F0];
	p0 =	slt.u32 s8, $0x3F0  }
0x279: {  	v1 =	vld [tilespmem:s7+$0x14000]  }
0x27a: {  	v2 =	vld [tilespmem:s7+$0x14010]  }
0x27b: {  	v3 =	vld [tilespmem:s7+$0x14020]  }
0x27c: {  	v4 =	vld [tilespmem:s7+$0x14030]  }
0x27d: {  	[tilespmem:s7+$0xC0F0] =	vst.add.f32.msk $0xffff, v0  }
0x27e: {  	v5 =	vld [tilespmem:s7+$0x14040]  }
0x27f: {  	v6 =	vld [tilespmem:s7+$0x14050]  }
0x280: {  	v7 =	vld [tilespmem:s7+$0x14060]  }
0x281: {  	v8 =	vld [tilespmem:s7+$0x14070]  }
0x282: {  	v9 =	vld [tilespmem:s7+$0x14080]  }
0x283: {  	v10 =	vld [tilespmem:s7+$0x14090]  }
0x284: {  	v11 =	vld [tilespmem:s7+$0x140A0]  }
0x285: {  	v12 =	vld [tilespmem:s7+$0x140B0]  }
0x286: {  	v13 =	vld [tilespmem:s7+$0x140C0]  }
0x287: {  	v14 =	vld [tilespmem:s7+$0x140D0]  }
0x288: {  	v0 =	vld [tilespmem:s7+$0x140E0]  }
0x289: {  	[tilespmem:s7+$0xC000] =	vst.add.f32.msk $0xffff, v1  }
0x28a: {  	[tilespmem:s7+$0xC010] =	vst.add.f32.msk $0xffff, v2  }
0x28b: {  	[tilespmem:s7+$0xC020] =	vst.add.f32.msk $0xffff, v3  }
0x28c: {  	[tilespmem:s7+$0xC030] =	vst.add.f32.msk $0xffff, v4  }
0x28d: {  	[tilespmem:s7+$0xC040] =	vst.add.f32.msk $0xffff, v5  }
0x28e: {  	[tilespmem:s7+$0xC050] =	vst.add.f32.msk $0xffff, v6  }
0x28f: {  	[tilespmem:s7+$0xC060] =	vst.add.f32.msk $0xffff, v7  }
0x290: {  	[tilespmem:s7+$0xC070] =	vst.add.f32.msk $0xffff, v8  }
0x291: {  	[tilespmem:s7+$0xC080] =	vst.add.f32.msk $0xffff, v9  }
.Ltmp7:
0x292: {  	[tilespmem:s7+$0xC090] =	vst.add.f32.msk $0xffff, v10;
	(pc) =	sbr.rel @p0 .LBB2_16-.Ltmp7, $4  }
0x293: {  	[tilespmem:s7+$0xC0A0] =	vst.add.f32.msk $0xffff, v11  }
0x294: {  	[tilespmem:s7+$0xC0B0] =	vst.add.f32.msk $0xffff, v12  }
0x295: {  	[tilespmem:s7+$0xC0C0] =	vst.add.f32.msk $0xffff, v13  }
0x296: {  	s9 =	sadd.s32 $0x400, s9;
	[tilespmem:s7+$0xC0D0] =	vst.add.f32.msk $0xffff, v14  }
0x297: {  	[tilespmem:s7+$0xC0E0] =	vst.add.f32.msk $0xffff, v0  }
0x298: {  	s7 =	simm.s32 $0x0;
	s8 =	rddreg [dreg:$0x16]  }
0x299: {  	[hbm4b:s8+s7] =	stream.linear.scatter [tilespmem:s28], [sflag:$0x8], $0x4000, $0x38;
	[tilespmem:$0x18000] =	vst v63  }
0x29a: {  	_ =	swait.ge [sflag:s4], $0x4000  }
0x29b: {  	[sflag:s4] =	ssyncset.done $0x0  }
0x29c: {  	s9 =	rddreg [dreg:$0x1d];
	[sflag:s4] =	ssyncadd.s32 $0xFFFFC000  }
0x29d: {  	[tilespmem:s23], [sflag:$0x3] =	stream.linear.gather [hbm4b:s9+s7], $0x4000, $0x38;
	[tilespmem:$0x18000] =	vst v63  }
0x29e: {  	_ =	swait.ge [sflag:s24], $0x4000  }
0x29f: {  	[sflag:s24] =	ssyncset.done $0x0  }
0x2a0: {  	s9 =	rddreg [dreg:$0x1b];
	[sflag:s24] =	ssyncadd.s32 $0xFFFFC000  }
0x2a1: {  	[tilespmem:s25], [sflag:$0xA] =	stream.linear.gather [hbm4b:s9+s7], $0x4000, $0x38;
	[tilespmem:$0x18000] =	vst v63  }
0x2a2: {  	_ =	swait.ge [sflag:s26], $0x4000  }
0x2a3: {  	[sflag:s26] =	ssyncset.done $0x0  }
0x2a4: {  	s7 =	simm.s32 $0x0;
	[sflag:s26] =	ssyncadd.s32 $0xFFFFC000  }
0x2a5: {  	v0 =	vld [tilespmem:s7+$0x100F0]  }
0x2a6: {  	v1 =	vld [tilespmem:s7+$0x10000]  }
0x2a7: {  	v2 =	vld [tilespmem:s7+$0x10010]  }
0x2a8: {  	v3 =	vld [tilespmem:s7+$0x10020]  }
0x2a9: {  	v4 =	vld [tilespmem:s7+$0x10030]  }
0x2aa: {  	v5 =	vld [tilespmem:s7+$0x10040]  }
0x2ab: {  	v6 =	vld [tilespmem:s7+$0x10050]  }
0x2ac: {  	v7 =	vld [tilespmem:s7+$0x10060]  }
0x2ad: {  	v8 =	vld [tilespmem:s7+$0x10070]  }
0x2ae: {  	v9 =	vld [tilespmem:s7+$0x10080]  }
0x2af: {  	v10 =	vld [tilespmem:s7+$0x10090]  }
0x2b0: {  	v11 =	vld [tilespmem:s7+$0x100A0]  }
0x2b1: {  	v12 =	vld [tilespmem:s7+$0x100B0]  }
0x2b2: {  	v13 =	vld [tilespmem:s7+$0x100C0]  }
0x2b3: {  	v14 =	vld [tilespmem:s7+$0x100D0]  }
0x2b4: {  	[tilespmem:s7+$0xF0] =	vst.add.f32.msk $0xffff, v0  }
0x2b5: {  	v0 =	vld [tilespmem:s7+$0x100E0]  }
0x2b6: {  	[tilespmem:s7+$0x0] =	vst.add.f32.msk $0xffff, v1  }
0x2b7: {  	[tilespmem:s7+$0x10] =	vst.add.f32.msk $0xffff, v2  }
0x2b8: {  	[tilespmem:s7+$0x20] =	vst.add.f32.msk $0xffff, v3  }
0x2b9: {  	[tilespmem:s7+$0x30] =	vst.add.f32.msk $0xffff, v4  }
0x2ba: {  	[tilespmem:s7+$0x40] =	vst.add.f32.msk $0xffff, v5  }
0x2bb: {  	[tilespmem:s7+$0x50] =	vst.add.f32.msk $0xffff, v6  }
0x2bc: {  	[tilespmem:s7+$0x60] =	vst.add.f32.msk $0xffff, v7  }
0x2bd: {  	[tilespmem:s7+$0x70] =	vst.add.f32.msk $0xffff, v8  }
0x2be: {  	[tilespmem:s7+$0x80] =	vst.add.f32.msk $0xffff, v9  }
0x2bf: {  	[tilespmem:s7+$0x90] =	vst.add.f32.msk $0xffff, v10  }
0x2c0: {  	[tilespmem:s7+$0xA0] =	vst.add.f32.msk $0xffff, v11  }
0x2c1: {  	[tilespmem:s7+$0xB0] =	vst.add.f32.msk $0xffff, v12  }
0x2c2: {  	[tilespmem:s7+$0xC0] =	vst.add.f32.msk $0xffff, v13  }
0x2c3: {  	s8 =	simm.s32 $0x0;
	s9 =	simm.s32 $0x400;
	[tilespmem:s7+$0xD0] =	vst.add.f32.msk $0xffff, v14  }
.LBB2_18:
0x2c4: {  	s8 =	sadd.s32 $0x10, s8;
	[tilespmem:s7+$0xE0] =	vst.add.f32.msk $0xffff, v0;
	s7 =	sshra.s32 s9, $0x2  }
0x2c5: {  	v0 =	vld [tilespmem:s7+$0x100F0];
	p0 =	slt.u32 s8, $0x3F0  }
0x2c6: {  	v1 =	vld [tilespmem:s7+$0x10000]  }
0x2c7: {  	v2 =	vld [tilespmem:s7+$0x10010]  }
0x2c8: {  	v3 =	vld [tilespmem:s7+$0x10020]  }
0x2c9: {  	v4 =	vld [tilespmem:s7+$0x10030]  }
0x2ca: {  	[tilespmem:s7+$0xF0] =	vst.add.f32.msk $0xffff, v0  }
0x2cb: {  	v5 =	vld [tilespmem:s7+$0x10040]  }
0x2cc: {  	v6 =	vld [tilespmem:s7+$0x10050]  }
0x2cd: {  	v7 =	vld [tilespmem:s7+$0x10060]  }
0x2ce: {  	v8 =	vld [tilespmem:s7+$0x10070]  }
0x2cf: {  	v9 =	vld [tilespmem:s7+$0x10080]  }
0x2d0: {  	v10 =	vld [tilespmem:s7+$0x10090]  }
0x2d1: {  	v11 =	vld [tilespmem:s7+$0x100A0]  }
0x2d2: {  	v12 =	vld [tilespmem:s7+$0x100B0]  }
0x2d3: {  	v13 =	vld [tilespmem:s7+$0x100C0]  }
0x2d4: {  	v14 =	vld [tilespmem:s7+$0x100D0]  }
0x2d5: {  	v0 =	vld [tilespmem:s7+$0x100E0]  }
0x2d6: {  	[tilespmem:s7+$0x0] =	vst.add.f32.msk $0xffff, v1  }
0x2d7: {  	[tilespmem:s7+$0x10] =	vst.add.f32.msk $0xffff, v2  }
0x2d8: {  	[tilespmem:s7+$0x20] =	vst.add.f32.msk $0xffff, v3  }
0x2d9: {  	[tilespmem:s7+$0x30] =	vst.add.f32.msk $0xffff, v4  }
0x2da: {  	[tilespmem:s7+$0x40] =	vst.add.f32.msk $0xffff, v5  }
0x2db: {  	[tilespmem:s7+$0x50] =	vst.add.f32.msk $0xffff, v6  }
0x2dc: {  	[tilespmem:s7+$0x60] =	vst.add.f32.msk $0xffff, v7  }
0x2dd: {  	[tilespmem:s7+$0x70] =	vst.add.f32.msk $0xffff, v8  }
0x2de: {  	[tilespmem:s7+$0x80] =	vst.add.f32.msk $0xffff, v9  }
.Ltmp8:
0x2df: {  	[tilespmem:s7+$0x90] =	vst.add.f32.msk $0xffff, v10;
	(pc) =	sbr.rel @p0 .LBB2_18-.Ltmp8, $4  }
0x2e0: {  	[tilespmem:s7+$0xA0] =	vst.add.f32.msk $0xffff, v11  }
0x2e1: {  	[tilespmem:s7+$0xB0] =	vst.add.f32.msk $0xffff, v12  }
0x2e2: {  	[tilespmem:s7+$0xC0] =	vst.add.f32.msk $0xffff, v13  }
0x2e3: {  	s9 =	sadd.s32 $0x400, s9;
	[tilespmem:s7+$0xD0] =	vst.add.f32.msk $0xffff, v14  }
0x2e4: {  	[tilespmem:s7+$0xE0] =	vst.add.f32.msk $0xffff, v0  }
0x2e5: {  	s7 =	simm.s32 $0x0;
	s8 =	rddreg [dreg:$0x19]  }
0x2e6: {  	[hbm4b:s8+s7] =	stream.linear.scatter [tilespmem:s7], [sflag:$0x5], $0x4000, $0x38;
	[tilespmem:$0x18000] =	vst v63  }
0x2e7: {  	_ =	swait.ge [sflag:s5], $0x4000  }
0x2e8: {  	s9 =	sld [smem:$0x7F6]  }
0x2e9: {  	[sflag:s5] =	ssyncset.done $0x0  }
0x2ea: {  	[sflag:s5] =	ssyncadd.s32 $0xFFFFC000  }
0x2eb: {  	[tilespmem:s28], [sflag:$0x4] =	stream.linear.gather [hbm4b:s9+s7], $0x4000, $0x38;
	[tilespmem:$0x18000] =	vst v63  }
0x2ec: {  	_ =	swait.ge [sflag:s29], $0x4000  }
0x2ed: {  	[sflag:s29] =	ssyncset.done $0x0  }
0x2ee: {  	s9 =	rddreg [dreg:$0x1e];
	[sflag:s29] =	ssyncadd.s32 $0xFFFFC000  }
0x2ef: {  	[tilespmem:s22], [sflag:$0x9] =	stream.linear.gather [hbm4b:s9+s7], $0x4000, $0x38;
	[tilespmem:$0x18000] =	vst v63  }
0x2f0: {  	_ =	swait.ge [sflag:s30], $0x4000  }
0x2f1: {  	[sflag:s30] =	ssyncset.done $0x0  }
0x2f2: {  	s7 =	simm.s32 $0x0;
	[sflag:s30] =	ssyncadd.s32 $0xFFFFC000  }
0x2f3: {  	v0 =	vld [tilespmem:s7+$0x140F0]  }
0x2f4: {  	v1 =	vld [tilespmem:s7+$0x14000]  }
0x2f5: {  	v2 =	vld [tilespmem:s7+$0x14010]  }
0x2f6: {  	v3 =	vld [tilespmem:s7+$0x14020]  }
0x2f7: {  	v4 =	vld [tilespmem:s7+$0x14030]  }
0x2f8: {  	v5 =	vld [tilespmem:s7+$0x14040]  }
0x2f9: {  	v6 =	vld [tilespmem:s7+$0x14050]  }
0x2fa: {  	v7 =	vld [tilespmem:s7+$0x14060]  }
0x2fb: {  	v8 =	vld [tilespmem:s7+$0x14070]  }
0x2fc: {  	v9 =	vld [tilespmem:s7+$0x14080]  }
0x2fd: {  	v10 =	vld [tilespmem:s7+$0x14090]  }
0x2fe: {  	v11 =	vld [tilespmem:s7+$0x140A0]  }
0x2ff: {  	v12 =	vld [tilespmem:s7+$0x140B0]  }
0x300: {  	v13 =	vld [tilespmem:s7+$0x140C0]  }
0x301: {  	v14 =	vld [tilespmem:s7+$0x140D0]  }
0x302: {  	[tilespmem:s7+$0x40F0] =	vst.add.f32.msk $0xffff, v0  }
0x303: {  	v0 =	vld [tilespmem:s7+$0x140E0]  }
0x304: {  	[tilespmem:s7+$0x4000] =	vst.add.f32.msk $0xffff, v1  }
0x305: {  	[tilespmem:s7+$0x4010] =	vst.add.f32.msk $0xffff, v2  }
0x306: {  	[tilespmem:s7+$0x4020] =	vst.add.f32.msk $0xffff, v3  }
0x307: {  	[tilespmem:s7+$0x4030] =	vst.add.f32.msk $0xffff, v4  }
0x308: {  	[tilespmem:s7+$0x4040] =	vst.add.f32.msk $0xffff, v5  }
0x309: {  	[tilespmem:s7+$0x4050] =	vst.add.f32.msk $0xffff, v6  }
0x30a: {  	[tilespmem:s7+$0x4060] =	vst.add.f32.msk $0xffff, v7  }
0x30b: {  	[tilespmem:s7+$0x4070] =	vst.add.f32.msk $0xffff, v8  }
0x30c: {  	[tilespmem:s7+$0x4080] =	vst.add.f32.msk $0xffff, v9  }
0x30d: {  	[tilespmem:s7+$0x4090] =	vst.add.f32.msk $0xffff, v10  }
0x30e: {  	[tilespmem:s7+$0x40A0] =	vst.add.f32.msk $0xffff, v11  }
0x30f: {  	[tilespmem:s7+$0x40B0] =	vst.add.f32.msk $0xffff, v12  }
0x310: {  	[tilespmem:s7+$0x40C0] =	vst.add.f32.msk $0xffff, v13  }
0x311: {  	s8 =	simm.s32 $0x0;
	s9 =	simm.s32 $0x400;
	[tilespmem:s7+$0x40D0] =	vst.add.f32.msk $0xffff, v14  }
.LBB2_20:
0x312: {  	s8 =	sadd.s32 $0x10, s8;
	[tilespmem:s7+$0x40E0] =	vst.add.f32.msk $0xffff, v0;
	s7 =	sshra.s32 s9, $0x2  }
0x313: {  	v0 =	vld [tilespmem:s7+$0x140F0];
	p0 =	slt.u32 s8, $0x3F0  }
0x314: {  	v1 =	vld [tilespmem:s7+$0x14000]  }
0x315: {  	v2 =	vld [tilespmem:s7+$0x14010]  }
0x316: {  	v3 =	vld [tilespmem:s7+$0x14020]  }
0x317: {  	v4 =	vld [tilespmem:s7+$0x14030]  }
0x318: {  	[tilespmem:s7+$0x40F0] =	vst.add.f32.msk $0xffff, v0  }
0x319: {  	v5 =	vld [tilespmem:s7+$0x14040]  }
0x31a: {  	v6 =	vld [tilespmem:s7+$0x14050]  }
0x31b: {  	v7 =	vld [tilespmem:s7+$0x14060]  }
0x31c: {  	v8 =	vld [tilespmem:s7+$0x14070]  }
0x31d: {  	v9 =	vld [tilespmem:s7+$0x14080]  }
0x31e: {  	v10 =	vld [tilespmem:s7+$0x14090]  }
0x31f: {  	v11 =	vld [tilespmem:s7+$0x140A0]  }
0x320: {  	v12 =	vld [tilespmem:s7+$0x140B0]  }
0x321: {  	v13 =	vld [tilespmem:s7+$0x140C0]  }
0x322: {  	v14 =	vld [tilespmem:s7+$0x140D0]  }
0x323: {  	v0 =	vld [tilespmem:s7+$0x140E0]  }
0x324: {  	[tilespmem:s7+$0x4000] =	vst.add.f32.msk $0xffff, v1  }
0x325: {  	[tilespmem:s7+$0x4010] =	vst.add.f32.msk $0xffff, v2  }
0x326: {  	[tilespmem:s7+$0x4020] =	vst.add.f32.msk $0xffff, v3  }
0x327: {  	[tilespmem:s7+$0x4030] =	vst.add.f32.msk $0xffff, v4  }
0x328: {  	[tilespmem:s7+$0x4040] =	vst.add.f32.msk $0xffff, v5  }
0x329: {  	[tilespmem:s7+$0x4050] =	vst.add.f32.msk $0xffff, v6  }
0x32a: {  	[tilespmem:s7+$0x4060] =	vst.add.f32.msk $0xffff, v7  }
0x32b: {  	[tilespmem:s7+$0x4070] =	vst.add.f32.msk $0xffff, v8  }
0x32c: {  	[tilespmem:s7+$0x4080] =	vst.add.f32.msk $0xffff, v9  }
.Ltmp9:
0x32d: {  	[tilespmem:s7+$0x4090] =	vst.add.f32.msk $0xffff, v10;
	(pc) =	sbr.rel @p0 .LBB2_20-.Ltmp9, $4  }
0x32e: {  	[tilespmem:s7+$0x40A0] =	vst.add.f32.msk $0xffff, v11  }
0x32f: {  	[tilespmem:s7+$0x40B0] =	vst.add.f32.msk $0xffff, v12  }
0x330: {  	[tilespmem:s7+$0x40C0] =	vst.add.f32.msk $0xffff, v13  }
0x331: {  	s9 =	sadd.s32 $0x400, s9;
	[tilespmem:s7+$0x40D0] =	vst.add.f32.msk $0xffff, v14  }
0x332: {  	[tilespmem:s7+$0x40E0] =	vst.add.f32.msk $0xffff, v0  }
0x333: {  	s7 =	simm.s32 $0x0;
	s8 =	rddreg [dreg:$0x1c]  }
0x334: {  	[hbm4b:s8+s7] =	stream.linear.scatter [tilespmem:s21], [sflag:$0x6], $0x4000, $0x38;
	[tilespmem:$0x18000] =	vst v63  }
0x335: {  	_ =	swait.ge [sflag:s31], $0x4000  }
0x336: {  	s9 =	sld [smem:$0x7F9]  }
0x337: {  	[sflag:s31] =	ssyncset.done $0x0  }
0x338: {  	[sflag:s31] =	ssyncadd.s32 $0xFFFFC000  }
0x339: {  	[tilespmem:s7], [sflag:$0x1] =	stream.linear.gather [hbm4b:s9+s7], $0x4000, $0x38;
	[tilespmem:$0x18000] =	vst v63  }
0x33a: {  	_ =	swait.ge [sflag:s24], $0x4000  }
0x33b: {  	s9 =	sld [smem:$0x7F7]  }
0x33c: {  	[sflag:s24] =	ssyncset.done $0x0  }
0x33d: {  	[sflag:s24] =	ssyncadd.s32 $0xFFFFC000  }
0x33e: {  	[tilespmem:s25], [sflag:$0xA] =	stream.linear.gather [hbm4b:s9+s7], $0x4000, $0x38;
	[tilespmem:$0x18000] =	vst v63  }
0x33f: {  	_ =	swait.ge [sflag:s0], $0x4000  }
0x340: {  	[sflag:s0] =	ssyncset.done $0x0  }
0x341: {  	s7 =	simm.s32 $0x0;
	[sflag:s0] =	ssyncadd.s32 $0xFFFFC000  }
0x342: {  	v0 =	vld [tilespmem:s7+$0x100F0]  }
0x343: {  	v1 =	vld [tilespmem:s7+$0x10000]  }
0x344: {  	v2 =	vld [tilespmem:s7+$0x10010]  }
0x345: {  	v3 =	vld [tilespmem:s7+$0x10020]  }
0x346: {  	v4 =	vld [tilespmem:s7+$0x10030]  }
0x347: {  	v5 =	vld [tilespmem:s7+$0x10040]  }
0x348: {  	v6 =	vld [tilespmem:s7+$0x10050]  }
0x349: {  	v7 =	vld [tilespmem:s7+$0x10060]  }
0x34a: {  	v8 =	vld [tilespmem:s7+$0x10070]  }
0x34b: {  	v9 =	vld [tilespmem:s7+$0x10080]  }
0x34c: {  	v10 =	vld [tilespmem:s7+$0x10090]  }
0x34d: {  	v11 =	vld [tilespmem:s7+$0x100A0]  }
0x34e: {  	v12 =	vld [tilespmem:s7+$0x100B0]  }
0x34f: {  	v13 =	vld [tilespmem:s7+$0x100C0]  }
0x350: {  	v14 =	vld [tilespmem:s7+$0x100D0]  }
0x351: {  	[tilespmem:s7+$0x80F0] =	vst.add.f32.msk $0xffff, v0  }
0x352: {  	v0 =	vld [tilespmem:s7+$0x100E0]  }
0x353: {  	[tilespmem:s7+$0x8000] =	vst.add.f32.msk $0xffff, v1  }
0x354: {  	[tilespmem:s7+$0x8010] =	vst.add.f32.msk $0xffff, v2  }
0x355: {  	[tilespmem:s7+$0x8020] =	vst.add.f32.msk $0xffff, v3  }
0x356: {  	[tilespmem:s7+$0x8030] =	vst.add.f32.msk $0xffff, v4  }
0x357: {  	[tilespmem:s7+$0x8040] =	vst.add.f32.msk $0xffff, v5  }
0x358: {  	[tilespmem:s7+$0x8050] =	vst.add.f32.msk $0xffff, v6  }
0x359: {  	[tilespmem:s7+$0x8060] =	vst.add.f32.msk $0xffff, v7  }
0x35a: {  	[tilespmem:s7+$0x8070] =	vst.add.f32.msk $0xffff, v8  }
0x35b: {  	[tilespmem:s7+$0x8080] =	vst.add.f32.msk $0xffff, v9  }
0x35c: {  	[tilespmem:s7+$0x8090] =	vst.add.f32.msk $0xffff, v10  }
0x35d: {  	[tilespmem:s7+$0x80A0] =	vst.add.f32.msk $0xffff, v11  }
0x35e: {  	[tilespmem:s7+$0x80B0] =	vst.add.f32.msk $0xffff, v12  }
0x35f: {  	[tilespmem:s7+$0x80C0] =	vst.add.f32.msk $0xffff, v13  }
0x360: {  	s8 =	simm.s32 $0x0;
	s9 =	simm.s32 $0x400;
	[tilespmem:s7+$0x80D0] =	vst.add.f32.msk $0xffff, v14  }
.LBB2_22:
0x361: {  	s8 =	sadd.s32 $0x10, s8;
	[tilespmem:s7+$0x80E0] =	vst.add.f32.msk $0xffff, v0;
	s7 =	sshra.s32 s9, $0x2  }
0x362: {  	v0 =	vld [tilespmem:s7+$0x100F0];
	p0 =	slt.u32 s8, $0x3F0  }
0x363: {  	v1 =	vld [tilespmem:s7+$0x10000]  }
0x364: {  	v2 =	vld [tilespmem:s7+$0x10010]  }
0x365: {  	v3 =	vld [tilespmem:s7+$0x10020]  }
0x366: {  	v4 =	vld [tilespmem:s7+$0x10030]  }
0x367: {  	[tilespmem:s7+$0x80F0] =	vst.add.f32.msk $0xffff, v0  }
0x368: {  	v5 =	vld [tilespmem:s7+$0x10040]  }
0x369: {  	v6 =	vld [tilespmem:s7+$0x10050]  }
0x36a: {  	v7 =	vld [tilespmem:s7+$0x10060]  }
0x36b: {  	v8 =	vld [tilespmem:s7+$0x10070]  }
0x36c: {  	v9 =	vld [tilespmem:s7+$0x10080]  }
0x36d: {  	v10 =	vld [tilespmem:s7+$0x10090]  }
0x36e: {  	v11 =	vld [tilespmem:s7+$0x100A0]  }
0x36f: {  	v12 =	vld [tilespmem:s7+$0x100B0]  }
0x370: {  	v13 =	vld [tilespmem:s7+$0x100C0]  }
0x371: {  	v14 =	vld [tilespmem:s7+$0x100D0]  }
0x372: {  	v0 =	vld [tilespmem:s7+$0x100E0]  }
0x373: {  	[tilespmem:s7+$0x8000] =	vst.add.f32.msk $0xffff, v1  }
0x374: {  	[tilespmem:s7+$0x8010] =	vst.add.f32.msk $0xffff, v2  }
0x375: {  	[tilespmem:s7+$0x8020] =	vst.add.f32.msk $0xffff, v3  }
0x376: {  	[tilespmem:s7+$0x8030] =	vst.add.f32.msk $0xffff, v4  }
0x377: {  	[tilespmem:s7+$0x8040] =	vst.add.f32.msk $0xffff, v5  }
0x378: {  	[tilespmem:s7+$0x8050] =	vst.add.f32.msk $0xffff, v6  }
0x379: {  	[tilespmem:s7+$0x8060] =	vst.add.f32.msk $0xffff, v7  }
0x37a: {  	[tilespmem:s7+$0x8070] =	vst.add.f32.msk $0xffff, v8  }
0x37b: {  	[tilespmem:s7+$0x8080] =	vst.add.f32.msk $0xffff, v9  }
.Ltmp10:
0x37c: {  	[tilespmem:s7+$0x8090] =	vst.add.f32.msk $0xffff, v10;
	(pc) =	sbr.rel @p0 .LBB2_22-.Ltmp10, $4  }
0x37d: {  	[tilespmem:s7+$0x80A0] =	vst.add.f32.msk $0xffff, v11  }
0x37e: {  	[tilespmem:s7+$0x80B0] =	vst.add.f32.msk $0xffff, v12  }
0x37f: {  	[tilespmem:s7+$0x80C0] =	vst.add.f32.msk $0xffff, v13  }
0x380: {  	s9 =	sadd.s32 $0x400, s9;
	[tilespmem:s7+$0x80D0] =	vst.add.f32.msk $0xffff, v14  }
0x381: {  	[tilespmem:s7+$0x80E0] =	vst.add.f32.msk $0xffff, v0  }
0x382: {  	s7 =	simm.s32 $0x0;
	s8 =	rddreg [dreg:$0x1f]  }
0x383: {  	[hbm4b:s8+s7] =	stream.linear.scatter [tilespmem:s23], [sflag:$0x7], $0x4000, $0x38;
	[tilespmem:$0x18000] =	vst v63  }
0x384: {  	_ =	swait.ge [sflag:s2], $0x4000  }
0x385: {  	[sflag:s2] =	ssyncset.done $0x0  }
0x386: {  	[sflag:s2] =	ssyncadd.s32 $0xFFFFC000  }
0x387: {  	[tilespmem:s21], [sflag:$0x2] =	stream.linear.gather [hbm4b:s11+s7], $0x4000, $0x38;
	[tilespmem:$0x18000] =	vst v63  }
0x388: {  	_ =	swait.ge [sflag:s29], $0x4000  }
0x389: {  	s9 =	sld [smem:$0x7FA]  }
0x38a: {  	[sflag:s29] =	ssyncset.done $0x0  }
0x38b: {  	[sflag:s29] =	ssyncadd.s32 $0xFFFFC000  }
0x38c: {  	[tilespmem:s22], [sflag:$0x9] =	stream.linear.gather [hbm4b:s9+s7], $0x4000, $0x38;
	[tilespmem:$0x18000] =	vst v63  }
0x38d: {  	_ =	swait.ge [sflag:s3], $0x4000  }
0x38e: {  	[sflag:s3] =	ssyncset.done $0x0  }
0x38f: {  	s7 =	simm.s32 $0x0;
	[sflag:s3] =	ssyncadd.s32 $0xFFFFC000  }
0x390: {  	v0 =	vld [tilespmem:s7+$0x140F0]  }
0x391: {  	v1 =	vld [tilespmem:s7+$0x14000]  }
0x392: {  	v2 =	vld [tilespmem:s7+$0x14010]  }
0x393: {  	v3 =	vld [tilespmem:s7+$0x14020]  }
0x394: {  	v4 =	vld [tilespmem:s7+$0x14030]  }
0x395: {  	v5 =	vld [tilespmem:s7+$0x14040]  }
0x396: {  	v6 =	vld [tilespmem:s7+$0x14050]  }
0x397: {  	v7 =	vld [tilespmem:s7+$0x14060]  }
0x398: {  	v8 =	vld [tilespmem:s7+$0x14070]  }
0x399: {  	v9 =	vld [tilespmem:s7+$0x14080]  }
0x39a: {  	v10 =	vld [tilespmem:s7+$0x14090]  }
0x39b: {  	v11 =	vld [tilespmem:s7+$0x140A0]  }
0x39c: {  	v12 =	vld [tilespmem:s7+$0x140B0]  }
0x39d: {  	v13 =	vld [tilespmem:s7+$0x140C0]  }
0x39e: {  	v14 =	vld [tilespmem:s7+$0x140D0]  }
0x39f: {  	[tilespmem:s7+$0xC0F0] =	vst.add.f32.msk $0xffff, v0  }
0x3a0: {  	v0 =	vld [tilespmem:s7+$0x140E0]  }
0x3a1: {  	[tilespmem:s7+$0xC000] =	vst.add.f32.msk $0xffff, v1  }
0x3a2: {  	[tilespmem:s7+$0xC010] =	vst.add.f32.msk $0xffff, v2  }
0x3a3: {  	[tilespmem:s7+$0xC020] =	vst.add.f32.msk $0xffff, v3  }
0x3a4: {  	[tilespmem:s7+$0xC030] =	vst.add.f32.msk $0xffff, v4  }
0x3a5: {  	[tilespmem:s7+$0xC040] =	vst.add.f32.msk $0xffff, v5  }
0x3a6: {  	[tilespmem:s7+$0xC050] =	vst.add.f32.msk $0xffff, v6  }
0x3a7: {  	[tilespmem:s7+$0xC060] =	vst.add.f32.msk $0xffff, v7  }
0x3a8: {  	[tilespmem:s7+$0xC070] =	vst.add.f32.msk $0xffff, v8  }
0x3a9: {  	[tilespmem:s7+$0xC080] =	vst.add.f32.msk $0xffff, v9  }
0x3aa: {  	[tilespmem:s7+$0xC090] =	vst.add.f32.msk $0xffff, v10  }
0x3ab: {  	[tilespmem:s7+$0xC0A0] =	vst.add.f32.msk $0xffff, v11  }
0x3ac: {  	[tilespmem:s7+$0xC0B0] =	vst.add.f32.msk $0xffff, v12  }
0x3ad: {  	[tilespmem:s7+$0xC0C0] =	vst.add.f32.msk $0xffff, v13  }
0x3ae: {  	s8 =	simm.s32 $0x0;
	s9 =	simm.s32 $0x400;
	[tilespmem:s7+$0xC0D0] =	vst.add.f32.msk $0xffff, v14  }
.LBB2_24:
0x3af: {  	s8 =	sadd.s32 $0x10, s8;
	[tilespmem:s7+$0xC0E0] =	vst.add.f32.msk $0xffff, v0;
	s7 =	sshra.s32 s9, $0x2  }
0x3b0: {  	v0 =	vld [tilespmem:s7+$0x140F0];
	p0 =	slt.u32 s8, $0x3F0  }
0x3b1: {  	v1 =	vld [tilespmem:s7+$0x14000]  }
0x3b2: {  	v2 =	vld [tilespmem:s7+$0x14010]  }
0x3b3: {  	v3 =	vld [tilespmem:s7+$0x14020]  }
0x3b4: {  	v4 =	vld [tilespmem:s7+$0x14030]  }
0x3b5: {  	[tilespmem:s7+$0xC0F0] =	vst.add.f32.msk $0xffff, v0  }
0x3b6: {  	v5 =	vld [tilespmem:s7+$0x14040]  }
0x3b7: {  	v6 =	vld [tilespmem:s7+$0x14050]  }
0x3b8: {  	v7 =	vld [tilespmem:s7+$0x14060]  }
0x3b9: {  	v8 =	vld [tilespmem:s7+$0x14070]  }
0x3ba: {  	v9 =	vld [tilespmem:s7+$0x14080]  }
0x3bb: {  	v10 =	vld [tilespmem:s7+$0x14090]  }
0x3bc: {  	v11 =	vld [tilespmem:s7+$0x140A0]  }
0x3bd: {  	v12 =	vld [tilespmem:s7+$0x140B0]  }
0x3be: {  	v13 =	vld [tilespmem:s7+$0x140C0]  }
0x3bf: {  	v14 =	vld [tilespmem:s7+$0x140D0]  }
0x3c0: {  	v0 =	vld [tilespmem:s7+$0x140E0]  }
0x3c1: {  	[tilespmem:s7+$0xC000] =	vst.add.f32.msk $0xffff, v1  }
0x3c2: {  	[tilespmem:s7+$0xC010] =	vst.add.f32.msk $0xffff, v2  }
0x3c3: {  	[tilespmem:s7+$0xC020] =	vst.add.f32.msk $0xffff, v3  }
0x3c4: {  	[tilespmem:s7+$0xC030] =	vst.add.f32.msk $0xffff, v4  }
0x3c5: {  	[tilespmem:s7+$0xC040] =	vst.add.f32.msk $0xffff, v5  }
0x3c6: {  	[tilespmem:s7+$0xC050] =	vst.add.f32.msk $0xffff, v6  }
0x3c7: {  	[tilespmem:s7+$0xC060] =	vst.add.f32.msk $0xffff, v7  }
0x3c8: {  	[tilespmem:s7+$0xC070] =	vst.add.f32.msk $0xffff, v8  }
0x3c9: {  	[tilespmem:s7+$0xC080] =	vst.add.f32.msk $0xffff, v9  }
.Ltmp11:
0x3ca: {  	[tilespmem:s7+$0xC090] =	vst.add.f32.msk $0xffff, v10;
	(pc) =	sbr.rel @p0 .LBB2_24-.Ltmp11, $4  }
0x3cb: {  	[tilespmem:s7+$0xC0A0] =	vst.add.f32.msk $0xffff, v11  }
0x3cc: {  	[tilespmem:s7+$0xC0B0] =	vst.add.f32.msk $0xffff, v12  }
0x3cd: {  	[tilespmem:s7+$0xC0C0] =	vst.add.f32.msk $0xffff, v13  }
0x3ce: {  	s9 =	sadd.s32 $0x400, s9;
	[tilespmem:s7+$0xC0D0] =	vst.add.f32.msk $0xffff, v14  }
0x3cf: {  	[tilespmem:s7+$0xC0E0] =	vst.add.f32.msk $0xffff, v0  }
0x3d0: {  	s8 =	sld [smem:$0x7F8];
	_ =	sdelay $0x1  }
0x3d1: {  	s9 =	simm.s32 $0x0  }
0x3d2: {  	[hbm4b:s8+s9] =	stream.linear.scatter [tilespmem:s28], [sflag:$0x8], $0x4000, $0x38;
	[tilespmem:$0x18000] =	vst v63  }
0x3d3: {  	_ =	swait.ge [sflag:s4], $0x4000  }
0x3d4: {  	[sflag:s4] =	ssyncset.done $0x0  }
0x3d5: {  	[sflag:s4] =	ssyncadd.s32 $0xFFFFC000  }
0x3d6: {  	[tilespmem:s23], [sflag:$0x3] =	stream.linear.gather [hbm4b:s12+s9], $0x4000, $0x38;
	[tilespmem:$0x18000] =	vst v63  }
0x3d7: {  	_ =	swait.ge [sflag:s24], $0x4000  }
0x3d8: {  	[sflag:s24] =	ssyncset.done $0x0  }
0x3d9: {  	[sflag:s24] =	ssyncadd.s32 $0xFFFFC000  }
0x3da: {  	[tilespmem:s25], [sflag:$0xA] =	stream.linear.gather [hbm4b:s14+s9], $0x4000, $0x38;
	[tilespmem:$0x18000] =	vst v63  }
0x3db: {  	_ =	swait.ge [sflag:s26], $0x4000  }
0x3dc: {  	[sflag:s26] =	ssyncset.done $0x0  }
0x3dd: {  	s7 =	simm.s32 $0x0;
	[sflag:s26] =	ssyncadd.s32 $0xFFFFC000  }
0x3de: {  	v0 =	vld [tilespmem:s7+$0x100F0]  }
0x3df: {  	v1 =	vld [tilespmem:s7+$0x10000]  }
0x3e0: {  	v2 =	vld [tilespmem:s7+$0x10010]  }
0x3e1: {  	v3 =	vld [tilespmem:s7+$0x10020]  }
0x3e2: {  	v4 =	vld [tilespmem:s7+$0x10030]  }
0x3e3: {  	v5 =	vld [tilespmem:s7+$0x10040]  }
0x3e4: {  	v6 =	vld [tilespmem:s7+$0x10050]  }
0x3e5: {  	v7 =	vld [tilespmem:s7+$0x10060]  }
0x3e6: {  	v8 =	vld [tilespmem:s7+$0x10070]  }
0x3e7: {  	v9 =	vld [tilespmem:s7+$0x10080]  }
0x3e8: {  	v10 =	vld [tilespmem:s7+$0x10090]  }
0x3e9: {  	v11 =	vld [tilespmem:s7+$0x100A0]  }
0x3ea: {  	v12 =	vld [tilespmem:s7+$0x100B0]  }
0x3eb: {  	v13 =	vld [tilespmem:s7+$0x100C0]  }
0x3ec: {  	v14 =	vld [tilespmem:s7+$0x100D0]  }
0x3ed: {  	[tilespmem:s7+$0xF0] =	vst.add.f32.msk $0xffff, v0  }
0x3ee: {  	v0 =	vld [tilespmem:s7+$0x100E0]  }
0x3ef: {  	[tilespmem:s7+$0x0] =	vst.add.f32.msk $0xffff, v1  }
0x3f0: {  	[tilespmem:s7+$0x10] =	vst.add.f32.msk $0xffff, v2  }
0x3f1: {  	[tilespmem:s7+$0x20] =	vst.add.f32.msk $0xffff, v3  }
0x3f2: {  	[tilespmem:s7+$0x30] =	vst.add.f32.msk $0xffff, v4  }
0x3f3: {  	[tilespmem:s7+$0x40] =	vst.add.f32.msk $0xffff, v5  }
0x3f4: {  	[tilespmem:s7+$0x50] =	vst.add.f32.msk $0xffff, v6  }
0x3f5: {  	[tilespmem:s7+$0x60] =	vst.add.f32.msk $0xffff, v7  }
0x3f6: {  	[tilespmem:s7+$0x70] =	vst.add.f32.msk $0xffff, v8  }
0x3f7: {  	[tilespmem:s7+$0x80] =	vst.add.f32.msk $0xffff, v9  }
0x3f8: {  	[tilespmem:s7+$0x90] =	vst.add.f32.msk $0xffff, v10  }
0x3f9: {  	[tilespmem:s7+$0xA0] =	vst.add.f32.msk $0xffff, v11  }
0x3fa: {  	[tilespmem:s7+$0xB0] =	vst.add.f32.msk $0xffff, v12  }
0x3fb: {  	[tilespmem:s7+$0xC0] =	vst.add.f32.msk $0xffff, v13  }
0x3fc: {  	s8 =	simm.s32 $0x0;
	s9 =	simm.s32 $0x400;
	[tilespmem:s7+$0xD0] =	vst.add.f32.msk $0xffff, v14  }
.LBB2_26:
0x3fd: {  	s8 =	sadd.s32 $0x10, s8;
	[tilespmem:s7+$0xE0] =	vst.add.f32.msk $0xffff, v0;
	s7 =	sshra.s32 s9, $0x2  }
0x3fe: {  	v0 =	vld [tilespmem:s7+$0x100F0];
	p0 =	slt.u32 s8, $0x3F0  }
0x3ff: {  	v1 =	vld [tilespmem:s7+$0x10000]  }
0x400: {  	v2 =	vld [tilespmem:s7+$0x10010]  }
0x401: {  	v3 =	vld [tilespmem:s7+$0x10020]  }
0x402: {  	v4 =	vld [tilespmem:s7+$0x10030]  }
0x403: {  	[tilespmem:s7+$0xF0] =	vst.add.f32.msk $0xffff, v0  }
0x404: {  	v5 =	vld [tilespmem:s7+$0x10040]  }
0x405: {  	v6 =	vld [tilespmem:s7+$0x10050]  }
0x406: {  	v7 =	vld [tilespmem:s7+$0x10060]  }
0x407: {  	v8 =	vld [tilespmem:s7+$0x10070]  }
0x408: {  	v9 =	vld [tilespmem:s7+$0x10080]  }
0x409: {  	v10 =	vld [tilespmem:s7+$0x10090]  }
0x40a: {  	v11 =	vld [tilespmem:s7+$0x100A0]  }
0x40b: {  	v12 =	vld [tilespmem:s7+$0x100B0]  }
0x40c: {  	v13 =	vld [tilespmem:s7+$0x100C0]  }
0x40d: {  	v14 =	vld [tilespmem:s7+$0x100D0]  }
0x40e: {  	v0 =	vld [tilespmem:s7+$0x100E0]  }
0x40f: {  	[tilespmem:s7+$0x0] =	vst.add.f32.msk $0xffff, v1  }
0x410: {  	[tilespmem:s7+$0x10] =	vst.add.f32.msk $0xffff, v2  }
0x411: {  	[tilespmem:s7+$0x20] =	vst.add.f32.msk $0xffff, v3  }
0x412: {  	[tilespmem:s7+$0x30] =	vst.add.f32.msk $0xffff, v4  }
0x413: {  	[tilespmem:s7+$0x40] =	vst.add.f32.msk $0xffff, v5  }
0x414: {  	[tilespmem:s7+$0x50] =	vst.add.f32.msk $0xffff, v6  }
0x415: {  	[tilespmem:s7+$0x60] =	vst.add.f32.msk $0xffff, v7  }
0x416: {  	[tilespmem:s7+$0x70] =	vst.add.f32.msk $0xffff, v8  }
0x417: {  	[tilespmem:s7+$0x80] =	vst.add.f32.msk $0xffff, v9  }
.Ltmp12:
0x418: {  	[tilespmem:s7+$0x90] =	vst.add.f32.msk $0xffff, v10;
	(pc) =	sbr.rel @p0 .LBB2_26-.Ltmp12, $4  }
0x419: {  	[tilespmem:s7+$0xA0] =	vst.add.f32.msk $0xffff, v11  }
0x41a: {  	[tilespmem:s7+$0xB0] =	vst.add.f32.msk $0xffff, v12  }
0x41b: {  	[tilespmem:s7+$0xC0] =	vst.add.f32.msk $0xffff, v13  }
0x41c: {  	s9 =	sadd.s32 $0x400, s9;
	[tilespmem:s7+$0xD0] =	vst.add.f32.msk $0xffff, v14  }
0x41d: {  	[tilespmem:s7+$0xE0] =	vst.add.f32.msk $0xffff, v0  }
0x41e: {  	s8 =	sld [smem:$0x7FB];
	_ =	sdelay $0x1  }
0x41f: {  	s9 =	simm.s32 $0x0  }
0x420: {  	[hbm4b:s8+s9] =	stream.linear.scatter [tilespmem:s9], [sflag:$0x5], $0x4000, $0x38;
	[tilespmem:$0x18000] =	vst v63  }
0x421: {  	_ =	swait.ge [sflag:s5], $0x4000  }
0x422: {  	[sflag:s5] =	ssyncset.done $0x0  }
0x423: {  	[sflag:s5] =	ssyncadd.s32 $0xFFFFC000  }
0x424: {  	[tilespmem:s28], [sflag:$0x4] =	stream.linear.gather [hbm4b:s13+s9], $0x4000, $0x38;
	[tilespmem:$0x18000] =	vst v63  }
0x425: {  	_ =	swait.ge [sflag:s29], $0x4000  }
0x426: {  	[sflag:s29] =	ssyncset.done $0x0  }
0x427: {  	[sflag:s29] =	ssyncadd.s32 $0xFFFFC000  }
0x428: {  	[tilespmem:s22], [sflag:$0x9] =	stream.linear.gather [hbm4b:s16+s9], $0x4000, $0x38;
	[tilespmem:$0x18000] =	vst v63  }
0x429: {  	_ =	swait.ge [sflag:s30], $0x4000  }
0x42a: {  	[sflag:s30] =	ssyncset.done $0x0  }
0x42b: {  	s7 =	simm.s32 $0x0;
	[sflag:s30] =	ssyncadd.s32 $0xFFFFC000  }
0x42c: {  	v0 =	vld [tilespmem:s7+$0x140F0]  }
0x42d: {  	v1 =	vld [tilespmem:s7+$0x14000]  }
0x42e: {  	v2 =	vld [tilespmem:s7+$0x14010]  }
0x42f: {  	v3 =	vld [tilespmem:s7+$0x14020]  }
0x430: {  	v4 =	vld [tilespmem:s7+$0x14030]  }
0x431: {  	v5 =	vld [tilespmem:s7+$0x14040]  }
0x432: {  	v6 =	vld [tilespmem:s7+$0x14050]  }
0x433: {  	v7 =	vld [tilespmem:s7+$0x14060]  }
0x434: {  	v8 =	vld [tilespmem:s7+$0x14070]  }
0x435: {  	v9 =	vld [tilespmem:s7+$0x14080]  }
0x436: {  	v10 =	vld [tilespmem:s7+$0x14090]  }
0x437: {  	v11 =	vld [tilespmem:s7+$0x140A0]  }
0x438: {  	v12 =	vld [tilespmem:s7+$0x140B0]  }
0x439: {  	v13 =	vld [tilespmem:s7+$0x140C0]  }
0x43a: {  	v14 =	vld [tilespmem:s7+$0x140D0]  }
0x43b: {  	[tilespmem:s7+$0x40F0] =	vst.add.f32.msk $0xffff, v0  }
0x43c: {  	v0 =	vld [tilespmem:s7+$0x140E0]  }
0x43d: {  	[tilespmem:s7+$0x4000] =	vst.add.f32.msk $0xffff, v1  }
0x43e: {  	[tilespmem:s7+$0x4010] =	vst.add.f32.msk $0xffff, v2  }
0x43f: {  	[tilespmem:s7+$0x4020] =	vst.add.f32.msk $0xffff, v3  }
0x440: {  	[tilespmem:s7+$0x4030] =	vst.add.f32.msk $0xffff, v4  }
0x441: {  	[tilespmem:s7+$0x4040] =	vst.add.f32.msk $0xffff, v5  }
0x442: {  	[tilespmem:s7+$0x4050] =	vst.add.f32.msk $0xffff, v6  }
0x443: {  	[tilespmem:s7+$0x4060] =	vst.add.f32.msk $0xffff, v7  }
0x444: {  	[tilespmem:s7+$0x4070] =	vst.add.f32.msk $0xffff, v8  }
0x445: {  	[tilespmem:s7+$0x4080] =	vst.add.f32.msk $0xffff, v9  }
0x446: {  	[tilespmem:s7+$0x4090] =	vst.add.f32.msk $0xffff, v10  }
0x447: {  	[tilespmem:s7+$0x40A0] =	vst.add.f32.msk $0xffff, v11  }
0x448: {  	[tilespmem:s7+$0x40B0] =	vst.add.f32.msk $0xffff, v12  }
0x449: {  	[tilespmem:s7+$0x40C0] =	vst.add.f32.msk $0xffff, v13  }
0x44a: {  	s8 =	simm.s32 $0x0;
	s9 =	simm.s32 $0x400;
	[tilespmem:s7+$0x40D0] =	vst.add.f32.msk $0xffff, v14  }
.LBB2_28:
0x44b: {  	s8 =	sadd.s32 $0x10, s8;
	[tilespmem:s7+$0x40E0] =	vst.add.f32.msk $0xffff, v0;
	s7 =	sshra.s32 s9, $0x2  }
0x44c: {  	v0 =	vld [tilespmem:s7+$0x140F0];
	p0 =	slt.u32 s8, $0x3F0  }
0x44d: {  	v1 =	vld [tilespmem:s7+$0x14000]  }
0x44e: {  	v2 =	vld [tilespmem:s7+$0x14010]  }
0x44f: {  	v3 =	vld [tilespmem:s7+$0x14020]  }
0x450: {  	v4 =	vld [tilespmem:s7+$0x14030]  }
0x451: {  	[tilespmem:s7+$0x40F0] =	vst.add.f32.msk $0xffff, v0  }
0x452: {  	v5 =	vld [tilespmem:s7+$0x14040]  }
0x453: {  	v6 =	vld [tilespmem:s7+$0x14050]  }
0x454: {  	v7 =	vld [tilespmem:s7+$0x14060]  }
0x455: {  	v8 =	vld [tilespmem:s7+$0x14070]  }
0x456: {  	v9 =	vld [tilespmem:s7+$0x14080]  }
0x457: {  	v10 =	vld [tilespmem:s7+$0x14090]  }
0x458: {  	v11 =	vld [tilespmem:s7+$0x140A0]  }
0x459: {  	v12 =	vld [tilespmem:s7+$0x140B0]  }
0x45a: {  	v13 =	vld [tilespmem:s7+$0x140C0]  }
0x45b: {  	v14 =	vld [tilespmem:s7+$0x140D0]  }
0x45c: {  	v0 =	vld [tilespmem:s7+$0x140E0]  }
0x45d: {  	[tilespmem:s7+$0x4000] =	vst.add.f32.msk $0xffff, v1  }
0x45e: {  	[tilespmem:s7+$0x4010] =	vst.add.f32.msk $0xffff, v2  }
0x45f: {  	[tilespmem:s7+$0x4020] =	vst.add.f32.msk $0xffff, v3  }
0x460: {  	[tilespmem:s7+$0x4030] =	vst.add.f32.msk $0xffff, v4  }
0x461: {  	[tilespmem:s7+$0x4040] =	vst.add.f32.msk $0xffff, v5  }
0x462: {  	[tilespmem:s7+$0x4050] =	vst.add.f32.msk $0xffff, v6  }
0x463: {  	[tilespmem:s7+$0x4060] =	vst.add.f32.msk $0xffff, v7  }
0x464: {  	[tilespmem:s7+$0x4070] =	vst.add.f32.msk $0xffff, v8  }
0x465: {  	[tilespmem:s7+$0x4080] =	vst.add.f32.msk $0xffff, v9  }
.Ltmp13:
0x466: {  	[tilespmem:s7+$0x4090] =	vst.add.f32.msk $0xffff, v10;
	(pc) =	sbr.rel @p0 .LBB2_28-.Ltmp13, $4  }
0x467: {  	[tilespmem:s7+$0x40A0] =	vst.add.f32.msk $0xffff, v11  }
0x468: {  	[tilespmem:s7+$0x40B0] =	vst.add.f32.msk $0xffff, v12  }
0x469: {  	[tilespmem:s7+$0x40C0] =	vst.add.f32.msk $0xffff, v13  }
0x46a: {  	s9 =	sadd.s32 $0x400, s9;
	[tilespmem:s7+$0x40D0] =	vst.add.f32.msk $0xffff, v14  }
0x46b: {  	[tilespmem:s7+$0x40E0] =	vst.add.f32.msk $0xffff, v0;
	s9 =	simm.s32 $0x0  }
0x46c: {  	[hbm4b:s15+s9] =	stream.linear.scatter [tilespmem:s21], [sflag:$0x6], $0x4000, $0x38;
	[tilespmem:$0x18000] =	vst v63  }
0x46d: {  	_ =	swait.ge [sflag:s24], $0x4000  }
0x46e: {  	[sflag:s24] =	ssyncset.done $0x0  }
0x46f: {  	[sflag:s24] =	ssyncadd.s32 $0xFFFFC000  }
0x470: {  	[tilespmem:s25], [sflag:$0xA] =	stream.linear.gather [hbm4b:s17+s9], $0x4000, $0x38;
	[tilespmem:$0x18000] =	vst v63  }
0x471: {  	_ =	swait.ge [sflag:s0], $0x4000  }
0x472: {  	[sflag:s0] =	ssyncset.done $0x0  }
0x473: {  	s7 =	simm.s32 $0x0;
	[sflag:s0] =	ssyncadd.s32 $0xFFFFC000  }
0x474: {  	v0 =	vld [tilespmem:s7+$0x100F0]  }
0x475: {  	v1 =	vld [tilespmem:s7+$0x10000]  }
0x476: {  	v2 =	vld [tilespmem:s7+$0x10010]  }
0x477: {  	v3 =	vld [tilespmem:s7+$0x10020]  }
0x478: {  	v4 =	vld [tilespmem:s7+$0x10030]  }
0x479: {  	v5 =	vld [tilespmem:s7+$0x10040]  }
0x47a: {  	v6 =	vld [tilespmem:s7+$0x10050]  }
0x47b: {  	v7 =	vld [tilespmem:s7+$0x10060]  }
0x47c: {  	v8 =	vld [tilespmem:s7+$0x10070]  }
0x47d: {  	v9 =	vld [tilespmem:s7+$0x10080]  }
0x47e: {  	v10 =	vld [tilespmem:s7+$0x10090]  }
0x47f: {  	v11 =	vld [tilespmem:s7+$0x100A0]  }
0x480: {  	v12 =	vld [tilespmem:s7+$0x100B0]  }
0x481: {  	v13 =	vld [tilespmem:s7+$0x100C0]  }
0x482: {  	v14 =	vld [tilespmem:s7+$0x100D0]  }
0x483: {  	[tilespmem:s7+$0x80F0] =	vst.add.f32.msk $0xffff, v0  }
0x484: {  	v0 =	vld [tilespmem:s7+$0x100E0]  }
0x485: {  	[tilespmem:s7+$0x8000] =	vst.add.f32.msk $0xffff, v1  }
0x486: {  	[tilespmem:s7+$0x8010] =	vst.add.f32.msk $0xffff, v2  }
0x487: {  	[tilespmem:s7+$0x8020] =	vst.add.f32.msk $0xffff, v3  }
0x488: {  	[tilespmem:s7+$0x8030] =	vst.add.f32.msk $0xffff, v4  }
0x489: {  	[tilespmem:s7+$0x8040] =	vst.add.f32.msk $0xffff, v5  }
0x48a: {  	[tilespmem:s7+$0x8050] =	vst.add.f32.msk $0xffff, v6  }
0x48b: {  	[tilespmem:s7+$0x8060] =	vst.add.f32.msk $0xffff, v7  }
0x48c: {  	[tilespmem:s7+$0x8070] =	vst.add.f32.msk $0xffff, v8  }
0x48d: {  	[tilespmem:s7+$0x8080] =	vst.add.f32.msk $0xffff, v9  }
0x48e: {  	[tilespmem:s7+$0x8090] =	vst.add.f32.msk $0xffff, v10  }
0x48f: {  	[tilespmem:s7+$0x80A0] =	vst.add.f32.msk $0xffff, v11  }
0x490: {  	[tilespmem:s7+$0x80B0] =	vst.add.f32.msk $0xffff, v12  }
0x491: {  	[tilespmem:s7+$0x80C0] =	vst.add.f32.msk $0xffff, v13  }
0x492: {  	s8 =	simm.s32 $0x0;
	s9 =	simm.s32 $0x400;
	[tilespmem:s7+$0x80D0] =	vst.add.f32.msk $0xffff, v14  }
.LBB2_30:
0x493: {  	s8 =	sadd.s32 $0x10, s8;
	[tilespmem:s7+$0x80E0] =	vst.add.f32.msk $0xffff, v0;
	s7 =	sshra.s32 s9, $0x2  }
0x494: {  	v0 =	vld [tilespmem:s7+$0x100F0];
	p0 =	slt.u32 s8, $0x3F0  }
0x495: {  	v1 =	vld [tilespmem:s7+$0x10000]  }
0x496: {  	v2 =	vld [tilespmem:s7+$0x10010]  }
0x497: {  	v3 =	vld [tilespmem:s7+$0x10020]  }
0x498: {  	v4 =	vld [tilespmem:s7+$0x10030]  }
0x499: {  	[tilespmem:s7+$0x80F0] =	vst.add.f32.msk $0xffff, v0  }
0x49a: {  	v5 =	vld [tilespmem:s7+$0x10040]  }
0x49b: {  	v6 =	vld [tilespmem:s7+$0x10050]  }
0x49c: {  	v7 =	vld [tilespmem:s7+$0x10060]  }
0x49d: {  	v8 =	vld [tilespmem:s7+$0x10070]  }
0x49e: {  	v9 =	vld [tilespmem:s7+$0x10080]  }
0x49f: {  	v10 =	vld [tilespmem:s7+$0x10090]  }
0x4a0: {  	v11 =	vld [tilespmem:s7+$0x100A0]  }
0x4a1: {  	v12 =	vld [tilespmem:s7+$0x100B0]  }
0x4a2: {  	v13 =	vld [tilespmem:s7+$0x100C0]  }
0x4a3: {  	v14 =	vld [tilespmem:s7+$0x100D0]  }
0x4a4: {  	v0 =	vld [tilespmem:s7+$0x100E0]  }
0x4a5: {  	[tilespmem:s7+$0x8000] =	vst.add.f32.msk $0xffff, v1  }
0x4a6: {  	[tilespmem:s7+$0x8010] =	vst.add.f32.msk $0xffff, v2  }
0x4a7: {  	[tilespmem:s7+$0x8020] =	vst.add.f32.msk $0xffff, v3  }
0x4a8: {  	[tilespmem:s7+$0x8030] =	vst.add.f32.msk $0xffff, v4  }
0x4a9: {  	[tilespmem:s7+$0x8040] =	vst.add.f32.msk $0xffff, v5  }
0x4aa: {  	[tilespmem:s7+$0x8050] =	vst.add.f32.msk $0xffff, v6  }
0x4ab: {  	[tilespmem:s7+$0x8060] =	vst.add.f32.msk $0xffff, v7  }
0x4ac: {  	[tilespmem:s7+$0x8070] =	vst.add.f32.msk $0xffff, v8  }
0x4ad: {  	[tilespmem:s7+$0x8080] =	vst.add.f32.msk $0xffff, v9  }
.Ltmp14:
0x4ae: {  	[tilespmem:s7+$0x8090] =	vst.add.f32.msk $0xffff, v10;
	(pc) =	sbr.rel @p0 .LBB2_30-.Ltmp14, $4  }
0x4af: {  	[tilespmem:s7+$0x80A0] =	vst.add.f32.msk $0xffff, v11  }
0x4b0: {  	[tilespmem:s7+$0x80B0] =	vst.add.f32.msk $0xffff, v12  }
0x4b1: {  	[tilespmem:s7+$0x80C0] =	vst.add.f32.msk $0xffff, v13  }
0x4b2: {  	s9 =	sadd.s32 $0x400, s9;
	[tilespmem:s7+$0x80D0] =	vst.add.f32.msk $0xffff, v14  }
0x4b3: {  	[tilespmem:s7+$0x80E0] =	vst.add.f32.msk $0xffff, v0;
	s9 =	simm.s32 $0x0  }
0x4b4: {  	[hbm4b:s18+s9] =	stream.linear.scatter [tilespmem:s23], [sflag:$0x7], $0x4000, $0x38;
	[tilespmem:$0x18000] =	vst v63  }
0x4b5: {  	_ =	swait.ge [sflag:s29], $0x4000  }
0x4b6: {  	[sflag:s29] =	ssyncset.done $0x0  }
0x4b7: {  	[sflag:s29] =	ssyncadd.s32 $0xFFFFC000  }
0x4b8: {  	_ =	swait.ge [sflag:s3], $0x4000  }
0x4b9: {  	[sflag:s3] =	ssyncset.done $0x0  }
0x4ba: {  	s7 =	simm.s32 $0x0;
	[sflag:s3] =	ssyncadd.s32 $0xFFFFC000  }
0x4bb: {  	v0 =	vld [tilespmem:s7+$0x140F0]  }
0x4bc: {  	v1 =	vld [tilespmem:s7+$0x14000]  }
0x4bd: {  	v2 =	vld [tilespmem:s7+$0x14010]  }
0x4be: {  	v3 =	vld [tilespmem:s7+$0x14020]  }
0x4bf: {  	v4 =	vld [tilespmem:s7+$0x14030]  }
0x4c0: {  	v5 =	vld [tilespmem:s7+$0x14040]  }
0x4c1: {  	v6 =	vld [tilespmem:s7+$0x14050]  }
0x4c2: {  	v7 =	vld [tilespmem:s7+$0x14060]  }
0x4c3: {  	v8 =	vld [tilespmem:s7+$0x14070]  }
0x4c4: {  	v9 =	vld [tilespmem:s7+$0x14080]  }
0x4c5: {  	v10 =	vld [tilespmem:s7+$0x14090]  }
0x4c6: {  	v11 =	vld [tilespmem:s7+$0x140A0]  }
0x4c7: {  	v12 =	vld [tilespmem:s7+$0x140B0]  }
0x4c8: {  	v13 =	vld [tilespmem:s7+$0x140C0]  }
0x4c9: {  	v14 =	vld [tilespmem:s7+$0x140D0]  }
0x4ca: {  	[tilespmem:s7+$0xC0F0] =	vst.add.f32.msk $0xffff, v0  }
0x4cb: {  	v0 =	vld [tilespmem:s7+$0x140E0]  }
0x4cc: {  	[tilespmem:s7+$0xC000] =	vst.add.f32.msk $0xffff, v1  }
0x4cd: {  	[tilespmem:s7+$0xC010] =	vst.add.f32.msk $0xffff, v2  }
0x4ce: {  	[tilespmem:s7+$0xC020] =	vst.add.f32.msk $0xffff, v3  }
0x4cf: {  	[tilespmem:s7+$0xC030] =	vst.add.f32.msk $0xffff, v4  }
0x4d0: {  	[tilespmem:s7+$0xC040] =	vst.add.f32.msk $0xffff, v5  }
0x4d1: {  	[tilespmem:s7+$0xC050] =	vst.add.f32.msk $0xffff, v6  }
0x4d2: {  	[tilespmem:s7+$0xC060] =	vst.add.f32.msk $0xffff, v7  }
0x4d3: {  	[tilespmem:s7+$0xC070] =	vst.add.f32.msk $0xffff, v8  }
0x4d4: {  	[tilespmem:s7+$0xC080] =	vst.add.f32.msk $0xffff, v9  }
0x4d5: {  	[tilespmem:s7+$0xC090] =	vst.add.f32.msk $0xffff, v10  }
0x4d6: {  	[tilespmem:s7+$0xC0A0] =	vst.add.f32.msk $0xffff, v11  }
0x4d7: {  	[tilespmem:s7+$0xC0B0] =	vst.add.f32.msk $0xffff, v12  }
0x4d8: {  	[tilespmem:s7+$0xC0C0] =	vst.add.f32.msk $0xffff, v13  }
0x4d9: {  	s8 =	simm.s32 $0x0;
	s9 =	simm.s32 $0x400;
	[tilespmem:s7+$0xC0D0] =	vst.add.f32.msk $0xffff, v14  }
.LBB2_32:
0x4da: {  	s8 =	sadd.s32 $0x10, s8;
	[tilespmem:s7+$0xC0E0] =	vst.add.f32.msk $0xffff, v0;
	s7 =	sshra.s32 s9, $0x2  }
0x4db: {  	v0 =	vld [tilespmem:s7+$0x140F0];
	p0 =	slt.u32 s8, $0x3F0  }
0x4dc: {  	v1 =	vld [tilespmem:s7+$0x14000]  }
0x4dd: {  	v2 =	vld [tilespmem:s7+$0x14010]  }
0x4de: {  	v3 =	vld [tilespmem:s7+$0x14020]  }
0x4df: {  	v4 =	vld [tilespmem:s7+$0x14030]  }
0x4e0: {  	[tilespmem:s7+$0xC0F0] =	vst.add.f32.msk $0xffff, v0  }
0x4e1: {  	v5 =	vld [tilespmem:s7+$0x14040]  }
0x4e2: {  	v6 =	vld [tilespmem:s7+$0x14050]  }
0x4e3: {  	v7 =	vld [tilespmem:s7+$0x14060]  }
0x4e4: {  	v8 =	vld [tilespmem:s7+$0x14070]  }
0x4e5: {  	v9 =	vld [tilespmem:s7+$0x14080]  }
0x4e6: {  	v10 =	vld [tilespmem:s7+$0x14090]  }
0x4e7: {  	v11 =	vld [tilespmem:s7+$0x140A0]  }
0x4e8: {  	v12 =	vld [tilespmem:s7+$0x140B0]  }
0x4e9: {  	v13 =	vld [tilespmem:s7+$0x140C0]  }
0x4ea: {  	v14 =	vld [tilespmem:s7+$0x140D0]  }
0x4eb: {  	v0 =	vld [tilespmem:s7+$0x140E0]  }
0x4ec: {  	[tilespmem:s7+$0xC000] =	vst.add.f32.msk $0xffff, v1  }
0x4ed: {  	[tilespmem:s7+$0xC010] =	vst.add.f32.msk $0xffff, v2  }
0x4ee: {  	[tilespmem:s7+$0xC020] =	vst.add.f32.msk $0xffff, v3  }
0x4ef: {  	[tilespmem:s7+$0xC030] =	vst.add.f32.msk $0xffff, v4  }
0x4f0: {  	[tilespmem:s7+$0xC040] =	vst.add.f32.msk $0xffff, v5  }
0x4f1: {  	[tilespmem:s7+$0xC050] =	vst.add.f32.msk $0xffff, v6  }
0x4f2: {  	[tilespmem:s7+$0xC060] =	vst.add.f32.msk $0xffff, v7  }
0x4f3: {  	[tilespmem:s7+$0xC070] =	vst.add.f32.msk $0xffff, v8  }
0x4f4: {  	[tilespmem:s7+$0xC080] =	vst.add.f32.msk $0xffff, v9  }
.Ltmp15:
0x4f5: {  	[tilespmem:s7+$0xC090] =	vst.add.f32.msk $0xffff, v10;
	(pc) =	sbr.rel @p0 .LBB2_32-.Ltmp15, $4  }
0x4f6: {  	[tilespmem:s7+$0xC0A0] =	vst.add.f32.msk $0xffff, v11  }
0x4f7: {  	[tilespmem:s7+$0xC0B0] =	vst.add.f32.msk $0xffff, v12  }
0x4f8: {  	[tilespmem:s7+$0xC0C0] =	vst.add.f32.msk $0xffff, v13  }
0x4f9: {  	s9 =	sadd.s32 $0x400, s9;
	[tilespmem:s7+$0xC0D0] =	vst.add.f32.msk $0xffff, v14  }
0x4fa: {  	[tilespmem:s7+$0xC0E0] =	vst.add.f32.msk $0xffff, v0  }
0x4fb: {  	[hbm4b:s19+s1] =	stream.linear.scatter [tilespmem:s28], [sflag:$0x8], $0x4000, $0x38;
	[tilespmem:$0x18000] =	vst v63  }
0x4fc: {  	_ =	swait.ge [sflag:s31], $0x4000  }
0x4fd: {  	[sflag:s31] =	ssyncset.done $0x0  }
0x4fe: {  	[sflag:s31] =	ssyncadd.s32 $0xFFFFC000  }
0x4ff: {  	_ =	swait.ge [sflag:s2], $0x4000  }
0x500: {  	[sflag:s2] =	ssyncset.done $0x0  }
0x501: {  	s6 =	sadd.s32 $0x1, s6;
	[sflag:s2] =	ssyncadd.s32 $0xFFFFC000  }
0x502: {  	p0 =	sne.s32 s6, s20;
	_ =	swait.ge [sflag:s4], $0x4000  }
.Ltmp16:
0x503: {  	[sflag:s4] =	ssyncset.done $0x0;
	(pc) =	sbr.rel @p0 .LBB2_1-.Ltmp16, $4  }
0x504: {  	[sflag:s4] =	ssyncadd.s32 $0xFFFFC000  }
0x505: {  	_ =	swait.ge [sflag:s5], $0x4000  }
0x506: {  	[sflag:s5] =	ssyncset.done $0x0  }
0x507: {  	[sflag:s5] =	ssyncadd.s32 $0xFFFFC000  }
0x508: {  	_ =	sfence.sel $0x180000  }
0x509: {  	[bflag:$0x0] =	sbarrier.arrive $0xFFFF  }
0x50a: {  	_ =	strace $0x9000004D  }
0x50b: {  	s0 =	stileid.u32;
	[bflag:$0x2] =	sbarrier.arrive $0xFFFF  }
0x50c: {  	p0 =	sne.s32 s0, $0x0;
	s0 =	rddreg [dreg:$0x1]  }
0x50d: {  	s0 =	sadd.s32 @!p0 $0x100000, s0  }
0x50e: {  	[sflag:s0] =	ssyncadd.tile.s32 @!p0 $0x1;
	_ =	shalt  }
.Lfunc_end2:
_tile_overlayer_lowered:
.L_overlay_start_2:
0x50f: {  	(tag) =	ssettag $0x2  }
0x510: {  	s0 =	rddreg [dreg:$0x0];
	s2 =	stileid.u32  }
0x511: {  	s1 =	rddreg [dreg:$0x1];
	p0 =	sne.s32 s2, $0x0  }
0x512: {  	s3 =	rddreg [dreg:$0x2];
	[bflag:$0x3] =	sbarrier.arrive $0xFFFF;
	s2 =	simm.s32 @!p0 $0x1C0B  }
0x513: {  	[timem:s3], [sflag:s2] =	dma.local @!p0 [hbm:s0], s1  }
0x514: {  	s0 =	simm.s32 @!p0 $0xB  }
0x515: {  	_ =	swait.ge @!p0 [sflag:s0], s1  }
0x516: {  	s1 =	ssub.s32 @!p0 $0x0, s1;
	[sflag:s0] =	ssyncset.done @!p0 $0x0  }
0x517: {  	[sflag:s0] =	ssyncadd.s32 @!p0 s1  }
0x518: {  	[bflag:$0x3] =	sbarrier.arrive $0xFFFF  }
0x519: {  	_ =	shalt  }

// kernel: sparse-core-data-format-call.1.cloned.1.call-start
scs
called_computation.1_lowered:
.L_overlay_start_0:
0x0: {  	s2 =	sld [smem:$0x3FD9]  }
0x1: {  	s3 =	sld [smem:$0x3FFE];
	_ =	sdelay $0x1  }
0x2: {  	s1 =	srdreg.scid  }
0x3: {  	s0 =	sand.u32 $0x1, s1  }
0x4: {  	s18 =	sshll.u32 s0, $0xA;
	s2 =	sadd.s32 s3, s2  }
0x5: {  	s2 =	sadd.s32 s2, s18  }
0x6: {  	[smem:$0x3FC6] =	sst s2  }
0x7: {  	_ = 	snop  }
0x8: {  	s2 =	sld [smem:$0x3FD0];
	(tm) =	ssettm $0x1  }
0x9: {  	s19 =	sld [smem:$0x3FFB];
	_ =	sdelay $0x3  }
0xa: {  	_ =	strace s19  }
0xb: {  	s3 =	sld [smem:$0x3FFC];
	_ =	sdelay $0x3  }
0xc: {  	_ =	strace s3  }
0xd: {  	s3 =	sld [smem:$0x3FFD];
	_ =	sdelay $0x3  }
0xe: {  	_ =	strace s3  }
0xf: {  	_ =	strace $0x8FFFFFFF  }
0x10: {  	s20 =	sld [smem:$0x3FDB];
	_ =	sdelay $0x1  }
0x11: {  	s4 =	simm.s32 $_scs_section_size  }
0x12: {  	s5 =	simm.s32 $_size__tile_overlayer_lowered;
	s6 =	simm.s32 $_tile_overlayer_lowered  }
0x13: {  	s23 =	simm.s32 $0x1BFF;
	s22 =	sshll.u32 s6, $0x1;
	s3 =	sadd.s32 s4, s20  }
0x14: {  	s7 =	simm.s32 $0x0;
	s21 =	sshll.u32 s5, $0x1;
	s5 =	sadd.s32 s22, s3  }
0x15: {  	[timem:s7], [sflag:s23] =	dma.local [hbm:s5], s21  }
0x16: {  	_ =	swait.ge [sflag:s23], s21  }
0x17: {  	s4 =	ssub.s32 $0x0, s21;
	[sflag:s23] =	ssyncset.done $0x0  }
0x18: {  	[sflag:s23] =	ssyncadd.s32 s4;
	_ =	sdelay $0x1  }
0x19: {  	s24 =	simm.s32 $0x1B8B  }
0x1a: {  	_ =	swait.ge [sflag:s24], $0x1  }
0x1b: {  	[sflag:s24] =	ssyncset.done $0x0  }
0x1c: {  	s26 =	simm.s32 $0x1B8E;
	s25 =	sld [smem:$0x3FFE];
	[sflag:s24] =	ssyncadd.s32 $0xFFFFFFFF  }
0x1d: {  	s27 =	simm.s32 $execute0_lowered;
	[smem:$0x3FD2] =	sst s26  }
0x1e: {  	s5 =	sshll.u32 s27, $0x1;
	_ =	strace $0x80000046;
	[dreg:$0x1] =	wrdreg $0xFFFFFFFF  }
0x1f: {  	s28 =	simm.s32 $_size_execute0_lowered;
	s3 =	sadd.s32 s3, s5;
	[dreg:$0x0] =	wrdreg $0x0  }
0x20: {  	s5 =	sshll.u32 s28, $0x1;
	[dreg:$0x2] =	wrdreg s3  }
0x21: {  	[dreg:$0x3] =	wrdreg s5  }
0x22: {  	[dreg:$0x4] =	wrdreg $0xC0  }
0x23: {  	_ =	task [dreg:s7], $0x5FFFF  }
0x24: {  	[dreg:$0x1] =	wrdreg $0xFFFFFFFF  }
0x25: {  	[dreg:$0x0] =	wrdreg $0x60  }
0x26: {  	[dreg:$0x2] =	wrdreg s2  }
0x27: {  	[dreg:$0x3] =	wrdreg s25  }
0x28: {  	[dreg:$0x4] =	wrdreg $0xA  }
0x29: {  	_ =	task.clear_ibuf [dreg:s7], $0x5FFFF;
	_ =	strace $0x90000046  }
0x2a: {  	s29 =	simm.s32 $0xA;
	_ =	strace $0x80000048  }
0x2b: {  	_ =	swait.ge [sflag:s29], $0x1  }
0x2c: {  	[sflag:s29] =	ssyncadd.s32 $0xFFFFFFFF  }
0x2d: {  	_ =	strace $0x90000048  }
0x2e: {  	_ =	sfence  }
0x2f: {  	s30 =	sld [smem:$0x0];
	_ =	sdelay $0x2  }
0x30: {  	s31 =	sshll.u32 s1, $0xD;
	s1 =	sshrl.u32 s1, $0x2  }
0x31: {  	s3 =	sand.u32 $0x4000, s31;
	s1 =	sadd.s32 s1, s30  }
0x32: {  	s0 =	sor.u32 s3, s0;
	s1 =	sshll.u32 s1, $0x11  }
0x33: {  	s0 =	sor.u32 s1, s0  }
0x34: {  	s0 =	sadd.s32 $0x8F2B, s0  }
0x35: {  	[sflag:s0] =	ssyncadd.remote.s32 $0x1  }
0x36: {  	_ =	sfence.sel $0xFFFF  }
0x37: {  	[dreg:$0x0] =	wrdreg $0xFFFFFFFF;
	(pc) =	sbr.abs _section_cstart, $3  }
0x38: {  	[dreg:$0x1] =	wrdreg $0xFFFFFFFF  }
0x39: {  	_ =	task.clear_ibuf [dreg:s7], $0x2FFFF;
	_ =	strace $0x9FFFFFFF  }
0x3a: {  	(tm) =	ssettm $0x7FFFFFFF  }
0x3b: {  	_ =	shalt  }
tec
execute0_lowered:
.L_overlay_start_1:
0x0: {  	(tag) =	ssettag $0x1  }
0x1: {  	s2 =	rddreg [dreg:$0x0]  }
0x2: {  	s1 =	rddreg [dreg:$0x1]  }
0x3: {  	s0 =	rddreg [dreg:$0x2];
	_ =	strace $0x80000047;
	s4 =	srdreg.scid  }
.Ltmp0:
0x4: {  	s6 =	simm.s32 $0x2;
	p0 =	por $0x0, $0x0;
	(pc) =	sbr.rel .LBB1_1-.Ltmp0, $4  }
0x5: {  	s9 =	simm.s32 $0x0;
	s3 =	sadd.s32 $0xC00, s1;
	s5 =	sshll.u32 s4, $0x4  }
0x6: {  	s1 =	stileid.u32;
	s4 =	simm.s32 $0x1;
	s5 =	sand.u32 $0x10, s5  }
0x7: {  	s7 =	simm.s32 $0x0;
	[sflag:s4] =	ssyncpa.u1 $0x0;
	s5 =	sor.u32 s1, s5  }
0x8: {  	[sflag:s6] =	ssyncpa.u1 $0x0;
	s6 =	simm.s32 $0x0;
	s8 =	smov.u32 s5  }
.LBB1_7:
0x9: {  	s11 =	sadd.s32 $0x20, s8  }
0xa: {  	p1 =	slt.u32 s7, $0x2;
	s7 =	sadd.s32 $0x1, s7;
	p2 =	sgt.s32 s11, $0x1FF  }
0xb: {  	s11 =	smov.u32 @p2 s5;
	p2 =	sne.s32 s7, $0x12  }
.Ltmp1:
0xc: {  	_ = 	snop;
	(pc) =	sbr.rel @!p2 .LBB1_8-.Ltmp1, $4  }
0xd: {  	s10 =	simm.s32 @!p1 $0x2  }
0xe: {  	_ =	swait.ge @!p1 [sflag:s10], $0x4000  }
0xf: {  	s9 =	smov.u32 s8;
	[sflag:s10] =	ssyncset.done @!p1 $0x0  }
0x10: {  	p0 =	por !p0, !p0;
	s8 =	smov.u32 s11;
	[sflag:s10] =	ssyncadd.s32 @!p1 $0xFFFFC000  }
.LBB1_1:
0x11: {  	p1 =	sgt.u32 s7, $0xF  }
0x12: {  	s10 =	sxor.u32 @!p1 $0xFFFFFFFF, s7  }
0x13: {  	s11 =	sshll.u32 @!p1 s8, $0xB;
	s10 =	sshll.u32 @!p1 s10, $0xE  }
0x14: {  	s12 =	simm.s32 @!p1 $0x0;
	s11 =	sadd.s32 @!p1 s2, s11;
	s10 =	sand.u32 @!p1 $0x4000, s10  }
0x15: {  	[tilespmem:s10], [sflag:$0x1] =	stream.linear.gather @!p1 [hbm4b:s11+s12], $0x4000, $0x38;
	[tilespmem:$0x10000] =	vst v63  }
0x16: {  	p1 =	seq.s32 s7, $0x0  }
0x17: {  	p2 =	seq.s32 @!p1 s7, $0x11  }
0x18: {  	p1 =	por p1, p2  }
.Ltmp2:
0x19: {  	_ = 	snop;
	(pc) =	sbr.rel @p1 .LBB1_7-.Ltmp2, $1  }
0x1a: {  	_ =	sdelay $0x3  }
0x1b: {  	s10 =	simm.s32 $0x1;
	_ =	swait.ge [sflag:s4], $0x4000;
	s12 =	sshll.u32 s7, $0xE  }
0x1c: {  	s13 =	simm.s32 $0x0;
	s10 =	simm.s32 @!p0 $0x0;
	[sflag:s4] =	ssyncset.done $0x0  }
0x1d: {  	s12 =	sand.u32 $0x4000, s12;
	s11 =	sshll.u32 s10, $0xE;
	[sflag:s4] =	ssyncadd.s32 $0xFFFFC000  }
0x1e: {  	s12 =	sor.u32 $0x8000, s12;
	s10 =	sor.u32 $0x8040, s11;
	s11 =	sor.u32 $0x40, s11  }
.LBB1_3:
0x1f: {  	v0 =	vmov s11;
	_ =	sdelay $0x3  }
0x20: {  	s15 =	simm.s32 $0x0  }
0x21: {  	v6 =	vld.idx.msk [tilespmem:v0+s15+$0x30 ss:$0x1], $0xffff  }
0x22: {  	v7 =	vld.idx.msk [tilespmem:v0+s15+$0xFFFFFFC0 ss:$0x1], $0xffff  }
0x23: {  	v5 =	vld.idx.msk [tilespmem:v0+s15+$0xFFFFFFD0 ss:$0x1], $0xffff  }
0x24: {  	v4 =	vld.idx.msk [tilespmem:v0+s15+$0xFFFFFFE0 ss:$0x1], $0xffff  }
0x25: {  	v3 =	vld.idx.msk [tilespmem:v0+s15+$0xFFFFFFF0 ss:$0x1], $0xffff  }
0x26: {  	v1 =	vld.idx.msk [tilespmem:v0+s15+$0x0 ss:$0x1], $0xffff  }
0x27: {  	v2 =	vld.idx.msk [tilespmem:v0+s15+$0x10 ss:$0x1], $0xffff;
	[tilespmem:s10+$0x30] =	vst v6  }
0x28: {  	s14 =	simm.s32 $0x80;
	s16 =	simm.s32 $0x400;
	[tilespmem:s10+$0xFFFFFFC0] =	vst v7;
	v6 =	vld.idx.msk [tilespmem:v0+s15+$0x20 ss:$0x1], $0xffff;
	s15 =	smov.u32 s10  }
.LBB1_4:
0x29: {  	p1 =	sne.s32 s16, $0xE00;
	v7 =	vld.idx.msk [tilespmem:v0+s14+$0x30 ss:$0x1], $0xffff;
	[tilespmem:s15+$0xFFFFFFD0] =	vst v5  }
0x2a: {  	v8 =	vld.idx.msk [tilespmem:v0+s14+$0xFFFFFFC0 ss:$0x1], $0xffff;
	[tilespmem:s15+$0xFFFFFFE0] =	vst v4  }
0x2b: {  	v5 =	vld.idx.msk [tilespmem:v0+s14+$0xFFFFFFD0 ss:$0x1], $0xffff;
	[tilespmem:s15+$0xFFFFFFF0] =	vst v3  }
.Ltmp3:
0x2c: {  	v4 =	vld.idx.msk [tilespmem:v0+s14+$0xFFFFFFE0 ss:$0x1], $0xffff;
	[tilespmem:s15+$0x0] =	vst v1;
	(pc) =	sbr.rel @p1 .LBB1_4-.Ltmp3, $4  }
0x2d: {  	v3 =	vld.idx.msk [tilespmem:v0+s14+$0xFFFFFFF0 ss:$0x1], $0xffff;
	[tilespmem:s15+$0x10] =	vst v2  }
0x2e: {  	v1 =	vld.idx.msk [tilespmem:v0+s14+$0x0 ss:$0x1], $0xffff;
	[tilespmem:s15+$0x20] =	vst v6;
	s15 =	sadd.s32 $0x800, s15  }
0x2f: {  	v2 =	vld.idx.msk [tilespmem:v0+s14+$0x10 ss:$0x1], $0xffff;
	[tilespmem:s15+$0x30] =	vst v7  }
0x30: {  	[tilespmem:s15+$0xFFFFFFC0] =	vst v8;
	v6 =	vld.idx.msk [tilespmem:v0+s14+$0x20 ss:$0x1], $0xffff;
	s14 =	sshra.s32 s16, $0x2;
	s16 =	sadd.s32 $0x200, s16  }
0x31: {  	_ =	sdelay $0x2  }
0x32: {  	[tilespmem:s15+$0xFFFFFFD0] =	vst v5  }
0x33: {  	v56 =	vld.idx.msk [tilespmem:v0+s14+$0x30 ss:$0x1], $0xffff;
	[tilespmem:s15+$0xFFFFFFE0] =	vst v4  }
0x34: {  	v57 =	vld.idx.msk [tilespmem:v0+s14+$0xFFFFFFC0 ss:$0x1], $0xffff;
	[tilespmem:s15+$0xFFFFFFF0] =	vst v3  }
0x35: {  	v58 =	vld.idx.msk [tilespmem:v0+s14+$0xFFFFFFD0 ss:$0x1], $0xffff;
	[tilespmem:s15+$0x0] =	vst v1  }
0x36: {  	v59 =	vld.idx.msk [tilespmem:v0+s14+$0xFFFFFFE0 ss:$0x1], $0xffff;
	[tilespmem:s15+$0x10] =	vst v2  }
0x37: {  	v60 =	vld.idx.msk [tilespmem:v0+s14+$0xFFFFFFF0 ss:$0x1], $0xffff;
	s31 =	sadd.s32 $0x800, s15;
	[tilespmem:s15+$0x20] =	vst v6  }
0x38: {  	v61 =	vld.idx.msk [tilespmem:v0+s14+$0x0 ss:$0x1], $0xffff;
	[tilespmem:s31+$0x30] =	vst v56  }
0x39: {  	v62 =	vld.idx.msk [tilespmem:v0+s14+$0x10 ss:$0x1], $0xffff;
	s13 =	sadd.s32 $0x1, s13;
	[tilespmem:s31+$0xFFFFFFC0] =	vst v57  }
0x3a: {  	v63 =	vld.idx.msk [tilespmem:v0+s14+$0x20 ss:$0x1], $0xffff;
	p1 =	sne.s32 s13, $0x10;
	[tilespmem:s31+$0xFFFFFFD0] =	vst v58  }
.Ltmp4:
0x3b: {  	[tilespmem:s31+$0xFFFFFFE0] =	vst v59;
	(pc) =	sbr.rel @p1 .LBB1_3-.Ltmp4, $4  }
0x3c: {  	[tilespmem:s31+$0xFFFFFFF0] =	vst v60  }
0x3d: {  	[tilespmem:s31+$0x0] =	vst v61  }
0x3e: {  	[tilespmem:s31+$0x10] =	vst v62  }
0x3f: {  	s10 =	sadd.s32 $0x80, s10;
	s11 =	sadd.s32 $0x400, s11;
	[tilespmem:s31+$0x20] =	vst v63  }
.Ltmp5:
0x40: {  	(pc) =	sbr.rel .LBB1_7-.Ltmp5, $4  }
0x41: {  	_ = 	snop  }
0x42: {  	s9 =	sshll.u32 s9, $0xB  }
0x43: {  	s9 =	sadd.s32 s3, s9  }
0x44: {  	[hbm4b:s9+s6] =	stream.linear.scatter [tilespmem:s12], [sflag:$0x2], $0x4000, $0x38;
	[tilespmem:$0x10000] =	vst v63  }
.LBB1_8:
0x45: {  	_ =	sfence.sel $0x180000  }
0x46: {  	s2 =	simm.s32 $0x1;
	[bflag:$0x0] =	sbarrier.arrive $0xFFFF  }
0x47: {  	s31 =	simm.s32 $0x2;
	[sflag:s2] =	ssyncpa.u1 $0x1  }
0x48: {  	[sflag:s31] =	ssyncpa.u1 $0x1  }
0x49: {  	p0 =	sne.s32 s1, $0x0;
	_ =	strace $0x90000047  }
0x4a: {  	s0 =	sadd.s32 @!p0 $0x100000, s0;
	[bflag:$0x2] =	sbarrier.arrive $0xFFFF  }
0x4b: {  	[sflag:s0] =	ssyncadd.tile.s32 @!p0 $0x1;
	_ =	shalt  }
.Lfunc_end1:
_tile_overlayer_lowered:
.L_overlay_start_2:
0x4c: {  	(tag) =	ssettag $0x2  }
0x4d: {  	s0 =	rddreg [dreg:$0x0];
	s2 =	stileid.u32  }
0x4e: {  	s1 =	rddreg [dreg:$0x1];
	p0 =	sne.s32 s2, $0x0  }
0x4f: {  	s3 =	rddreg [dreg:$0x2];
	[bflag:$0x3] =	sbarrier.arrive $0xFFFF;
	s2 =	simm.s32 @!p0 $0x1C01  }
0x50: {  	[timem:s3], [sflag:s2] =	dma.local @!p0 [hbm:s0], s1  }
0x51: {  	s0 =	simm.s32 @!p0 $0x1  }
0x52: {  	_ =	swait.ge @!p0 [sflag:s0], s1  }
0x53: {  	s1 =	ssub.s32 @!p0 $0x0, s1;
	[sflag:s0] =	ssyncset.done @!p0 $0x0  }
0x54: {  	[sflag:s0] =	ssyncadd.s32 @!p0 s1  }
0x55: {  	[bflag:$0x3] =	sbarrier.arrive $0xFFFF  }
0x56: {  	_ =	shalt  }

// kernel: sparse-core-data-format-call.cloned.1.call-start
scs
called_computation_lowered:
.L_overlay_start_0:
0x0: {  	s2 =	sld [smem:$0x3FD9]  }
0x1: {  	s3 =	sld [smem:$0x3FFE];
	_ =	sdelay $0x1  }
0x2: {  	s1 =	srdreg.scid  }
0x3: {  	s0 =	sand.u32 $0x1, s1  }
0x4: {  	s18 =	sshll.u32 s0, $0xA;
	s2 =	sadd.s32 s3, s2  }
0x5: {  	s2 =	sadd.s32 s2, s18  }
0x6: {  	[smem:$0x3FC6] =	sst s2  }
0x7: {  	_ = 	snop  }
0x8: {  	s19 =	sld [smem:$0x3FC8];
	(tm) =	ssettm $0x1  }
0x9: {  	s20 =	sld [smem:$0x3FFB];
	_ =	sdelay $0x3  }
0xa: {  	_ =	strace s20  }
0xb: {  	s2 =	sld [smem:$0x3FFC];
	_ =	sdelay $0x3  }
0xc: {  	_ =	strace s2  }
0xd: {  	s2 =	sld [smem:$0x3FFD];
	_ =	sdelay $0x3  }
0xe: {  	_ =	strace s2  }
0xf: {  	_ =	strace $0x8FFFFFFF  }
0x10: {  	s21 =	sld [smem:$0x3FDB];
	_ =	sdelay $0x1  }
0x11: {  	s4 =	simm.s32 $_scs_section_size  }
0x12: {  	s5 =	simm.s32 $_size__tile_overlayer_lowered;
	s6 =	simm.s32 $_tile_overlayer_lowered  }
0x13: {  	s7 =	simm.s32 $0x1BFF;
	s22 =	sshll.u32 s6, $0x1;
	s4 =	sadd.s32 s4, s21  }
0x14: {  	s23 =	simm.s32 $0x0;
	s5 =	sshll.u32 s5, $0x1;
	s6 =	sadd.s32 s22, s4  }
0x15: {  	[timem:s23], [sflag:s7] =	dma.local [hbm:s6], s5  }
0x16: {  	_ =	swait.ge [sflag:s7], s5  }
0x17: {  	s5 =	ssub.s32 $0x0, s5;
	[sflag:s7] =	ssyncset.done $0x0  }
0x18: {  	[sflag:s7] =	ssyncadd.s32 s5;
	_ =	sdelay $0x1  }
0x19: {  	s24 =	simm.s32 $0x1B8B  }
0x1a: {  	_ =	swait.ge [sflag:s24], $0x1  }
0x1b: {  	[sflag:s24] =	ssyncset.done $0x0  }
0x1c: {  	[sflag:s24] =	ssyncadd.s32 $0xFFFFFFFF  }
0x1d: {  	s5 =	sld [smem:$0x0]  }
0x1e: {  	s6 =	sand.u32 $0xFFFFFFFE, s1  }
0x1f: {  	p0 =	sne.s32 s1, s6  }
0x20: {  	s6 =	sshll.u32 @p0 s6, $0xE  }
0x21: {  	s6 =	sadd.s32 @p0 $0x11B8D, s6;
	s7 =	sshll.u32 @p0 s5, $0x11  }
0x22: {  	s6 =	sor.u32 @p0 s7, s6  }
0x23: {  	[sflag:s6] =	ssyncadd.remote.s32 @p0 $0x1;
	_ =	sdelay $0x1  }
0x24: {  	s6 =	simm.s32 @p0 $0x1B8D  }
0x25: {  	_ =	swait.eq @p0 [sflag:s6], $0x1  }
0x26: {  	[sflag:s6] =	ssyncadd.s32 @p0 $0xFFFFFFFF  }
0x27: {  	s7 =	sshll.u32 @!p0 s1, $0xE  }
0x28: {  	s7 =	sor.u32 @!p0 $0x4000, s7;
	s6 =	simm.s32 @!p0 $0x1B8D  }
0x29: {  	s5 =	sshll.u32 @!p0 s5, $0x11;
	s7 =	sadd.s32 @!p0 $0x11B8D, s7;
	_ =	swait.eq @!p0 [sflag:s6], $0x1  }
0x2a: {  	s5 =	sor.u32 @!p0 s5, s7;
	[sflag:s6] =	ssyncadd.s32 @!p0 $0xFFFFFFFF  }
0x2b: {  	s26 =	simm.s32 $0x1B8E;
	s25 =	sld [smem:$0x3FFE];
	[sflag:s5] =	ssyncadd.remote.s32 @!p0 $0x1  }
0x2c: {  	s27 =	simm.s32 $execute0_lowered;
	[smem:$0x3FD2] =	sst s26  }
0x2d: {  	s6 =	sshll.u32 s27, $0x1;
	_ =	strace $0x80000049;
	[dreg:$0x1] =	wrdreg $0xFFFFFFFF  }
0x2e: {  	s28 =	simm.s32 $_size_execute0_lowered;
	s4 =	sadd.s32 s4, s6;
	[dreg:$0x0] =	wrdreg $0x0  }
0x2f: {  	s6 =	sshll.u32 s28, $0x1;
	[dreg:$0x2] =	wrdreg s4  }
0x30: {  	[dreg:$0x3] =	wrdreg s6  }
0x31: {  	[dreg:$0x4] =	wrdreg $0xC0  }
0x32: {  	_ =	task [dreg:s23], $0x5FFFF  }
0x33: {  	[dreg:$0x1] =	wrdreg $0xFFFFFFFF  }
0x34: {  	[dreg:$0x0] =	wrdreg $0x60  }
0x35: {  	[dreg:$0x2] =	wrdreg s19  }
0x36: {  	[dreg:$0x3] =	wrdreg s25  }
0x37: {  	[dreg:$0x4] =	wrdreg $0x9  }
0x38: {  	_ =	task.clear_ibuf [dreg:s23], $0x5FFFF;
	_ =	strace $0x90000049  }
0x39: {  	s29 =	simm.s32 $0x9;
	_ =	strace $0x8000004B  }
0x3a: {  	_ =	swait.ge [sflag:s29], $0x1  }
0x3b: {  	[sflag:s29] =	ssyncadd.s32 $0xFFFFFFFF  }
0x3c: {  	_ =	strace $0x9000004B  }
0x3d: {  	_ =	sfence  }
0x3e: {  	s30 =	sld [smem:$0x0];
	_ =	sdelay $0x2  }
0x3f: {  	s31 =	sshll.u32 s1, $0xD;
	s1 =	sshrl.u32 s1, $0x2  }
0x40: {  	s4 =	sand.u32 $0x4000, s31;
	s1 =	sadd.s32 s1, s30  }
0x41: {  	s0 =	sor.u32 s4, s0;
	s1 =	sshll.u32 s1, $0x11  }
0x42: {  	s0 =	sor.u32 s1, s0  }
0x43: {  	s0 =	sadd.s32 $0x8F2B, s0  }
0x44: {  	[sflag:s0] =	ssyncadd.remote.s32 $0x1  }
0x45: {  	_ =	sfence.sel $0xFFFF  }
0x46: {  	[dreg:$0x0] =	wrdreg $0xFFFFFFFF;
	(pc) =	sbr.abs _section_cstart, $3  }
0x47: {  	[dreg:$0x1] =	wrdreg $0xFFFFFFFF  }
0x48: {  	_ =	task.clear_ibuf [dreg:s23], $0x2FFFF;
	_ =	strace $0x9FFFFFFF  }
0x49: {  	(tm) =	ssettm $0x7FFFFFFF  }
tec
execute0_lowered:
.L_overlay_start_1:
0x0: {  	(tag) =	ssettag $0x1  }
0x1: {  	s2 =	rddreg [dreg:$0x0]  }
0x2: {  	s1 =	rddreg [dreg:$0x1]  }
0x3: {  	s0 =	rddreg [dreg:$0x2];
	_ =	strace $0x8000004A;
	s4 =	srdreg.scid  }
.Ltmp0:
0x4: {  	s6 =	simm.s32 $0x2;
	p0 =	por $0x0, $0x0;
	(pc) =	sbr.rel .LBB1_1-.Ltmp0, $4  }
0x5: {  	s9 =	simm.s32 $0x0;
	s3 =	sadd.s32 $0x100C00, s1;
	s5 =	sshll.u32 s4, $0x4  }
0x6: {  	s1 =	stileid.u32;
	s4 =	simm.s32 $0x1;
	s5 =	sand.u32 $0x10, s5  }
0x7: {  	s7 =	simm.s32 $0x0;
	[sflag:s4] =	ssyncpa.u1 $0x0;
	s5 =	sor.u32 s1, s5  }
0x8: {  	[sflag:s6] =	ssyncpa.u1 $0x0;
	s6 =	simm.s32 $0x0;
	s8 =	smov.u32 s5  }
.LBB1_7:
0x9: {  	s11 =	sadd.s32 $0x20, s8  }
0xa: {  	p1 =	slt.u32 s7, $0x2;
	s7 =	sadd.s32 $0x1, s7;
	p2 =	sgt.s32 s11, $0x3FF  }
0xb: {  	s11 =	smov.u32 @p2 s5;
	p2 =	sne.s32 s7, $0x22  }
.Ltmp1:
0xc: {  	_ = 	snop;
	(pc) =	sbr.rel @!p2 .LBB1_8-.Ltmp1, $4  }
0xd: {  	s10 =	simm.s32 @!p1 $0x2  }
0xe: {  	_ =	swait.ge @!p1 [sflag:s10], $0x4000  }
0xf: {  	s9 =	smov.u32 s8;
	[sflag:s10] =	ssyncset.done @!p1 $0x0  }
0x10: {  	p0 =	por !p0, !p0;
	s8 =	smov.u32 s11;
	[sflag:s10] =	ssyncadd.s32 @!p1 $0xFFFFC000  }
.LBB1_1:
0x11: {  	p1 =	sgt.u32 s7, $0x1F  }
0x12: {  	s10 =	sxor.u32 @!p1 $0xFFFFFFFF, s7  }
0x13: {  	s11 =	sshll.u32 @!p1 s8, $0xB;
	s10 =	sshll.u32 @!p1 s10, $0xE  }
0x14: {  	s12 =	simm.s32 @!p1 $0x0;
	s11 =	sadd.s32 @!p1 s2, s11;
	s10 =	sand.u32 @!p1 $0x4000, s10  }
0x15: {  	[tilespmem:s10], [sflag:$0x1] =	stream.linear.gather @!p1 [hbm4b:s11+s12], $0x4000, $0x38;
	[tilespmem:$0x10000] =	vst v63  }
0x16: {  	p1 =	seq.s32 s7, $0x0  }
0x17: {  	p2 =	seq.s32 @!p1 s7, $0x21  }
0x18: {  	p1 =	por p1, p2  }
.Ltmp2:
0x19: {  	_ = 	snop;
	(pc) =	sbr.rel @p1 .LBB1_7-.Ltmp2, $1  }
0x1a: {  	_ =	sdelay $0x3  }
0x1b: {  	s10 =	simm.s32 $0x1;
	_ =	swait.ge [sflag:s4], $0x4000;
	s12 =	sshll.u32 s7, $0xE  }
0x1c: {  	s13 =	simm.s32 $0x0;
	s10 =	simm.s32 @!p0 $0x0;
	[sflag:s4] =	ssyncset.done $0x0  }
0x1d: {  	s12 =	sand.u32 $0x4000, s12;
	s11 =	sshll.u32 s10, $0xE;
	[sflag:s4] =	ssyncadd.s32 $0xFFFFC000  }
0x1e: {  	s12 =	sor.u32 $0x8000, s12;
	s10 =	sor.u32 $0x8040, s11;
	s11 =	sor.u32 $0x40, s11  }
.LBB1_3:
0x1f: {  	v0 =	vmov s11;
	_ =	sdelay $0x3  }
0x20: {  	s15 =	simm.s32 $0x0  }
0x21: {  	v6 =	vld.idx.msk [tilespmem:v0+s15+$0x30 ss:$0x1], $0xffff  }
0x22: {  	v7 =	vld.idx.msk [tilespmem:v0+s15+$0xFFFFFFC0 ss:$0x1], $0xffff  }
0x23: {  	v5 =	vld.idx.msk [tilespmem:v0+s15+$0xFFFFFFD0 ss:$0x1], $0xffff  }
0x24: {  	v4 =	vld.idx.msk [tilespmem:v0+s15+$0xFFFFFFE0 ss:$0x1], $0xffff  }
0x25: {  	v3 =	vld.idx.msk [tilespmem:v0+s15+$0xFFFFFFF0 ss:$0x1], $0xffff  }
0x26: {  	v1 =	vld.idx.msk [tilespmem:v0+s15+$0x0 ss:$0x1], $0xffff  }
0x27: {  	v2 =	vld.idx.msk [tilespmem:v0+s15+$0x10 ss:$0x1], $0xffff;
	[tilespmem:s10+$0x30] =	vst v6  }
0x28: {  	s14 =	simm.s32 $0x80;
	s16 =	simm.s32 $0x400;
	[tilespmem:s10+$0xFFFFFFC0] =	vst v7;
	v6 =	vld.idx.msk [tilespmem:v0+s15+$0x20 ss:$0x1], $0xffff;
	s15 =	smov.u32 s10  }
.LBB1_4:
0x29: {  	p1 =	sne.s32 s16, $0xE00;
	v7 =	vld.idx.msk [tilespmem:v0+s14+$0x30 ss:$0x1], $0xffff;
	[tilespmem:s15+$0xFFFFFFD0] =	vst v5  }
0x2a: {  	v8 =	vld.idx.msk [tilespmem:v0+s14+$0xFFFFFFC0 ss:$0x1], $0xffff;
	[tilespmem:s15+$0xFFFFFFE0] =	vst v4  }
0x2b: {  	v5 =	vld.idx.msk [tilespmem:v0+s14+$0xFFFFFFD0 ss:$0x1], $0xffff;
	[tilespmem:s15+$0xFFFFFFF0] =	vst v3  }
.Ltmp3:
0x2c: {  	v4 =	vld.idx.msk [tilespmem:v0+s14+$0xFFFFFFE0 ss:$0x1], $0xffff;
	[tilespmem:s15+$0x0] =	vst v1;
	(pc) =	sbr.rel @p1 .LBB1_4-.Ltmp3, $4  }
0x2d: {  	v3 =	vld.idx.msk [tilespmem:v0+s14+$0xFFFFFFF0 ss:$0x1], $0xffff;
	[tilespmem:s15+$0x10] =	vst v2  }
0x2e: {  	v1 =	vld.idx.msk [tilespmem:v0+s14+$0x0 ss:$0x1], $0xffff;
	[tilespmem:s15+$0x20] =	vst v6;
	s15 =	sadd.s32 $0x800, s15  }
0x2f: {  	v2 =	vld.idx.msk [tilespmem:v0+s14+$0x10 ss:$0x1], $0xffff;
	[tilespmem:s15+$0x30] =	vst v7  }
0x30: {  	[tilespmem:s15+$0xFFFFFFC0] =	vst v8;
	v6 =	vld.idx.msk [tilespmem:v0+s14+$0x20 ss:$0x1], $0xffff;
	s14 =	sshra.s32 s16, $0x2;
	s16 =	sadd.s32 $0x200, s16  }
0x31: {  	_ =	sdelay $0x2  }
0x32: {  	[tilespmem:s15+$0xFFFFFFD0] =	vst v5  }
0x33: {  	v56 =	vld.idx.msk [tilespmem:v0+s14+$0x30 ss:$0x1], $0xffff;
	[tilespmem:s15+$0xFFFFFFE0] =	vst v4  }
0x34: {  	v57 =	vld.idx.msk [tilespmem:v0+s14+$0xFFFFFFC0 ss:$0x1], $0xffff;
	[tilespmem:s15+$0xFFFFFFF0] =	vst v3  }
0x35: {  	v58 =	vld.idx.msk [tilespmem:v0+s14+$0xFFFFFFD0 ss:$0x1], $0xffff;
	[tilespmem:s15+$0x0] =	vst v1  }
0x36: {  	v59 =	vld.idx.msk [tilespmem:v0+s14+$0xFFFFFFE0 ss:$0x1], $0xffff;
	[tilespmem:s15+$0x10] =	vst v2  }
0x37: {  	v60 =	vld.idx.msk [tilespmem:v0+s14+$0xFFFFFFF0 ss:$0x1], $0xffff;
	s31 =	sadd.s32 $0x800, s15;
	[tilespmem:s15+$0x20] =	vst v6  }
0x38: {  	v61 =	vld.idx.msk [tilespmem:v0+s14+$0x0 ss:$0x1], $0xffff;
	[tilespmem:s31+$0x30] =	vst v56  }
0x39: {  	v62 =	vld.idx.msk [tilespmem:v0+s14+$0x10 ss:$0x1], $0xffff;
	s13 =	sadd.s32 $0x1, s13;
	[tilespmem:s31+$0xFFFFFFC0] =	vst v57  }
0x3a: {  	v63 =	vld.idx.msk [tilespmem:v0+s14+$0x20 ss:$0x1], $0xffff;
	p1 =	sne.s32 s13, $0x10;
	[tilespmem:s31+$0xFFFFFFD0] =	vst v58  }
.Ltmp4:
0x3b: {  	[tilespmem:s31+$0xFFFFFFE0] =	vst v59;
	(pc) =	sbr.rel @p1 .LBB1_3-.Ltmp4, $4  }
0x3c: {  	[tilespmem:s31+$0xFFFFFFF0] =	vst v60  }
0x3d: {  	[tilespmem:s31+$0x0] =	vst v61  }
0x3e: {  	[tilespmem:s31+$0x10] =	vst v62  }
0x3f: {  	s10 =	sadd.s32 $0x80, s10;
	s11 =	sadd.s32 $0x400, s11;
	[tilespmem:s31+$0x20] =	vst v63  }
.Ltmp5:
0x40: {  	(pc) =	sbr.rel .LBB1_7-.Ltmp5, $4  }
0x41: {  	_ = 	snop  }
0x42: {  	s9 =	sshll.u32 s9, $0xB  }
0x43: {  	s9 =	sadd.s32 s3, s9  }
0x44: {  	[hbm4b:s9+s6] =	stream.linear.scatter [tilespmem:s12], [sflag:$0x2], $0x4000, $0x38;
	[tilespmem:$0x10000] =	vst v63  }
.LBB1_8:
0x45: {  	_ =	sfence.sel $0x180000  }
0x46: {  	s2 =	simm.s32 $0x1;
	[bflag:$0x0] =	sbarrier.arrive $0xFFFF  }
0x47: {  	s31 =	simm.s32 $0x2;
	[sflag:s2] =	ssyncpa.u1 $0x1  }
0x48: {  	[sflag:s31] =	ssyncpa.u1 $0x1  }
0x49: {  	p0 =	sne.s32 s1, $0x0;
	_ =	strace $0x9000004A  }
0x4a: {  	s0 =	sadd.s32 @!p0 $0x100000, s0;
	[bflag:$0x2] =	sbarrier.arrive $0xFFFF  }
0x4b: {  	[sflag:s0] =	ssyncadd.tile.s32 @!p0 $0x1;
	_ =	shalt  }
.Lfunc_end1:
_tile_overlayer_lowered:
.L_overlay_start_2:
0x4c: {  	(tag) =	ssettag $0x2  }
0x4d: {  	s0 =	rddreg [dreg:$0x0];
	s2 =	stileid.u32  }
0x4e: {  	s1 =	rddreg [dreg:$0x1];
	p0 =	sne.s32 s2, $0x0  }
0x4f: {  	s3 =	rddreg [dreg:$0x2];
	[bflag:$0x3] =	sbarrier.arrive $0xFFFF;
	s2 =	simm.s32 @!p0 $0x1C01  }
0x50: {  	[timem:s3], [sflag:s2] =	dma.local @!p0 [hbm:s0], s1  }
0x51: {  	s0 =	simm.s32 @!p0 $0x1  }
0x52: {  	_ =	swait.ge @!p0 [sflag:s0], s1  }
0x53: {  	s1 =	ssub.s32 @!p0 $0x0, s1;
	[sflag:s0] =	ssyncset.done @!p0 $0x0  }
0x54: {  	[sflag:s0] =	ssyncadd.s32 @!p0 s1  }
0x55: {  	[bflag:$0x3] =	sbarrier.arrive $0xFFFF  }
0x56: {  	_ =	shalt  }

</sc_bundles>
